<compile_context>
chip_gen: v7x
topology: tpu7x:2x2x1
jax: 0.10.2.dev20260603
libtpu: 0.0.44.dev20260713+nightly
codegen_flags: <defaults>
</compile_context>

<pallas_src>
import functools

import jax
import jax.numpy as jnp
from jax import lax
from jax.experimental import pallas as pl
from jax.experimental.pallas import tpu as pltpu
from jax.experimental.pallas import tpu_sc as plsc

B = 4
N = 8192
F = 1024
NC = 2
NS = 16
NW = NC * NS
ROWS_PER_W = N // NW
C = 32
NK = ROWS_PER_W // C

_MESH = plsc.VectorSubcoreMesh(core_axis_name="c", subcore_axis_name="s")


@functools.partial(
    pl.kernel,
    mesh=_MESH,
    out_type=jax.ShapeDtypeStruct((B, N, F), jnp.float32),
    scratch_types=[
        pltpu.VMEM((2, C, F), jnp.float32),
        pltpu.SemaphoreType.DMA,
        pltpu.SemaphoreType.DMA,
    ],
)
def _sc_broadcast(table_hbm, out_hbm, buf, sem_in, sem_out):
    wid = lax.axis_index("s") * NC + lax.axis_index("c")
    base = wid * ROWS_PER_W

    pltpu.async_copy(table_hbm.at[pl.ds(base, C), :], buf.at[0], sem_in)
    for k in range(NK):
        slot = k % 2
        r0 = base + k * C
        pltpu.make_async_copy(
            table_hbm.at[pl.ds(r0, C), :], buf.at[slot], sem_in
        ).wait()
        if k > 0:
            for b in range(B):
                pltpu.make_async_copy(
                    buf.at[1 - slot],
                    out_hbm.at[b, pl.ds(r0 - C, C), :],
                    sem_out,
                ).wait()
        if k + 1 < NK:
            pltpu.async_copy(
                table_hbm.at[pl.ds(r0 + C, C), :], buf.at[1 - slot], sem_in
            )
        for b in range(B):
            pltpu.async_copy(
                buf.at[slot], out_hbm.at[b, pl.ds(r0, C), :], sem_out
            )
    last = base + (NK - 1) * C
    for b in range(B):
        pltpu.make_async_copy(
            buf.at[(NK - 1) % 2], out_hbm.at[b, pl.ds(last, C), :], sem_out
        ).wait()


def kernel(batch_size, table):
    del batch_size
    return _sc_broadcast(table)

# --- scband reference (transcript-rebuilt; emitter-appended) ---
"""Pipeline reference for scband-learned-positional-embedding-83184926589113 (READ-ONLY COPY).

The authoritative reference and input builder live on the scoring server;
editing this copy changes nothing except your own understanding.
"""

import jax, jax.numpy as jnp
import numpy as np

NUM_EMBEDDINGS = 8192
FEATURES = 1024
BATCH_SIZE = 4

def setup_inputs(seed: int = 0) -> dict:
    key = jax.random.key(seed)
    table = jax.random.normal(key, (NUM_EMBEDDINGS, FEATURES), dtype=jnp.float32) * 0.02
    return {"batch_size": BATCH_SIZE, "table": table}

def reference(batch_size, table):
    # pos = arange(num_embeddings), repeated across batch
    pos = jnp.arange(NUM_EMBEDDINGS)
    pos = pos + (batch_size - batch_size)
    pos = jnp.broadcast_to(pos[None, :], (BATCH_SIZE, NUM_EMBEDDINGS))  # [B, num_embeddings]
    # nn.Embed lookup == table gather
    out = jnp.take(table, pos, axis=0)  # [B, num_embeddings, features]
    return out

if __name__ == "__main__":
    import jax
    _d = setup_inputs()
    print(jax.jit(kernel)(*tuple(_d.values())))

</pallas_src>

<mosaic_0001>
#map = affine_map<(d0, d1) -> (0, 0)>
#map1 = affine_map<(d0, d1) -> (0, 0, 0)>
module attributes {stable_mosaic.version = 14 : i64} {
  func.func @_sc_broadcast(%arg0: i32, %arg1: i32, %arg2: memref<8192x1024xf32, #tpu.memory_space<hbm>>, %arg3: memref<4x8192x1024xf32, #tpu.memory_space<hbm>>, %arg4: memref<2x32x1024xf32, #tpu.memory_space<vmem>>, %arg5: memref<!tpu.dma_semaphore, #tpu.memory_space<semaphore_mem>>, %arg6: memref<!tpu.dma_semaphore, #tpu.memory_space<semaphore_mem>>) attributes {dimension_semantics = [#tpu.dimension_semantics<core_parallel>, #tpu.dimension_semantics<subcore_parallel>], iteration_bounds = array<i64: 2, 16>, scalar_prefetch = 0 : i64, scratch_operands = 3 : i64, tpu.core_type = #tpu.core_type<sc_vector_subcore>, window_params = [{transform_indices = #map}, {transform_indices = #map1}]} {
    %mul3A = arith.constant 2 : i32
    %mul3A_0 = arith.muli %arg1, %mul3A : i32
    %add3A = arith.addi %mul3A_0, %arg0 : i32
    %mul3A_1 = arith.constant 256 : i32
    %mul3A_2 = arith.muli %add3A, %mul3A_1 : i32
    %dma_start3A = arith.constant 0 : i32
    %dma_start3A_3 = arith.constant 0 : i32
    %dma_start3A_4 = arith.constant 0 : i32
    %dma_start3A_5 = tpu.memref_slice %arg4[%dma_start3A, %dma_start3A_3, %dma_start3A_4] : memref<2x32x1024xf32, #tpu.memory_space<vmem>> -> memref<1x32x1024xf32, #tpu.memory_space<vmem>>
    %dma_start3A_6 = tpu.memref_squeeze %dma_start3A_5 : memref<1x32x1024xf32, #tpu.memory_space<vmem>> -> memref<32x1024xf32, #tpu.memory_space<vmem>>
    %dma_start3A_7 = arith.constant 0 : i32
    %dma_start3A_8 = tpu.memref_slice %arg2[%mul3A_2, %dma_start3A_7] : memref<8192x1024xf32, #tpu.memory_space<hbm>> -> memref<32x1024xf32, #tpu.memory_space<hbm>>
    %dma_start3A_9 = arith.constant 0 : i32
    %dma_start3A_10 = arith.constant 0 : i32
    %dma_start3A_11 = tpu.memref_slice %arg4[%dma_start3A, %dma_start3A_9, %dma_start3A_10] : memref<2x32x1024xf32, #tpu.memory_space<vmem>> -> memref<1x32x1024xf32, #tpu.memory_space<vmem>>
    %dma_start3A_12 = tpu.memref_squeeze %dma_start3A_11 : memref<1x32x1024xf32, #tpu.memory_space<vmem>> -> memref<32x1024xf32, #tpu.memory_space<vmem>>
    %dma_start3A_13 = arith.constant 0 : i32
    %dma_start3A_14 = tpu.memref_slice %arg2[%mul3A_2, %dma_start3A_13] : memref<8192x1024xf32, #tpu.memory_space<hbm>> -> memref<32x1024xf32, #tpu.memory_space<hbm>>
    tpu.enqueue_dma source(%dma_start3A_14 : memref<32x1024xf32, #tpu.memory_space<hbm>>) target(%dma_start3A_12 : memref<32x1024xf32, #tpu.memory_space<vmem>>) target_semaphore(%arg5 : memref<!tpu.dma_semaphore, #tpu.memory_space<semaphore_mem>>)
    %add3A_15 = arith.constant 0 : i32
    %add3A_16 = arith.addi %mul3A_2, %add3A_15 : i32
    %dma_wait3A = arith.constant 0 : i32
    %dma_wait3A_17 = arith.constant 0 : i32
    %dma_wait3A_18 = arith.constant 0 : i32
    %dma_wait3A_19 = tpu.memref_slice %arg4[%dma_wait3A, %dma_wait3A_17, %dma_wait3A_18] : memref<2x32x1024xf32, #tpu.memory_space<vmem>> -> memref<1x32x1024xf32, #tpu.memory_space<vmem>>
    %dma_wait3A_20 = tpu.memref_squeeze %dma_wait3A_19 : memref<1x32x1024xf32, #tpu.memory_space<vmem>> -> memref<32x1024xf32, #tpu.memory_space<vmem>>
    %dma_wait3A_21 = arith.constant 0 : i32
    %dma_wait3A_22 = tpu.memref_slice %arg2[%add3A_16, %dma_wait3A_21] : memref<8192x1024xf32, #tpu.memory_space<hbm>> -> memref<32x1024xf32, #tpu.memory_space<hbm>>
    %dma_wait3A_23 = arith.constant 0 : i32
    %dma_wait3A_24 = arith.constant 0 : i32
    %dma_wait3A_25 = tpu.memref_slice %arg4[%dma_wait3A, %dma_wait3A_23, %dma_wait3A_24] : memref<2x32x1024xf32, #tpu.memory_space<vmem>> -> memref<1x32x1024xf32, #tpu.memory_space<vmem>>
    %dma_wait3A_26 = tpu.memref_squeeze %dma_wait3A_25 : memref<1x32x1024xf32, #tpu.memory_space<vmem>> -> memref<32x1024xf32, #tpu.memory_space<vmem>>
    %dma_wait3A_27 = arith.constant 0 : i32
    %dma_wait3A_28 = tpu.memref_slice %arg2[%add3A_16, %dma_wait3A_27] : memref<8192x1024xf32, #tpu.memory_space<hbm>> -> memref<32x1024xf32, #tpu.memory_space<hbm>>
    tpu.wait_dma2 semaphore(%arg5 : memref<!tpu.dma_semaphore, #tpu.memory_space<semaphore_mem>>) src(%dma_wait3A_28 : memref<32x1024xf32, #tpu.memory_space<hbm>>) dst(%dma_wait3A_26 : memref<32x1024xf32, #tpu.memory_space<vmem>>)
    %add3A_29 = arith.constant 32 : i32
    %add3A_30 = arith.addi %add3A_16, %add3A_29 : i32
    %dma_start3A_31 = arith.constant 1 : i32
    %dma_start3A_32 = arith.constant 0 : i32
    %dma_start3A_33 = arith.constant 0 : i32
    %dma_start3A_34 = tpu.memref_slice %arg4[%dma_start3A_31, %dma_start3A_32, %dma_start3A_33] : memref<2x32x1024xf32, #tpu.memory_space<vmem>> -> memref<1x32x1024xf32, #tpu.memory_space<vmem>>
    %dma_start3A_35 = tpu.memref_squeeze %dma_start3A_34 : memref<1x32x1024xf32, #tpu.memory_space<vmem>> -> memref<32x1024xf32, #tpu.memory_space<vmem>>
    %dma_start3A_36 = arith.constant 0 : i32
    %dma_start3A_37 = tpu.memref_slice %arg2[%add3A_30, %dma_start3A_36] : memref<8192x1024xf32, #tpu.memory_space<hbm>> -> memref<32x1024xf32, #tpu.memory_space<hbm>>
    %dma_start3A_38 = arith.constant 0 : i32
    %dma_start3A_39 = arith.constant 0 : i32
    %dma_start3A_40 = tpu.memref_slice %arg4[%dma_start3A_31, %dma_start3A_38, %dma_start3A_39] : memref<2x32x1024xf32, #tpu.memory_space<vmem>> -> memref<1x32x1024xf32, #tpu.memory_space<vmem>>
    %dma_start3A_41 = tpu.memref_squeeze %dma_start3A_40 : memref<1x32x1024xf32, #tpu.memory_space<vmem>> -> memref<32x1024xf32, #tpu.memory_space<vmem>>
    %dma_start3A_42 = arith.constant 0 : i32
    %dma_start3A_43 = tpu.memref_slice %arg2[%add3A_30, %dma_start3A_42] : memref<8192x1024xf32, #tpu.memory_space<hbm>> -> memref<32x1024xf32, #tpu.memory_space<hbm>>
    tpu.enqueue_dma source(%dma_start3A_43 : memref<32x1024xf32, #tpu.memory_space<hbm>>) target(%dma_start3A_41 : memref<32x1024xf32, #tpu.memory_space<vmem>>) target_semaphore(%arg5 : memref<!tpu.dma_semaphore, #tpu.memory_space<semaphore_mem>>)
    %dma_start3A_44 = arith.constant 0 : i32
    %dma_start3A_45 = arith.constant 0 : i32
    %dma_start3A_46 = arith.constant 0 : i32
    %dma_start3A_47 = arith.constant 0 : i32
    %dma_start3A_48 = tpu.memref_slice %arg4[%dma_start3A_44, %dma_start3A_46, %dma_start3A_47] : memref<2x32x1024xf32, #tpu.memory_space<vmem>> -> memref<1x32x1024xf32, #tpu.memory_space<vmem>>
    %dma_start3A_49 = tpu.memref_squeeze %dma_start3A_48 : memref<1x32x1024xf32, #tpu.memory_space<vmem>> -> memref<32x1024xf32, #tpu.memory_space<vmem>>
    %dma_start3A_50 = arith.constant 0 : i32
    %dma_start3A_51 = tpu.memref_slice %arg3[%dma_start3A_45, %add3A_16, %dma_start3A_50] : memref<4x8192x1024xf32, #tpu.memory_space<hbm>> -> memref<1x32x1024xf32, #tpu.memory_space<hbm>>
    %dma_start3A_52 = tpu.memref_squeeze %dma_start3A_51 : memref<1x32x1024xf32, #tpu.memory_space<hbm>> -> memref<32x1024xf32, #tpu.memory_space<hbm>>
    %dma_start3A_53 = arith.constant 0 : i32
    %dma_start3A_54 = tpu.memref_slice %arg3[%dma_start3A_45, %add3A_16, %dma_start3A_53] : memref<4x8192x1024xf32, #tpu.memory_space<hbm>> -> memref<1x32x1024xf32, #tpu.memory_space<hbm>>
    %dma_start3A_55 = tpu.memref_squeeze %dma_start3A_54 : memref<1x32x1024xf32, #tpu.memory_space<hbm>> -> memref<32x1024xf32, #tpu.memory_space<hbm>>
    %dma_start3A_56 = arith.constant 0 : i32
    %dma_start3A_57 = arith.constant 0 : i32
    %dma_start3A_58 = tpu.memref_slice %arg4[%dma_start3A_44, %dma_start3A_56, %dma_start3A_57] : memref<2x32x1024xf32, #tpu.memory_space<vmem>> -> memref<1x32x1024xf32, #tpu.memory_space<vmem>>
    %dma_start3A_59 = tpu.memref_squeeze %dma_start3A_58 : memref<1x32x1024xf32, #tpu.memory_space<vmem>> -> memref<32x1024xf32, #tpu.memory_space<vmem>>
    tpu.enqueue_dma source(%dma_start3A_59 : memref<32x1024xf32, #tpu.memory_space<vmem>>) target(%dma_start3A_55 : memref<32x1024xf32, #tpu.memory_space<hbm>>) target_semaphore(%arg6 : memref<!tpu.dma_semaphore, #tpu.memory_space<semaphore_mem>>)
    %dma_start3A_60 = arith.constant 0 : i32
    %dma_start3A_61 = arith.constant 1 : i32
    %dma_start3A_62 = arith.constant 0 : i32
    %dma_start3A_63 = arith.constant 0 : i32
    %dma_start3A_64 = tpu.memref_slice %arg4[%dma_start3A_60, %dma_start3A_62, %dma_start3A_63] : memref<2x32x1024xf32, #tpu.memory_space<vmem>> -> memref<1x32x1024xf32, #tpu.memory_space<vmem>>
    %dma_start3A_65 = tpu.memref_squeeze %dma_start3A_64 : memref<1x32x1024xf32, #tpu.memory_space<vmem>> -> memref<32x1024xf32, #tpu.memory_space<vmem>>
    %dma_start3A_66 = arith.constant 0 : i32
    %dma_start3A_67 = tpu.memref_slice %arg3[%dma_start3A_61, %add3A_16, %dma_start3A_66] : memref<4x8192x1024xf32, #tpu.memory_space<hbm>> -> memref<1x32x1024xf32, #tpu.memory_space<hbm>>
    %dma_start3A_68 = tpu.memref_squeeze %dma_start3A_67 : memref<1x32x1024xf32, #tpu.memory_space<hbm>> -> memref<32x1024xf32, #tpu.memory_space<hbm>>
    %dma_start3A_69 = arith.constant 0 : i32
    %dma_start3A_70 = tpu.memref_slice %arg3[%dma_start3A_61, %add3A_16, %dma_start3A_69] : memref<4x8192x1024xf32, #tpu.memory_space<hbm>> -> memref<1x32x1024xf32, #tpu.memory_space<hbm>>
    %dma_start3A_71 = tpu.memref_squeeze %dma_start3A_70 : memref<1x32x1024xf32, #tpu.memory_space<hbm>> -> memref<32x1024xf32, #tpu.memory_space<hbm>>
    %dma_start3A_72 = arith.constant 0 : i32
    %dma_start3A_73 = arith.constant 0 : i32
    %dma_start3A_74 = tpu.memref_slice %arg4[%dma_start3A_60, %dma_start3A_72, %dma_start3A_73] : memref<2x32x1024xf32, #tpu.memory_space<vmem>> -> memref<1x32x1024xf32, #tpu.memory_space<vmem>>
    %dma_start3A_75 = tpu.memref_squeeze %dma_start3A_74 : memref<1x32x1024xf32, #tpu.memory_space<vmem>> -> memref<32x1024xf32, #tpu.memory_space<vmem>>
    tpu.enqueue_dma source(%dma_start3A_75 : memref<32x1024xf32, #tpu.memory_space<vmem>>) target(%dma_start3A_71 : memref<32x1024xf32, #tpu.memory_space<hbm>>) target_semaphore(%arg6 : memref<!tpu.dma_semaphore, #tpu.memory_space<semaphore_mem>>)
    %dma_start3A_76 = arith.constant 0 : i32
    %dma_start3A_77 = arith.constant 2 : i32
    %dma_start3A_78 = arith.constant 0 : i32
    %dma_start3A_79 = arith.constant 0 : i32
    %dma_start3A_80 = tpu.memref_slice %arg4[%dma_start3A_76, %dma_start3A_78, %dma_start3A_79] : memref<2x32x1024xf32, #tpu.memory_space<vmem>> -> memref<1x32x1024xf32, #tpu.memory_space<vmem>>
    %dma_start3A_81 = tpu.memref_squeeze %dma_start3A_80 : memref<1x32x1024xf32, #tpu.memory_space<vmem>> -> memref<32x1024xf32, #tpu.memory_space<vmem>>
    %dma_start3A_82 = arith.constant 0 : i32
    %dma_start3A_83 = tpu.memref_slice %arg3[%dma_start3A_77, %add3A_16, %dma_start3A_82] : memref<4x8192x1024xf32, #tpu.memory_space<hbm>> -> memref<1x32x1024xf32, #tpu.memory_space<hbm>>
    %dma_start3A_84 = tpu.memref_squeeze %dma_start3A_83 : memref<1x32x1024xf32, #tpu.memory_space<hbm>> -> memref<32x1024xf32, #tpu.memory_space<hbm>>
    %dma_start3A_85 = arith.constant 0 : i32
    %dma_start3A_86 = tpu.memref_slice %arg3[%dma_start3A_77, %add3A_16, %dma_start3A_85] : memref<4x8192x1024xf32, #tpu.memory_space<hbm>> -> memref<1x32x1024xf32, #tpu.memory_space<hbm>>
    %dma_start3A_87 = tpu.memref_squeeze %dma_start3A_86 : memref<1x32x1024xf32, #tpu.memory_space<hbm>> -> memref<32x1024xf32, #tpu.memory_space<hbm>>
    %dma_start3A_88 = arith.constant 0 : i32
    %dma_start3A_89 = arith.constant 0 : i32
    %dma_start3A_90 = tpu.memref_slice %arg4[%dma_start3A_76, %dma_start3A_88, %dma_start3A_89] : memref<2x32x1024xf32, #tpu.memory_space<vmem>> -> memref<1x32x1024xf32, #tpu.memory_space<vmem>>
    %dma_start3A_91 = tpu.memref_squeeze %dma_start3A_90 : memref<1x32x1024xf32, #tpu.memory_space<vmem>> -> memref<32x1024xf32, #tpu.memory_space<vmem>>
    tpu.enqueue_dma source(%dma_start3A_91 : memref<32x1024xf32, #tpu.memory_space<vmem>>) target(%dma_start3A_87 : memref<32x1024xf32, #tpu.memory_space<hbm>>) target_semaphore(%arg6 : memref<!tpu.dma_semaphore, #tpu.memory_space<semaphore_mem>>)
    %dma_start3A_92 = arith.constant 0 : i32
    %dma_start3A_93 = arith.constant 3 : i32
    %dma_start3A_94 = arith.constant 0 : i32
    %dma_start3A_95 = arith.constant 0 : i32
    %dma_start3A_96 = tpu.memref_slice %arg4[%dma_start3A_92, %dma_start3A_94, %dma_start3A_95] : memref<2x32x1024xf32, #tpu.memory_space<vmem>> -> memref<1x32x1024xf32, #tpu.memory_space<vmem>>
    %dma_start3A_97 = tpu.memref_squeeze %dma_start3A_96 : memref<1x32x1024xf32, #tpu.memory_space<vmem>> -> memref<32x1024xf32, #tpu.memory_space<vmem>>
    %dma_start3A_98 = arith.constant 0 : i32
    %dma_start3A_99 = tpu.memref_slice %arg3[%dma_start3A_93, %add3A_16, %dma_start3A_98] : memref<4x8192x1024xf32, #tpu.memory_space<hbm>> -> memref<1x32x1024xf32, #tpu.memory_space<hbm>>
    %dma_start3A_100 = tpu.memref_squeeze %dma_start3A_99 : memref<1x32x1024xf32, #tpu.memory_space<hbm>> -> memref<32x1024xf32, #tpu.memory_space<hbm>>
    %dma_start3A_101 = arith.constant 0 : i32
    %dma_start3A_102 = tpu.memref_slice %arg3[%dma_start3A_93, %add3A_16, %dma_start3A_101] : memref<4x8192x1024xf32, #tpu.memory_space<hbm>> -> memref<1x32x1024xf32, #tpu.memory_space<hbm>>
    %dma_start3A_103 = tpu.memref_squeeze %dma_start3A_102 : memref<1x32x1024xf32, #tpu.memory_space<hbm>> -> memref<32x1024xf32, #tpu.memory_space<hbm>>
    %dma_start3A_104 = arith.constant 0 : i32
    %dma_start3A_105 = arith.constant 0 : i32
    %dma_start3A_106 = tpu.memref_slice %arg4[%dma_start3A_92, %dma_start3A_104, %dma_start3A_105] : memref<2x32x1024xf32, #tpu.memory_space<vmem>> -> memref<1x32x1024xf32, #tpu.memory_space<vmem>>
    %dma_start3A_107 = tpu.memref_squeeze %dma_start3A_106 : memref<1x32x1024xf32, #tpu.memory_space<vmem>> -> memref<32x1024xf32, #tpu.memory_space<vmem>>
    tpu.enqueue_dma source(%dma_start3A_107 : memref<32x1024xf32, #tpu.memory_space<vmem>>) target(%dma_start3A_103 : memref<32x1024xf32, #tpu.memory_space<hbm>>) target_semaphore(%arg6 : memref<!tpu.dma_semaphore, #tpu.memory_space<semaphore_mem>>)
    %add3A_108 = arith.constant 32 : i32
    %add3A_109 = arith.addi %mul3A_2, %add3A_108 : i32
    %dma_wait3A_110 = arith.constant 1 : i32
    %dma_wait3A_111 = arith.constant 0 : i32
    %dma_wait3A_112 = arith.constant 0 : i32
    %dma_wait3A_113 = tpu.memref_slice %arg4[%dma_wait3A_110, %dma_wait3A_111, %dma_wait3A_112] : memref<2x32x1024xf32, #tpu.memory_space<vmem>> -> memref<1x32x1024xf32, #tpu.memory_space<vmem>>
    %dma_wait3A_114 = tpu.memref_squeeze %dma_wait3A_113 : memref<1x32x1024xf32, #tpu.memory_space<vmem>> -> memref<32x1024xf32, #tpu.memory_space<vmem>>
    %dma_wait3A_115 = arith.constant 0 : i32
    %dma_wait3A_116 = tpu.memref_slice %arg2[%add3A_109, %dma_wait3A_115] : memref<8192x1024xf32, #tpu.memory_space<hbm>> -> memref<32x1024xf32, #tpu.memory_space<hbm>>
    %dma_wait3A_117 = arith.constant 0 : i32
    %dma_wait3A_118 = arith.constant 0 : i32
    %dma_wait3A_119 = tpu.memref_slice %arg4[%dma_wait3A_110, %dma_wait3A_117, %dma_wait3A_118] : memref<2x32x1024xf32, #tpu.memory_space<vmem>> -> memref<1x32x1024xf32, #tpu.memory_space<vmem>>
    %dma_wait3A_120 = tpu.memref_squeeze %dma_wait3A_119 : memref<1x32x1024xf32, #tpu.memory_space<vmem>> -> memref<32x1024xf32, #tpu.memory_space<vmem>>
    %dma_wait3A_121 = arith.constant 0 : i32
    %dma_wait3A_122 = tpu.memref_slice %arg2[%add3A_109, %dma_wait3A_121] : memref<8192x1024xf32, #tpu.memory_space<hbm>> -> memref<32x1024xf32, #tpu.memory_space<hbm>>
    tpu.wait_dma2 semaphore(%arg5 : memref<!tpu.dma_semaphore, #tpu.memory_space<semaphore_mem>>) src(%dma_wait3A_122 : memref<32x1024xf32, #tpu.memory_space<hbm>>) dst(%dma_wait3A_120 : memref<32x1024xf32, #tpu.memory_space<vmem>>)
    %sub3A = arith.constant 32 : i32
    %sub3A_123 = arith.subi %add3A_109, %sub3A : i32
    %dma_wait3A_124 = arith.constant 0 : i32
    %dma_wait3A_125 = arith.constant 0 : i32
    %dma_wait3A_126 = arith.constant 0 : i32
    %dma_wait3A_127 = arith.constant 0 : i32
    %dma_wait3A_128 = tpu.memref_slice %arg4[%dma_wait3A_124, %dma_wait3A_126, %dma_wait3A_127] : memref<2x32x1024xf32, #tpu.memory_space<vmem>> -> memref<1x32x1024xf32, #tpu.memory_space<vmem>>
    %dma_wait3A_129 = tpu.memref_squeeze %dma_wait3A_128 : memref<1x32x1024xf32, #tpu.memory_space<vmem>> -> memref<32x1024xf32, #tpu.memory_space<vmem>>
    %dma_wait3A_130 = arith.constant 0 : i32
    %dma_wait3A_131 = tpu.memref_slice %arg3[%dma_wait3A_125, %sub3A_123, %dma_wait3A_130] : memref<4x8192x1024xf32, #tpu.memory_space<hbm>> -> memref<1x32x1024xf32, #tpu.memory_space<hbm>>
    %dma_wait3A_132 = tpu.memref_squeeze %dma_wait3A_131 : memref<1x32x1024xf32, #tpu.memory_space<hbm>> -> memref<32x1024xf32, #tpu.memory_space<hbm>>
    %dma_wait3A_133 = arith.constant 0 : i32
    %dma_wait3A_134 = tpu.memref_slice %arg3[%dma_wait3A_125, %sub3A_123, %dma_wait3A_133] : memref<4x8192x1024xf32, #tpu.memory_space<hbm>> -> memref<1x32x1024xf32, #tpu.memory_space<hbm>>
    %dma_wait3A_135 = tpu.memref_squeeze %dma_wait3A_134 : memref<1x32x1024xf32, #tpu.memory_space<hbm>> -> memref<32x1024xf32, #tpu.memory_space<hbm>>
    %dma_wait3A_136 = arith.constant 0 : i32
    %dma_wait3A_137 = arith.constant 0 : i32
    %dma_wait3A_138 = tpu.memref_slice %arg4[%dma_wait3A_124, %dma_wait3A_136, %dma_wait3A_137] : memref<2x32x1024xf32, #tpu.memory_space<vmem>> -> memref<1x32x1024xf32, #tpu.memory_space<vmem>>
    %dma_wait3A_139 = tpu.memref_squeeze %dma_wait3A_138 : memref<1x32x1024xf32, #tpu.memory_space<vmem>> -> memref<32x1024xf32, #tpu.memory_space<vmem>>
    tpu.wait_dma2 semaphore(%arg6 : memref<!tpu.dma_semaphore, #tpu.memory_space<semaphore_mem>>) src(%dma_wait3A_139 : memref<32x1024xf32, #tpu.memory_space<vmem>>) dst(%dma_wait3A_135 : memref<32x1024xf32, #tpu.memory_space<hbm>>)
    %sub3A_140 = arith.constant 32 : i32
    %sub3A_141 = arith.subi %add3A_109, %sub3A_140 : i32
    %dma_wait3A_142 = arith.constant 0 : i32
    %dma_wait3A_143 = arith.constant 1 : i32
    %dma_wait3A_144 = arith.constant 0 : i32
    %dma_wait3A_145 = arith.constant 0 : i32
    %dma_wait3A_146 = tpu.memref_slice %arg4[%dma_wait3A_142, %dma_wait3A_144, %dma_wait3A_145] : memref<2x32x1024xf32, #tpu.memory_space<vmem>> -> memref<1x32x1024xf32, #tpu.memory_space<vmem>>
    %dma_wait3A_147 = tpu.memref_squeeze %dma_wait3A_146 : memref<1x32x1024xf32, #tpu.memory_space<vmem>> -> memref<32x1024xf32, #tpu.memory_space<vmem>>
    %dma_wait3A_148 = arith.constant 0 : i32
    %dma_wait3A_149 = tpu.memref_slice %arg3[%dma_wait3A_143, %sub3A_141, %dma_wait3A_148] : memref<4x8192x1024xf32, #tpu.memory_space<hbm>> -> memref<1x32x1024xf32, #tpu.memory_space<hbm>>
    %dma_wait3A_150 = tpu.memref_squeeze %dma_wait3A_149 : memref<1x32x1024xf32, #tpu.memory_space<hbm>> -> memref<32x1024xf32, #tpu.memory_space<hbm>>
    %dma_wait3A_151 = arith.constant 0 : i32
    %dma_wait3A_152 = tpu.memref_slice %arg3[%dma_wait3A_143, %sub3A_141, %dma_wait3A_151] : memref<4x8192x1024xf32, #tpu.memory_space<hbm>> -> memref<1x32x1024xf32, #tpu.memory_space<hbm>>
    %dma_wait3A_153 = tpu.memref_squeeze %dma_wait3A_152 : memref<1x32x1024xf32, #tpu.memory_space<hbm>> -> memref<32x1024xf32, #tpu.memory_space<hbm>>
    %dma_wait3A_154 = arith.constant 0 : i32
    %dma_wait3A_155 = arith.constant 0 : i32
    %dma_wait3A_156 = tpu.memref_slice %arg4[%dma_wait3A_142, %dma_wait3A_154, %dma_wait3A_155] : memref<2x32x1024xf32, #tpu.memory_space<vmem>> -> memref<1x32x1024xf32, #tpu.memory_space<vmem>>
    %dma_wait3A_157 = tpu.memref_squeeze %dma_wait3A_156 : memref<1x32x1024xf32, #tpu.memory_space<vmem>> -> memref<32x1024xf32, #tpu.memory_space<vmem>>
    tpu.wait_dma2 semaphore(%arg6 : memref<!tpu.dma_semaphore, #tpu.memory_space<semaphore_mem>>) src(%dma_wait3A_157 : memref<32x1024xf32, #tpu.memory_space<vmem>>) dst(%dma_wait3A_153 : memref<32x1024xf32, #tpu.memory_space<hbm>>)
    %sub3A_158 = arith.constant 32 : i32
    %sub3A_159 = arith.subi %add3A_109, %sub3A_158 : i32
    %dma_wait3A_160 = arith.constant 0 : i32
    %dma_wait3A_161 = arith.constant 2 : i32
    %dma_wait3A_162 = arith.constant 0 : i32
    %dma_wait3A_163 = arith.constant 0 : i32
    %dma_wait3A_164 = tpu.memref_slice %arg4[%dma_wait3A_160, %dma_wait3A_162, %dma_wait3A_163] : memref<2x32x1024xf32, #tpu.memory_space<vmem>> -> memref<1x32x1024xf32, #tpu.memory_space<vmem>>
    %dma_wait3A_165 = tpu.memref_squeeze %dma_wait3A_164 : memref<1x32x1024xf32, #tpu.memory_space<vmem>> -> memref<32x1024xf32, #tpu.memory_space<vmem>>
    %dma_wait3A_166 = arith.constant 0 : i32
    %dma_wait3A_167 = tpu.memref_slice %arg3[%dma_wait3A_161, %sub3A_159, %dma_wait3A_166] : memref<4x8192x1024xf32, #tpu.memory_space<hbm>> -> memref<1x32x1024xf32, #tpu.memory_space<hbm>>
    %dma_wait3A_168 = tpu.memref_squeeze %dma_wait3A_167 : memref<1x32x1024xf32, #tpu.memory_space<hbm>> -> memref<32x1024xf32, #tpu.memory_space<hbm>>
    %dma_wait3A_169 = arith.constant 0 : i32
    %dma_wait3A_170 = tpu.memref_slice %arg3[%dma_wait3A_161, %sub3A_159, %dma_wait3A_169] : memref<4x8192x1024xf32, #tpu.memory_space<hbm>> -> memref<1x32x1024xf32, #tpu.memory_space<hbm>>
    %dma_wait3A_171 = tpu.memref_squeeze %dma_wait3A_170 : memref<1x32x1024xf32, #tpu.memory_space<hbm>> -> memref<32x1024xf32, #tpu.memory_space<hbm>>
    %dma_wait3A_172 = arith.constant 0 : i32
    %dma_wait3A_173 = arith.constant 0 : i32
    %dma_wait3A_174 = tpu.memref_slice %arg4[%dma_wait3A_160, %dma_wait3A_172, %dma_wait3A_173] : memref<2x32x1024xf32, #tpu.memory_space<vmem>> -> memref<1x32x1024xf32, #tpu.memory_space<vmem>>
    %dma_wait3A_175 = tpu.memref_squeeze %dma_wait3A_174 : memref<1x32x1024xf32, #tpu.memory_space<vmem>> -> memref<32x1024xf32, #tpu.memory_space<vmem>>
    tpu.wait_dma2 semaphore(%arg6 : memref<!tpu.dma_semaphore, #tpu.memory_space<semaphore_mem>>) src(%dma_wait3A_175 : memref<32x1024xf32, #tpu.memory_space<vmem>>) dst(%dma_wait3A_171 : memref<32x1024xf32, #tpu.memory_space<hbm>>)
    %sub3A_176 = arith.constant 32 : i32
    %sub3A_177 = arith.subi %add3A_109, %sub3A_176 : i32
    %dma_wait3A_178 = arith.constant 0 : i32
    %dma_wait3A_179 = arith.constant 3 : i32
    %dma_wait3A_180 = arith.constant 0 : i32
    %dma_wait3A_181 = arith.constant 0 : i32
    %dma_wait3A_182 = tpu.memref_slice %arg4[%dma_wait3A_178, %dma_wait3A_180, %dma_wait3A_181] : memref<2x32x1024xf32, #tpu.memory_space<vmem>> -> memref<1x32x1024xf32, #tpu.memory_space<vmem>>
    %dma_wait3A_183 = tpu.memref_squeeze %dma_wait3A_182 : memref<1x32x1024xf32, #tpu.memory_space<vmem>> -> memref<32x1024xf32, #tpu.memory_space<vmem>>
    %dma_wait3A_184 = arith.constant 0 : i32
    %dma_wait3A_185 = tpu.memref_slice %arg3[%dma_wait3A_179, %sub3A_177, %dma_wait3A_184] : memref<4x8192x1024xf32, #tpu.memory_space<hbm>> -> memref<1x32x1024xf32, #tpu.memory_space<hbm>>
    %dma_wait3A_186 = tpu.memref_squeeze %dma_wait3A_185 : memref<1x32x1024xf32, #tpu.memory_space<hbm>> -> memref<32x1024xf32, #tpu.memory_space<hbm>>
    %dma_wait3A_187 = arith.constant 0 : i32
    %dma_wait3A_188 = tpu.memref_slice %arg3[%dma_wait3A_179, %sub3A_177, %dma_wait3A_187] : memref<4x8192x1024xf32, #tpu.memory_space<hbm>> -> memref<1x32x1024xf32, #tpu.memory_space<hbm>>
    %dma_wait3A_189 = tpu.memref_squeeze %dma_wait3A_188 : memref<1x32x1024xf32, #tpu.memory_space<hbm>> -> memref<32x1024xf32, #tpu.memory_space<hbm>>
    %dma_wait3A_190 = arith.constant 0 : i32
    %dma_wait3A_191 = arith.constant 0 : i32
    %dma_wait3A_192 = tpu.memref_slice %arg4[%dma_wait3A_178, %dma_wait3A_190, %dma_wait3A_191] : memref<2x32x1024xf32, #tpu.memory_space<vmem>> -> memref<1x32x1024xf32, #tpu.memory_space<vmem>>
    %dma_wait3A_193 = tpu.memref_squeeze %dma_wait3A_192 : memref<1x32x1024xf32, #tpu.memory_space<vmem>> -> memref<32x1024xf32, #tpu.memory_space<vmem>>
    tpu.wait_dma2 semaphore(%arg6 : memref<!tpu.dma_semaphore, #tpu.memory_space<semaphore_mem>>) src(%dma_wait3A_193 : memref<32x1024xf32, #tpu.memory_space<vmem>>) dst(%dma_wait3A_189 : memref<32x1024xf32, #tpu.memory_space<hbm>>)
    %add3A_194 = arith.constant 32 : i32
    %add3A_195 = arith.addi %add3A_109, %add3A_194 : i32
    %dma_start3A_196 = arith.constant 0 : i32
    %dma_start3A_197 = arith.constant 0 : i32
    %dma_start3A_198 = arith.constant 0 : i32
    %dma_start3A_199 = tpu.memref_slice %arg4[%dma_start3A_196, %dma_start3A_197, %dma_start3A_198] : memref<2x32x1024xf32, #tpu.memory_space<vmem>> -> memref<1x32x1024xf32, #tpu.memory_space<vmem>>
    %dma_start3A_200 = tpu.memref_squeeze %dma_start3A_199 : memref<1x32x1024xf32, #tpu.memory_space<vmem>> -> memref<32x1024xf32, #tpu.memory_space<vmem>>
    %dma_start3A_201 = arith.constant 0 : i32
    %dma_start3A_202 = tpu.memref_slice %arg2[%add3A_195, %dma_start3A_201] : memref<8192x1024xf32, #tpu.memory_space<hbm>> -> memref<32x1024xf32, #tpu.memory_space<hbm>>
    %dma_start3A_203 = arith.constant 0 : i32
    %dma_start3A_204 = arith.constant 0 : i32
    %dma_start3A_205 = tpu.memref_slice %arg4[%dma_start3A_196, %dma_start3A_203, %dma_start3A_204] : memref<2x32x1024xf32, #tpu.memory_space<vmem>> -> memref<1x32x1024xf32, #tpu.memory_space<vmem>>
    %dma_start3A_206 = tpu.memref_squeeze %dma_start3A_205 : memref<1x32x1024xf32, #tpu.memory_space<vmem>> -> memref<32x1024xf32, #tpu.memory_space<vmem>>
    %dma_start3A_207 = arith.constant 0 : i32
    %dma_start3A_208 = tpu.memref_slice %arg2[%add3A_195, %dma_start3A_207] : memref<8192x1024xf32, #tpu.memory_space<hbm>> -> memref<32x1024xf32, #tpu.memory_space<hbm>>
    tpu.enqueue_dma source(%dma_start3A_208 : memref<32x1024xf32, #tpu.memory_space<hbm>>) target(%dma_start3A_206 : memref<32x1024xf32, #tpu.memory_space<vmem>>) target_semaphore(%arg5 : memref<!tpu.dma_semaphore, #tpu.memory_space<semaphore_mem>>)
    %dma_start3A_209 = arith.constant 1 : i32
    %dma_start3A_210 = arith.constant 0 : i32
    %dma_start3A_211 = arith.constant 0 : i32
    %dma_start3A_212 = arith.constant 0 : i32
    %dma_start3A_213 = tpu.memref_slice %arg4[%dma_start3A_209, %dma_start3A_211, %dma_start3A_212] : memref<2x32x1024xf32, #tpu.memory_space<vmem>> -> memref<1x32x1024xf32, #tpu.memory_space<vmem>>
    %dma_start3A_214 = tpu.memref_squeeze %dma_start3A_213 : memref<1x32x1024xf32, #tpu.memory_space<vmem>> -> memref<32x1024xf32, #tpu.memory_space<vmem>>
    %dma_start3A_215 = arith.constant 0 : i32
    %dma_start3A_216 = tpu.memref_slice %arg3[%dma_start3A_210, %add3A_109, %dma_start3A_215] : memref<4x8192x1024xf32, #tpu.memory_space<hbm>> -> memref<1x32x1024xf32, #tpu.memory_space<hbm>>
    %dma_start3A_217 = tpu.memref_squeeze %dma_start3A_216 : memref<1x32x1024xf32, #tpu.memory_space<hbm>> -> memref<32x1024xf32, #tpu.memory_space<hbm>>
    %dma_start3A_218 = arith.constant 0 : i32
    %dma_start3A_219 = tpu.memref_slice %arg3[%dma_start3A_210, %add3A_109, %dma_start3A_218] : memref<4x8192x1024xf32, #tpu.memory_space<hbm>> -> memref<1x32x1024xf32, #tpu.memory_space<hbm>>
    %dma_start3A_220 = tpu.memref_squeeze %dma_start3A_219 : memref<1x32x1024xf32, #tpu.memory_space<hbm>> -> memref<32x1024xf32, #tpu.memory_space<hbm>>
    %dma_start3A_221 = arith.constant 0 : i32
    %dma_start3A_222 = arith.constant 0 : i32
    %dma_start3A_223 = tpu.memref_slice %arg4[%dma_start3A_209, %dma_start3A_221, %dma_start3A_222] : memref<2x32x1024xf32, #tpu.memory_space<vmem>> -> memref<1x32x1024xf32, #tpu.memory_space<vmem>>
    %dma_start3A_224 = tpu.memref_squeeze %dma_start3A_223 : memref<1x32x1024xf32, #tpu.memory_space<vmem>> -> memref<32x1024xf32, #tpu.memory_space<vmem>>
    tpu.enqueue_dma source(%dma_start3A_224 : memref<32x1024xf32, #tpu.memory_space<vmem>>) target(%dma_start3A_220 : memref<32x1024xf32, #tpu.memory_space<hbm>>) target_semaphore(%arg6 : memref<!tpu.dma_semaphore, #tpu.memory_space<semaphore_mem>>)
    %dma_start3A_225 = arith.constant 1 : i32
    %dma_start3A_226 = arith.constant 1 : i32
    %dma_start3A_227 = arith.constant 0 : i32
    %dma_start3A_228 = arith.constant 0 : i32
    %dma_start3A_229 = tpu.memref_slice %arg4[%dma_start3A_225, %dma_start3A_227, %dma_start3A_228] : memref<2x32x1024xf32, #tpu.memory_space<vmem>> -> memref<1x32x1024xf32, #tpu.memory_space<vmem>>
    %dma_start3A_230 = tpu.memref_squeeze %dma_start3A_229 : memref<1x32x1024xf32, #tpu.memory_space<vmem>> -> memref<32x1024xf32, #tpu.memory_space<vmem>>
    %dma_start3A_231 = arith.constant 0 : i32
    %dma_start3A_232 = tpu.memref_slice %arg3[%dma_start3A_226, %add3A_109, %dma_start3A_231] : memref<4x8192x1024xf32, #tpu.memory_space<hbm>> -> memref<1x32x1024xf32, #tpu.memory_space<hbm>>
    %dma_start3A_233 = tpu.memref_squeeze %dma_start3A_232 : memref<1x32x1024xf32, #tpu.memory_space<hbm>> -> memref<32x1024xf32, #tpu.memory_space<hbm>>
    %dma_start3A_234 = arith.constant 0 : i32
    %dma_start3A_235 = tpu.memref_slice %arg3[%dma_start3A_226, %add3A_109, %dma_start3A_234] : memref<4x8192x1024xf32, #tpu.memory_space<hbm>> -> memref<1x32x1024xf32, #tpu.memory_space<hbm>>
    %dma_start3A_236 = tpu.memref_squeeze %dma_start3A_235 : memref<1x32x1024xf32, #tpu.memory_space<hbm>> -> memref<32x1024xf32, #tpu.memory_space<hbm>>
    %dma_start3A_237 = arith.constant 0 : i32
    %dma_start3A_238 = arith.constant 0 : i32
    %dma_start3A_239 = tpu.memref_slice %arg4[%dma_start3A_225, %dma_start3A_237, %dma_start3A_238] : memref<2x32x1024xf32, #tpu.memory_space<vmem>> -> memref<1x32x1024xf32, #tpu.memory_space<vmem>>
    %dma_start3A_240 = tpu.memref_squeeze %dma_start3A_239 : memref<1x32x1024xf32, #tpu.memory_space<vmem>> -> memref<32x1024xf32, #tpu.memory_space<vmem>>
    tpu.enqueue_dma source(%dma_start3A_240 : memref<32x1024xf32, #tpu.memory_space<vmem>>) target(%dma_start3A_236 : memref<32x1024xf32, #tpu.memory_space<hbm>>) target_semaphore(%arg6 : memref<!tpu.dma_semaphore, #tpu.memory_space<semaphore_mem>>)
    %dma_start3A_241 = arith.constant 1 : i32
    %dma_start3A_242 = arith.constant 2 : i32
    %dma_start3A_243 = arith.constant 0 : i32
    %dma_start3A_244 = arith.constant 0 : i32
    %dma_start3A_245 = tpu.memref_slice %arg4[%dma_start3A_241, %dma_start3A_243, %dma_start3A_244] : memref<2x32x1024xf32, #tpu.memory_space<vmem>> -> memref<1x32x1024xf32, #tpu.memory_space<vmem>>
    %dma_start3A_246 = tpu.memref_squeeze %dma_start3A_245 : memref<1x32x1024xf32, #tpu.memory_space<vmem>> -> memref<32x1024xf32, #tpu.memory_space<vmem>>
    %dma_start3A_247 = arith.constant 0 : i32
    %dma_start3A_248 = tpu.memref_slice %arg3[%dma_start3A_242, %add3A_109, %dma_start3A_247] : memref<4x8192x1024xf32, #tpu.memory_space<hbm>> -> memref<1x32x1024xf32, #tpu.memory_space<hbm>>
    %dma_start3A_249 = tpu.memref_squeeze %dma_start3A_248 : memref<1x32x1024xf32, #tpu.memory_space<hbm>> -> memref<32x1024xf32, #tpu.memory_space<hbm>>
    %dma_start3A_250 = arith.constant 0 : i32
    %dma_start3A_251 = tpu.memref_slice %arg3[%dma_start3A_242, %add3A_109, %dma_start3A_250] : memref<4x8192x1024xf32, #tpu.memory_space<hbm>> -> memref<1x32x1024xf32, #tpu.memory_space<hbm>>
    %dma_start3A_252 = tpu.memref_squeeze %dma_start3A_251 : memref<1x32x1024xf32, #tpu.memory_space<hbm>> -> memref<32x1024xf32, #tpu.memory_space<hbm>>
    %dma_start3A_253 = arith.constant 0 : i32
    %dma_start3A_254 = arith.constant 0 : i32
    %dma_start3A_255 = tpu.memref_slice %arg4[%dma_start3A_241, %dma_start3A_253, %dma_start3A_254] : memref<2x32x1024xf32, #tpu.memory_space<vmem>> -> memref<1x32x1024xf32, #tpu.memory_space<vmem>>
    %dma_start3A_256 = tpu.memref_squeeze %dma_start3A_255 : memref<1x32x1024xf32, #tpu.memory_space<vmem>> -> memref<32x1024xf32, #tpu.memory_space<vmem>>
    tpu.enqueue_dma source(%dma_start3A_256 : memref<32x1024xf32, #tpu.memory_space<vmem>>) target(%dma_start3A_252 : memref<32x1024xf32, #tpu.memory_space<hbm>>) target_semaphore(%arg6 : memref<!tpu.dma_semaphore, #tpu.memory_space<semaphore_mem>>)
    %dma_start3A_257 = arith.constant 1 : i32
    %dma_start3A_258 = arith.constant 3 : i32
    %dma_start3A_259 = arith.constant 0 : i32
    %dma_start3A_260 = arith.constant 0 : i32
    %dma_start3A_261 = tpu.memref_slice %arg4[%dma_start3A_257, %dma_start3A_259, %dma_start3A_260] : memref<2x32x1024xf32, #tpu.memory_space<vmem>> -> memref<1x32x1024xf32, #tpu.memory_space<vmem>>
    %dma_start3A_262 = tpu.memref_squeeze %dma_start3A_261 : memref<1x32x1024xf32, #tpu.memory_space<vmem>> -> memref<32x1024xf32, #tpu.memory_space<vmem>>
    %dma_start3A_263 = arith.constant 0 : i32
    %dma_start3A_264 = tpu.memref_slice %arg3[%dma_start3A_258, %add3A_109, %dma_start3A_263] : memref<4x8192x1024xf32, #tpu.memory_space<hbm>> -> memref<1x32x1024xf32, #tpu.memory_space<hbm>>
    %dma_start3A_265 = tpu.memref_squeeze %dma_start3A_264 : memref<1x32x1024xf32, #tpu.memory_space<hbm>> -> memref<32x1024xf32, #tpu.memory_space<hbm>>
    %dma_start3A_266 = arith.constant 0 : i32
    %dma_start3A_267 = tpu.memref_slice %arg3[%dma_start3A_258, %add3A_109, %dma_start3A_266] : memref<4x8192x1024xf32, #tpu.memory_space<hbm>> -> memref<1x32x1024xf32, #tpu.memory_space<hbm>>
    %dma_start3A_268 = tpu.memref_squeeze %dma_start3A_267 : memref<1x32x1024xf32, #tpu.memory_space<hbm>> -> memref<32x1024xf32, #tpu.memory_space<hbm>>
    %dma_start3A_269 = arith.constant 0 : i32
    %dma_start3A_270 = arith.constant 0 : i32
    %dma_start3A_271 = tpu.memref_slice %arg4[%dma_start3A_257, %dma_start3A_269, %dma_start3A_270] : memref<2x32x1024xf32, #tpu.memory_space<vmem>> -> memref<1x32x1024xf32, #tpu.memory_space<vmem>>
    %dma_start3A_272 = tpu.memref_squeeze %dma_start3A_271 : memref<1x32x1024xf32, #tpu.memory_space<vmem>> -> memref<32x1024xf32, #tpu.memory_space<vmem>>
    tpu.enqueue_dma source(%dma_start3A_272 : memref<32x1024xf32, #tpu.memory_space<vmem>>) target(%dma_start3A_268 : memref<32x1024xf32, #tpu.memory_space<hbm>>) target_semaphore(%arg6 : memref<!tpu.dma_semaphore, #tpu.memory_space<semaphore_mem>>)
    %add3A_273 = arith.constant 64 : i32
    %add3A_274 = arith.addi %mul3A_2, %add3A_273 : i32
    %dma_wait3A_275 = arith.constant 0 : i32
    %dma_wait3A_276 = arith.constant 0 : i32
    %dma_wait3A_277 = arith.constant 0 : i32
    %dma_wait3A_278 = tpu.memref_slice %arg4[%dma_wait3A_275, %dma_wait3A_276, %dma_wait3A_277] : memref<2x32x1024xf32, #tpu.memory_space<vmem>> -> memref<1x32x1024xf32, #tpu.memory_space<vmem>>
    %dma_wait3A_279 = tpu.memref_squeeze %dma_wait3A_278 : memref<1x32x1024xf32, #tpu.memory_space<vmem>> -> memref<32x1024xf32, #tpu.memory_space<vmem>>
    %dma_wait3A_280 = arith.constant 0 : i32
    %dma_wait3A_281 = tpu.memref_slice %arg2[%add3A_274, %dma_wait3A_280] : memref<8192x1024xf32, #tpu.memory_space<hbm>> -> memref<32x1024xf32, #tpu.memory_space<hbm>>
    %dma_wait3A_282 = arith.constant 0 : i32
    %dma_wait3A_283 = arith.constant 0 : i32
    %dma_wait3A_284 = tpu.memref_slice %arg4[%dma_wait3A_275, %dma_wait3A_282, %dma_wait3A_283] : memref<2x32x1024xf32, #tpu.memory_space<vmem>> -> memref<1x32x1024xf32, #tpu.memory_space<vmem>>
    %dma_wait3A_285 = tpu.memref_squeeze %dma_wait3A_284 : memref<1x32x1024xf32, #tpu.memory_space<vmem>> -> memref<32x1024xf32, #tpu.memory_space<vmem>>
    %dma_wait3A_286 = arith.constant 0 : i32
    %dma_wait3A_287 = tpu.memref_slice %arg2[%add3A_274, %dma_wait3A_286] : memref<8192x1024xf32, #tpu.memory_space<hbm>> -> memref<32x1024xf32, #tpu.memory_space<hbm>>
    tpu.wait_dma2 semaphore(%arg5 : memref<!tpu.dma_semaphore, #tpu.memory_space<semaphore_mem>>) src(%dma_wait3A_287 : memref<32x1024xf32, #tpu.memory_space<hbm>>) dst(%dma_wait3A_285 : memref<32x1024xf32, #tpu.memory_space<vmem>>)
    %sub3A_288 = arith.constant 32 : i32
    %sub3A_289 = arith.subi %add3A_274, %sub3A_288 : i32
    %dma_wait3A_290 = arith.constant 1 : i32
    %dma_wait3A_291 = arith.constant 0 : i32
    %dma_wait3A_292 = arith.constant 0 : i32
    %dma_wait3A_293 = arith.constant 0 : i32
    %dma_wait3A_294 = tpu.memref_slice %arg4[%dma_wait3A_290, %dma_wait3A_292, %dma_wait3A_293] : memref<2x32x1024xf32, #tpu.memory_space<vmem>> -> memref<1x32x1024xf32, #tpu.memory_space<vmem>>
    %dma_wait3A_295 = tpu.memref_squeeze %dma_wait3A_294 : memref<1x32x1024xf32, #tpu.memory_space<vmem>> -> memref<32x1024xf32, #tpu.memory_space<vmem>>
    %dma_wait3A_296 = arith.constant 0 : i32
    %dma_wait3A_297 = tpu.memref_slice %arg3[%dma_wait3A_291, %sub3A_289, %dma_wait3A_296] : memref<4x8192x1024xf32, #tpu.memory_space<hbm>> -> memref<1x32x1024xf32, #tpu.memory_space<hbm>>
    %dma_wait3A_298 = tpu.memref_squeeze %dma_wait3A_297 : memref<1x32x1024xf32, #tpu.memory_space<hbm>> -> memref<32x1024xf32, #tpu.memory_space<hbm>>
    %dma_wait3A_299 = arith.constant 0 : i32
    %dma_wait3A_300 = tpu.memref_slice %arg3[%dma_wait3A_291, %sub3A_289, %dma_wait3A_299] : memref<4x8192x1024xf32, #tpu.memory_space<hbm>> -> memref<1x32x1024xf32, #tpu.memory_space<hbm>>
    %dma_wait3A_301 = tpu.memref_squeeze %dma_wait3A_300 : memref<1x32x1024xf32, #tpu.memory_space<hbm>> -> memref<32x1024xf32, #tpu.memory_space<hbm>>
    %dma_wait3A_302 = arith.constant 0 : i32
    %dma_wait3A_303 = arith.constant 0 : i32
    %dma_wait3A_304 = tpu.memref_slice %arg4[%dma_wait3A_290, %dma_wait3A_302, %dma_wait3A_303] : memref<2x32x1024xf32, #tpu.memory_space<vmem>> -> memref<1x32x1024xf32, #tpu.memory_space<vmem>>
    %dma_wait3A_305 = tpu.memref_squeeze %dma_wait3A_304 : memref<1x32x1024xf32, #tpu.memory_space<vmem>> -> memref<32x1024xf32, #tpu.memory_space<vmem>>
    tpu.wait_dma2 semaphore(%arg6 : memref<!tpu.dma_semaphore, #tpu.memory_space<semaphore_mem>>) src(%dma_wait3A_305 : memref<32x1024xf32, #tpu.memory_space<vmem>>) dst(%dma_wait3A_301 : memref<32x1024xf32, #tpu.memory_space<hbm>>)
    %sub3A_306 = arith.constant 32 : i32
    %sub3A_307 = arith.subi %add3A_274, %sub3A_306 : i32
    %dma_wait3A_308 = arith.constant 1 : i32
    %dma_wait3A_309 = arith.constant 1 : i32
    %dma_wait3A_310 = arith.constant 0 : i32
    %dma_wait3A_311 = arith.constant 0 : i32
    %dma_wait3A_312 = tpu.memref_slice %arg4[%dma_wait3A_308, %dma_wait3A_310, %dma_wait3A_311] : memref<2x32x1024xf32, #tpu.memory_space<vmem>> -> memref<1x32x1024xf32, #tpu.memory_space<vmem>>
    %dma_wait3A_313 = tpu.memref_squeeze %dma_wait3A_312 : memref<1x32x1024xf32, #tpu.memory_space<vmem>> -> memref<32x1024xf32, #tpu.memory_space<vmem>>
    %dma_wait3A_314 = arith.constant 0 : i32
    %dma_wait3A_315 = tpu.memref_slice %arg3[%dma_wait3A_309, %sub3A_307, %dma_wait3A_314] : memref<4x8192x1024xf32, #tpu.memory_space<hbm>> -> memref<1x32x1024xf32, #tpu.memory_space<hbm>>
    %dma_wait3A_316 = tpu.memref_squeeze %dma_wait3A_315 : memref<1x32x1024xf32, #tpu.memory_space<hbm>> -> memref<32x1024xf32, #tpu.memory_space<hbm>>
    %dma_wait3A_317 = arith.constant 0 : i32
    %dma_wait3A_318 = tpu.memref_slice %arg3[%dma_wait3A_309, %sub3A_307, %dma_wait3A_317] : memref<4x8192x1024xf32, #tpu.memory_space<hbm>> -> memref<1x32x1024xf32, #tpu.memory_space<hbm>>
    %dma_wait3A_319 = tpu.memref_squeeze %dma_wait3A_318 : memref<1x32x1024xf32, #tpu.memory_space<hbm>> -> memref<32x1024xf32, #tpu.memory_space<hbm>>
    %dma_wait3A_320 = arith.constant 0 : i32
    %dma_wait3A_321 = arith.constant 0 : i32
    %dma_wait3A_322 = tpu.memref_slice %arg4[%dma_wait3A_308, %dma_wait3A_320, %dma_wait3A_321] : memref<2x32x1024xf32, #tpu.memory_space<vmem>> -> memref<1x32x1024xf32, #tpu.memory_space<vmem>>
    %dma_wait3A_323 = tpu.memref_squeeze %dma_wait3A_322 : memref<1x32x1024xf32, #tpu.memory_space<vmem>> -> memref<32x1024xf32, #tpu.memory_space<vmem>>
    tpu.wait_dma2 semaphore(%arg6 : memref<!tpu.dma_semaphore, #tpu.memory_space<semaphore_mem>>) src(%dma_wait3A_323 : memref<32x1024xf32, #tpu.memory_space<vmem>>) dst(%dma_wait3A_319 : memref<32x1024xf32, #tpu.memory_space<hbm>>)
    %sub3A_324 = arith.constant 32 : i32
    %sub3A_325 = arith.subi %add3A_274, %sub3A_324 : i32
    %dma_wait3A_326 = arith.constant 1 : i32
    %dma_wait3A_327 = arith.constant 2 : i32
    %dma_wait3A_328 = arith.constant 0 : i32
    %dma_wait3A_329 = arith.constant 0 : i32
    %dma_wait3A_330 = tpu.memref_slice %arg4[%dma_wait3A_326, %dma_wait3A_328, %dma_wait3A_329] : memref<2x32x1024xf32, #tpu.memory_space<vmem>> -> memref<1x32x1024xf32, #tpu.memory_space<vmem>>
    %dma_wait3A_331 = tpu.memref_squeeze %dma_wait3A_330 : memref<1x32x1024xf32, #tpu.memory_space<vmem>> -> memref<32x1024xf32, #tpu.memory_space<vmem>>
    %dma_wait3A_332 = arith.constant 0 : i32
    %dma_wait3A_333 = tpu.memref_slice %arg3[%dma_wait3A_327, %sub3A_325, %dma_wait3A_332] : memref<4x8192x1024xf32, #tpu.memory_space<hbm>> -> memref<1x32x1024xf32, #tpu.memory_space<hbm>>
    %dma_wait3A_334 = tpu.memref_squeeze %dma_wait3A_333 : memref<1x32x1024xf32, #tpu.memory_space<hbm>> -> memref<32x1024xf32, #tpu.memory_space<hbm>>
    %dma_wait3A_335 = arith.constant 0 : i32
    %dma_wait3A_336 = tpu.memref_slice %arg3[%dma_wait3A_327, %sub3A_325, %dma_wait3A_335] : memref<4x8192x1024xf32, #tpu.memory_space<hbm>> -> memref<1x32x1024xf32, #tpu.memory_space<hbm>>
    %dma_wait3A_337 = tpu.memref_squeeze %dma_wait3A_336 : memref<1x32x1024xf32, #tpu.memory_space<hbm>> -> memref<32x1024xf32, #tpu.memory_space<hbm>>
    %dma_wait3A_338 = arith.constant 0 : i32
    %dma_wait3A_339 = arith.constant 0 : i32
    %dma_wait3A_340 = tpu.memref_slice %arg4[%dma_wait3A_326, %dma_wait3A_338, %dma_wait3A_339] : memref<2x32x1024xf32, #tpu.memory_space<vmem>> -> memref<1x32x1024xf32, #tpu.memory_space<vmem>>
    %dma_wait3A_341 = tpu.memref_squeeze %dma_wait3A_340 : memref<1x32x1024xf32, #tpu.memory_space<vmem>> -> memref<32x1024xf32, #tpu.memory_space<vmem>>
    tpu.wait_dma2 semaphore(%arg6 : memref<!tpu.dma_semaphore, #tpu.memory_space<semaphore_mem>>) src(%dma_wait3A_341 : memref<32x1024xf32, #tpu.memory_space<vmem>>) dst(%dma_wait3A_337 : memref<32x1024xf32, #tpu.memory_space<hbm>>)
    %sub3A_342 = arith.constant 32 : i32
    %sub3A_343 = arith.subi %add3A_274, %sub3A_342 : i32
    %dma_wait3A_344 = arith.constant 1 : i32
    %dma_wait3A_345 = arith.constant 3 : i32
    %dma_wait3A_346 = arith.constant 0 : i32
    %dma_wait3A_347 = arith.constant 0 : i32
    %dma_wait3A_348 = tpu.memref_slice %arg4[%dma_wait3A_344, %dma_wait3A_346, %dma_wait3A_347] : memref<2x32x1024xf32, #tpu.memory_space<vmem>> -> memref<1x32x1024xf32, #tpu.memory_space<vmem>>
    %dma_wait3A_349 = tpu.memref_squeeze %dma_wait3A_348 : memref<1x32x1024xf32, #tpu.memory_space<vmem>> -> memref<32x1024xf32, #tpu.memory_space<vmem>>
    %dma_wait3A_350 = arith.constant 0 : i32
    %dma_wait3A_351 = tpu.memref_slice %arg3[%dma_wait3A_345, %sub3A_343, %dma_wait3A_350] : memref<4x8192x1024xf32, #tpu.memory_space<hbm>> -> memref<1x32x1024xf32, #tpu.memory_space<hbm>>
    %dma_wait3A_352 = tpu.memref_squeeze %dma_wait3A_351 : memref<1x32x1024xf32, #tpu.memory_space<hbm>> -> memref<32x1024xf32, #tpu.memory_space<hbm>>
    %dma_wait3A_353 = arith.constant 0 : i32
    %dma_wait3A_354 = tpu.memref_slice %arg3[%dma_wait3A_345, %sub3A_343, %dma_wait3A_353] : memref<4x8192x1024xf32, #tpu.memory_space<hbm>> -> memref<1x32x1024xf32, #tpu.memory_space<hbm>>
    %dma_wait3A_355 = tpu.memref_squeeze %dma_wait3A_354 : memref<1x32x1024xf32, #tpu.memory_space<hbm>> -> memref<32x1024xf32, #tpu.memory_space<hbm>>
    %dma_wait3A_356 = arith.constant 0 : i32
    %dma_wait3A_357 = arith.constant 0 : i32
    %dma_wait3A_358 = tpu.memref_slice %arg4[%dma_wait3A_344, %dma_wait3A_356, %dma_wait3A_357] : memref<2x32x1024xf32, #tpu.memory_space<vmem>> -> memref<1x32x1024xf32, #tpu.memory_space<vmem>>
    %dma_wait3A_359 = tpu.memref_squeeze %dma_wait3A_358 : memref<1x32x1024xf32, #tpu.memory_space<vmem>> -> memref<32x1024xf32, #tpu.memory_space<vmem>>
    tpu.wait_dma2 semaphore(%arg6 : memref<!tpu.dma_semaphore, #tpu.memory_space<semaphore_mem>>) src(%dma_wait3A_359 : memref<32x1024xf32, #tpu.memory_space<vmem>>) dst(%dma_wait3A_355 : memref<32x1024xf32, #tpu.memory_space<hbm>>)
    %add3A_360 = arith.constant 32 : i32
    %add3A_361 = arith.addi %add3A_274, %add3A_360 : i32
    %dma_start3A_362 = arith.constant 1 : i32
    %dma_start3A_363 = arith.constant 0 : i32
    %dma_start3A_364 = arith.constant 0 : i32
    %dma_start3A_365 = tpu.memref_slice %arg4[%dma_start3A_362, %dma_start3A_363, %dma_start3A_364] : memref<2x32x1024xf32, #tpu.memory_space<vmem>> -> memref<1x32x1024xf32, #tpu.memory_space<vmem>>
    %dma_start3A_366 = tpu.memref_squeeze %dma_start3A_365 : memref<1x32x1024xf32, #tpu.memory_space<vmem>> -> memref<32x1024xf32, #tpu.memory_space<vmem>>
    %dma_start3A_367 = arith.constant 0 : i32
    %dma_start3A_368 = tpu.memref_slice %arg2[%add3A_361, %dma_start3A_367] : memref<8192x1024xf32, #tpu.memory_space<hbm>> -> memref<32x1024xf32, #tpu.memory_space<hbm>>
    %dma_start3A_369 = arith.constant 0 : i32
    %dma_start3A_370 = arith.constant 0 : i32
    %dma_start3A_371 = tpu.memref_slice %arg4[%dma_start3A_362, %dma_start3A_369, %dma_start3A_370] : memref<2x32x1024xf32, #tpu.memory_space<vmem>> -> memref<1x32x1024xf32, #tpu.memory_space<vmem>>
    %dma_start3A_372 = tpu.memref_squeeze %dma_start3A_371 : memref<1x32x1024xf32, #tpu.memory_space<vmem>> -> memref<32x1024xf32, #tpu.memory_space<vmem>>
    %dma_start3A_373 = arith.constant 0 : i32
    %dma_start3A_374 = tpu.memref_slice %arg2[%add3A_361, %dma_start3A_373] : memref<8192x1024xf32, #tpu.memory_space<hbm>> -> memref<32x1024xf32, #tpu.memory_space<hbm>>
    tpu.enqueue_dma source(%dma_start3A_374 : memref<32x1024xf32, #tpu.memory_space<hbm>>) target(%dma_start3A_372 : memref<32x1024xf32, #tpu.memory_space<vmem>>) target_semaphore(%arg5 : memref<!tpu.dma_semaphore, #tpu.memory_space<semaphore_mem>>)
    %dma_start3A_375 = arith.constant 0 : i32
    %dma_start3A_376 = arith.constant 0 : i32
    %dma_start3A_377 = arith.constant 0 : i32
    %dma_start3A_378 = arith.constant 0 : i32
    %dma_start3A_379 = tpu.memref_slice %arg4[%dma_start3A_375, %dma_start3A_377, %dma_start3A_378] : memref<2x32x1024xf32, #tpu.memory_space<vmem>> -> memref<1x32x1024xf32, #tpu.memory_space<vmem>>
    %dma_start3A_380 = tpu.memref_squeeze %dma_start3A_379 : memref<1x32x1024xf32, #tpu.memory_space<vmem>> -> memref<32x1024xf32, #tpu.memory_space<vmem>>
    %dma_start3A_381 = arith.constant 0 : i32
    %dma_start3A_382 = tpu.memref_slice %arg3[%dma_start3A_376, %add3A_274, %dma_start3A_381] : memref<4x8192x1024xf32, #tpu.memory_space<hbm>> -> memref<1x32x1024xf32, #tpu.memory_space<hbm>>
    %dma_start3A_383 = tpu.memref_squeeze %dma_start3A_382 : memref<1x32x1024xf32, #tpu.memory_space<hbm>> -> memref<32x1024xf32, #tpu.memory_space<hbm>>
    %dma_start3A_384 = arith.constant 0 : i32
    %dma_start3A_385 = tpu.memref_slice %arg3[%dma_start3A_376, %add3A_274, %dma_start3A_384] : memref<4x8192x1024xf32, #tpu.memory_space<hbm>> -> memref<1x32x1024xf32, #tpu.memory_space<hbm>>
    %dma_start3A_386 = tpu.memref_squeeze %dma_start3A_385 : memref<1x32x1024xf32, #tpu.memory_space<hbm>> -> memref<32x1024xf32, #tpu.memory_space<hbm>>
    %dma_start3A_387 = arith.constant 0 : i32
    %dma_start3A_388 = arith.constant 0 : i32
    %dma_start3A_389 = tpu.memref_slice %arg4[%dma_start3A_375, %dma_start3A_387, %dma_start3A_388] : memref<2x32x1024xf32, #tpu.memory_space<vmem>> -> memref<1x32x1024xf32, #tpu.memory_space<vmem>>
    %dma_start3A_390 = tpu.memref_squeeze %dma_start3A_389 : memref<1x32x1024xf32, #tpu.memory_space<vmem>> -> memref<32x1024xf32, #tpu.memory_space<vmem>>
    tpu.enqueue_dma source(%dma_start3A_390 : memref<32x1024xf32, #tpu.memory_space<vmem>>) target(%dma_start3A_386 : memref<32x1024xf32, #tpu.memory_space<hbm>>) target_semaphore(%arg6 : memref<!tpu.dma_semaphore, #tpu.memory_space<semaphore_mem>>)
    %dma_start3A_391 = arith.constant 0 : i32
    %dma_start3A_392 = arith.constant 1 : i32
    %dma_start3A_393 = arith.constant 0 : i32
    %dma_start3A_394 = arith.constant 0 : i32
    %dma_start3A_395 = tpu.memref_slice %arg4[%dma_start3A_391, %dma_start3A_393, %dma_start3A_394] : memref<2x32x1024xf32, #tpu.memory_space<vmem>> -> memref<1x32x1024xf32, #tpu.memory_space<vmem>>
    %dma_start3A_396 = tpu.memref_squeeze %dma_start3A_395 : memref<1x32x1024xf32, #tpu.memory_space<vmem>> -> memref<32x1024xf32, #tpu.memory_space<vmem>>
    %dma_start3A_397 = arith.constant 0 : i32
    %dma_start3A_398 = tpu.memref_slice %arg3[%dma_start3A_392, %add3A_274, %dma_start3A_397] : memref<4x8192x1024xf32, #tpu.memory_space<hbm>> -> memref<1x32x1024xf32, #tpu.memory_space<hbm>>
    %dma_start3A_399 = tpu.memref_squeeze %dma_start3A_398 : memref<1x32x1024xf32, #tpu.memory_space<hbm>> -> memref<32x1024xf32, #tpu.memory_space<hbm>>
    %dma_start3A_400 = arith.constant 0 : i32
    %dma_start3A_401 = tpu.memref_slice %arg3[%dma_start3A_392, %add3A_274, %dma_start3A_400] : memref<4x8192x1024xf32, #tpu.memory_space<hbm>> -> memref<1x32x1024xf32, #tpu.memory_space<hbm>>
    %dma_start3A_402 = tpu.memref_squeeze %dma_start3A_401 : memref<1x32x1024xf32, #tpu.memory_space<hbm>> -> memref<32x1024xf32, #tpu.memory_space<hbm>>
    %dma_start3A_403 = arith.constant 0 : i32
    %dma_start3A_404 = arith.constant 0 : i32
    %dma_start3A_405 = tpu.memref_slice %arg4[%dma_start3A_391, %dma_start3A_403, %dma_start3A_404] : memref<2x32x1024xf32, #tpu.memory_space<vmem>> -> memref<1x32x1024xf32, #tpu.memory_space<vmem>>
    %dma_start3A_406 = tpu.memref_squeeze %dma_start3A_405 : memref<1x32x1024xf32, #tpu.memory_space<vmem>> -> memref<32x1024xf32, #tpu.memory_space<vmem>>
    tpu.enqueue_dma source(%dma_start3A_406 : memref<32x1024xf32, #tpu.memory_space<vmem>>) target(%dma_start3A_402 : memref<32x1024xf32, #tpu.memory_space<hbm>>) target_semaphore(%arg6 : memref<!tpu.dma_semaphore, #tpu.memory_space<semaphore_mem>>)
    %dma_start3A_407 = arith.constant 0 : i32
    %dma_start3A_408 = arith.constant 2 : i32
    %dma_start3A_409 = arith.constant 0 : i32
    %dma_start3A_410 = arith.constant 0 : i32
    %dma_start3A_411 = tpu.memref_slice %arg4[%dma_start3A_407, %dma_start3A_409, %dma_start3A_410] : memref<2x32x1024xf32, #tpu.memory_space<vmem>> -> memref<1x32x1024xf32, #tpu.memory_space<vmem>>
    %dma_start3A_412 = tpu.memref_squeeze %dma_start3A_411 : memref<1x32x1024xf32, #tpu.memory_space<vmem>> -> memref<32x1024xf32, #tpu.memory_space<vmem>>
    %dma_start3A_413 = arith.constant 0 : i32
    %dma_start3A_414 = tpu.memref_slice %arg3[%dma_start3A_408, %add3A_274, %dma_start3A_413] : memref<4x8192x1024xf32, #tpu.memory_space<hbm>> -> memref<1x32x1024xf32, #tpu.memory_space<hbm>>
    %dma_start3A_415 = tpu.memref_squeeze %dma_start3A_414 : memref<1x32x1024xf32, #tpu.memory_space<hbm>> -> memref<32x1024xf32, #tpu.memory_space<hbm>>
    %dma_start3A_416 = arith.constant 0 : i32
    %dma_start3A_417 = tpu.memref_slice %arg3[%dma_start3A_408, %add3A_274, %dma_start3A_416] : memref<4x8192x1024xf32, #tpu.memory_space<hbm>> -> memref<1x32x1024xf32, #tpu.memory_space<hbm>>
    %dma_start3A_418 = tpu.memref_squeeze %dma_start3A_417 : memref<1x32x1024xf32, #tpu.memory_space<hbm>> -> memref<32x1024xf32, #tpu.memory_space<hbm>>
    %dma_start3A_419 = arith.constant 0 : i32
    %dma_start3A_420 = arith.constant 0 : i32
    %dma_start3A_421 = tpu.memref_slice %arg4[%dma_start3A_407, %dma_start3A_419, %dma_start3A_420] : memref<2x32x1024xf32, #tpu.memory_space<vmem>> -> memref<1x32x1024xf32, #tpu.memory_space<vmem>>
    %dma_start3A_422 = tpu.memref_squeeze %dma_start3A_421 : memref<1x32x1024xf32, #tpu.memory_space<vmem>> -> memref<32x1024xf32, #tpu.memory_space<vmem>>
    tpu.enqueue_dma source(%dma_start3A_422 : memref<32x1024xf32, #tpu.memory_space<vmem>>) target(%dma_start3A_418 : memref<32x1024xf32, #tpu.memory_space<hbm>>) target_semaphore(%arg6 : memref<!tpu.dma_semaphore, #tpu.memory_space<semaphore_mem>>)
    %dma_start3A_423 = arith.constant 0 : i32
    %dma_start3A_424 = arith.constant 3 : i32
    %dma_start3A_425 = arith.constant 0 : i32
    %dma_start3A_426 = arith.constant 0 : i32
    %dma_start3A_427 = tpu.memref_slice %arg4[%dma_start3A_423, %dma_start3A_425, %dma_start3A_426] : memref<2x32x1024xf32, #tpu.memory_space<vmem>> -> memref<1x32x1024xf32, #tpu.memory_space<vmem>>
    %dma_start3A_428 = tpu.memref_squeeze %dma_start3A_427 : memref<1x32x1024xf32, #tpu.memory_space<vmem>> -> memref<32x1024xf32, #tpu.memory_space<vmem>>
    %dma_start3A_429 = arith.constant 0 : i32
    %dma_start3A_430 = tpu.memref_slice %arg3[%dma_start3A_424, %add3A_274, %dma_start3A_429] : memref<4x8192x1024xf32, #tpu.memory_space<hbm>> -> memref<1x32x1024xf32, #tpu.memory_space<hbm>>
    %dma_start3A_431 = tpu.memref_squeeze %dma_start3A_430 : memref<1x32x1024xf32, #tpu.memory_space<hbm>> -> memref<32x1024xf32, #tpu.memory_space<hbm>>
    %dma_start3A_432 = arith.constant 0 : i32
    %dma_start3A_433 = tpu.memref_slice %arg3[%dma_start3A_424, %add3A_274, %dma_start3A_432] : memref<4x8192x1024xf32, #tpu.memory_space<hbm>> -> memref<1x32x1024xf32, #tpu.memory_space<hbm>>
    %dma_start3A_434 = tpu.memref_squeeze %dma_start3A_433 : memref<1x32x1024xf32, #tpu.memory_space<hbm>> -> memref<32x1024xf32, #tpu.memory_space<hbm>>
    %dma_start3A_435 = arith.constant 0 : i32
    %dma_start3A_436 = arith.constant 0 : i32
    %dma_start3A_437 = tpu.memref_slice %arg4[%dma_start3A_423, %dma_start3A_435, %dma_start3A_436] : memref<2x32x1024xf32, #tpu.memory_space<vmem>> -> memref<1x32x1024xf32, #tpu.memory_space<vmem>>
    %dma_start3A_438 = tpu.memref_squeeze %dma_start3A_437 : memref<1x32x1024xf32, #tpu.memory_space<vmem>> -> memref<32x1024xf32, #tpu.memory_space<vmem>>
    tpu.enqueue_dma source(%dma_start3A_438 : memref<32x1024xf32, #tpu.memory_space<vmem>>) target(%dma_start3A_434 : memref<32x1024xf32, #tpu.memory_space<hbm>>) target_semaphore(%arg6 : memref<!tpu.dma_semaphore, #tpu.memory_space<semaphore_mem>>)
    %add3A_439 = arith.constant 96 : i32
    %add3A_440 = arith.addi %mul3A_2, %add3A_439 : i32
    %dma_wait3A_441 = arith.constant 1 : i32
    %dma_wait3A_442 = arith.constant 0 : i32
    %dma_wait3A_443 = arith.constant 0 : i32
    %dma_wait3A_444 = tpu.memref_slice %arg4[%dma_wait3A_441, %dma_wait3A_442, %dma_wait3A_443] : memref<2x32x1024xf32, #tpu.memory_space<vmem>> -> memref<1x32x1024xf32, #tpu.memory_space<vmem>>
    %dma_wait3A_445 = tpu.memref_squeeze %dma_wait3A_444 : memref<1x32x1024xf32, #tpu.memory_space<vmem>> -> memref<32x1024xf32, #tpu.memory_space<vmem>>
    %dma_wait3A_446 = arith.constant 0 : i32
    %dma_wait3A_447 = tpu.memref_slice %arg2[%add3A_440, %dma_wait3A_446] : memref<8192x1024xf32, #tpu.memory_space<hbm>> -> memref<32x1024xf32, #tpu.memory_space<hbm>>
    %dma_wait3A_448 = arith.constant 0 : i32
    %dma_wait3A_449 = arith.constant 0 : i32
    %dma_wait3A_450 = tpu.memref_slice %arg4[%dma_wait3A_441, %dma_wait3A_448, %dma_wait3A_449] : memref<2x32x1024xf32, #tpu.memory_space<vmem>> -> memref<1x32x1024xf32, #tpu.memory_space<vmem>>
    %dma_wait3A_451 = tpu.memref_squeeze %dma_wait3A_450 : memref<1x32x1024xf32, #tpu.memory_space<vmem>> -> memref<32x1024xf32, #tpu.memory_space<vmem>>
    %dma_wait3A_452 = arith.constant 0 : i32
    %dma_wait3A_453 = tpu.memref_slice %arg2[%add3A_440, %dma_wait3A_452] : memref<8192x1024xf32, #tpu.memory_space<hbm>> -> memref<32x1024xf32, #tpu.memory_space<hbm>>
    tpu.wait_dma2 semaphore(%arg5 : memref<!tpu.dma_semaphore, #tpu.memory_space<semaphore_mem>>) src(%dma_wait3A_453 : memref<32x1024xf32, #tpu.memory_space<hbm>>) dst(%dma_wait3A_451 : memref<32x1024xf32, #tpu.memory_space<vmem>>)
    %sub3A_454 = arith.constant 32 : i32
    %sub3A_455 = arith.subi %add3A_440, %sub3A_454 : i32
    %dma_wait3A_456 = arith.constant 0 : i32
    %dma_wait3A_457 = arith.constant 0 : i32
    %dma_wait3A_458 = arith.constant 0 : i32
    %dma_wait3A_459 = arith.constant 0 : i32
    %dma_wait3A_460 = tpu.memref_slice %arg4[%dma_wait3A_456, %dma_wait3A_458, %dma_wait3A_459] : memref<2x32x1024xf32, #tpu.memory_space<vmem>> -> memref<1x32x1024xf32, #tpu.memory_space<vmem>>
    %dma_wait3A_461 = tpu.memref_squeeze %dma_wait3A_460 : memref<1x32x1024xf32, #tpu.memory_space<vmem>> -> memref<32x1024xf32, #tpu.memory_space<vmem>>
    %dma_wait3A_462 = arith.constant 0 : i32
    %dma_wait3A_463 = tpu.memref_slice %arg3[%dma_wait3A_457, %sub3A_455, %dma_wait3A_462] : memref<4x8192x1024xf32, #tpu.memory_space<hbm>> -> memref<1x32x1024xf32, #tpu.memory_space<hbm>>
    %dma_wait3A_464 = tpu.memref_squeeze %dma_wait3A_463 : memref<1x32x1024xf32, #tpu.memory_space<hbm>> -> memref<32x1024xf32, #tpu.memory_space<hbm>>
    %dma_wait3A_465 = arith.constant 0 : i32
    %dma_wait3A_466 = tpu.memref_slice %arg3[%dma_wait3A_457, %sub3A_455, %dma_wait3A_465] : memref<4x8192x1024xf32, #tpu.memory_space<hbm>> -> memref<1x32x1024xf32, #tpu.memory_space<hbm>>
    %dma_wait3A_467 = tpu.memref_squeeze %dma_wait3A_466 : memref<1x32x1024xf32, #tpu.memory_space<hbm>> -> memref<32x1024xf32, #tpu.memory_space<hbm>>
    %dma_wait3A_468 = arith.constant 0 : i32
    %dma_wait3A_469 = arith.constant 0 : i32
    %dma_wait3A_470 = tpu.memref_slice %arg4[%dma_wait3A_456, %dma_wait3A_468, %dma_wait3A_469] : memref<2x32x1024xf32, #tpu.memory_space<vmem>> -> memref<1x32x1024xf32, #tpu.memory_space<vmem>>
    %dma_wait3A_471 = tpu.memref_squeeze %dma_wait3A_470 : memref<1x32x1024xf32, #tpu.memory_space<vmem>> -> memref<32x1024xf32, #tpu.memory_space<vmem>>
    tpu.wait_dma2 semaphore(%arg6 : memref<!tpu.dma_semaphore, #tpu.memory_space<semaphore_mem>>) src(%dma_wait3A_471 : memref<32x1024xf32, #tpu.memory_space<vmem>>) dst(%dma_wait3A_467 : memref<32x1024xf32, #tpu.memory_space<hbm>>)
    %sub3A_472 = arith.constant 32 : i32
    %sub3A_473 = arith.subi %add3A_440, %sub3A_472 : i32
    %dma_wait3A_474 = arith.constant 0 : i32
    %dma_wait3A_475 = arith.constant 1 : i32
    %dma_wait3A_476 = arith.constant 0 : i32
    %dma_wait3A_477 = arith.constant 0 : i32
    %dma_wait3A_478 = tpu.memref_slice %arg4[%dma_wait3A_474, %dma_wait3A_476, %dma_wait3A_477] : memref<2x32x1024xf32, #tpu.memory_space<vmem>> -> memref<1x32x1024xf32, #tpu.memory_space<vmem>>
    %dma_wait3A_479 = tpu.memref_squeeze %dma_wait3A_478 : memref<1x32x1024xf32, #tpu.memory_space<vmem>> -> memref<32x1024xf32, #tpu.memory_space<vmem>>
    %dma_wait3A_480 = arith.constant 0 : i32
    %dma_wait3A_481 = tpu.memref_slice %arg3[%dma_wait3A_475, %sub3A_473, %dma_wait3A_480] : memref<4x8192x1024xf32, #tpu.memory_space<hbm>> -> memref<1x32x1024xf32, #tpu.memory_space<hbm>>
    %dma_wait3A_482 = tpu.memref_squeeze %dma_wait3A_481 : memref<1x32x1024xf32, #tpu.memory_space<hbm>> -> memref<32x1024xf32, #tpu.memory_space<hbm>>
    %dma_wait3A_483 = arith.constant 0 : i32
    %dma_wait3A_484 = tpu.memref_slice %arg3[%dma_wait3A_475, %sub3A_473, %dma_wait3A_483] : memref<4x8192x1024xf32, #tpu.memory_space<hbm>> -> memref<1x32x1024xf32, #tpu.memory_space<hbm>>
    %dma_wait3A_485 = tpu.memref_squeeze %dma_wait3A_484 : memref<1x32x1024xf32, #tpu.memory_space<hbm>> -> memref<32x1024xf32, #tpu.memory_space<hbm>>
    %dma_wait3A_486 = arith.constant 0 : i32
    %dma_wait3A_487 = arith.constant 0 : i32
    %dma_wait3A_488 = tpu.memref_slice %arg4[%dma_wait3A_474, %dma_wait3A_486, %dma_wait3A_487] : memref<2x32x1024xf32, #tpu.memory_space<vmem>> -> memref<1x32x1024xf32, #tpu.memory_space<vmem>>
    %dma_wait3A_489 = tpu.memref_squeeze %dma_wait3A_488 : memref<1x32x1024xf32, #tpu.memory_space<vmem>> -> memref<32x1024xf32, #tpu.memory_space<vmem>>
    tpu.wait_dma2 semaphore(%arg6 : memref<!tpu.dma_semaphore, #tpu.memory_space<semaphore_mem>>) src(%dma_wait3A_489 : memref<32x1024xf32, #tpu.memory_space<vmem>>) dst(%dma_wait3A_485 : memref<32x1024xf32, #tpu.memory_space<hbm>>)
    %sub3A_490 = arith.constant 32 : i32
    %sub3A_491 = arith.subi %add3A_440, %sub3A_490 : i32
    %dma_wait3A_492 = arith.constant 0 : i32
    %dma_wait3A_493 = arith.constant 2 : i32
    %dma_wait3A_494 = arith.constant 0 : i32
    %dma_wait3A_495 = arith.constant 0 : i32
    %dma_wait3A_496 = tpu.memref_slice %arg4[%dma_wait3A_492, %dma_wait3A_494, %dma_wait3A_495] : memref<2x32x1024xf32, #tpu.memory_space<vmem>> -> memref<1x32x1024xf32, #tpu.memory_space<vmem>>
    %dma_wait3A_497 = tpu.memref_squeeze %dma_wait3A_496 : memref<1x32x1024xf32, #tpu.memory_space<vmem>> -> memref<32x1024xf32, #tpu.memory_space<vmem>>
    %dma_wait3A_498 = arith.constant 0 : i32
    %dma_wait3A_499 = tpu.memref_slice %arg3[%dma_wait3A_493, %sub3A_491, %dma_wait3A_498] : memref<4x8192x1024xf32, #tpu.memory_space<hbm>> -> memref<1x32x1024xf32, #tpu.memory_space<hbm>>
    %dma_wait3A_500 = tpu.memref_squeeze %dma_wait3A_499 : memref<1x32x1024xf32, #tpu.memory_space<hbm>> -> memref<32x1024xf32, #tpu.memory_space<hbm>>
    %dma_wait3A_501 = arith.constant 0 : i32
    %dma_wait3A_502 = tpu.memref_slice %arg3[%dma_wait3A_493, %sub3A_491, %dma_wait3A_501] : memref<4x8192x1024xf32, #tpu.memory_space<hbm>> -> memref<1x32x1024xf32, #tpu.memory_space<hbm>>
    %dma_wait3A_503 = tpu.memref_squeeze %dma_wait3A_502 : memref<1x32x1024xf32, #tpu.memory_space<hbm>> -> memref<32x1024xf32, #tpu.memory_space<hbm>>
    %dma_wait3A_504 = arith.constant 0 : i32
    %dma_wait3A_505 = arith.constant 0 : i32
    %dma_wait3A_506 = tpu.memref_slice %arg4[%dma_wait3A_492, %dma_wait3A_504, %dma_wait3A_505] : memref<2x32x1024xf32, #tpu.memory_space<vmem>> -> memref<1x32x1024xf32, #tpu.memory_space<vmem>>
    %dma_wait3A_507 = tpu.memref_squeeze %dma_wait3A_506 : memref<1x32x1024xf32, #tpu.memory_space<vmem>> -> memref<32x1024xf32, #tpu.memory_space<vmem>>
    tpu.wait_dma2 semaphore(%arg6 : memref<!tpu.dma_semaphore, #tpu.memory_space<semaphore_mem>>) src(%dma_wait3A_507 : memref<32x1024xf32, #tpu.memory_space<vmem>>) dst(%dma_wait3A_503 : memref<32x1024xf32, #tpu.memory_space<hbm>>)
    %sub3A_508 = arith.constant 32 : i32
    %sub3A_509 = arith.subi %add3A_440, %sub3A_508 : i32
    %dma_wait3A_510 = arith.constant 0 : i32
    %dma_wait3A_511 = arith.constant 3 : i32
    %dma_wait3A_512 = arith.constant 0 : i32
    %dma_wait3A_513 = arith.constant 0 : i32
    %dma_wait3A_514 = tpu.memref_slice %arg4[%dma_wait3A_510, %dma_wait3A_512, %dma_wait3A_513] : memref<2x32x1024xf32, #tpu.memory_space<vmem>> -> memref<1x32x1024xf32, #tpu.memory_space<vmem>>
    %dma_wait3A_515 = tpu.memref_squeeze %dma_wait3A_514 : memref<1x32x1024xf32, #tpu.memory_space<vmem>> -> memref<32x1024xf32, #tpu.memory_space<vmem>>
    %dma_wait3A_516 = arith.constant 0 : i32
    %dma_wait3A_517 = tpu.memref_slice %arg3[%dma_wait3A_511, %sub3A_509, %dma_wait3A_516] : memref<4x8192x1024xf32, #tpu.memory_space<hbm>> -> memref<1x32x1024xf32, #tpu.memory_space<hbm>>
    %dma_wait3A_518 = tpu.memref_squeeze %dma_wait3A_517 : memref<1x32x1024xf32, #tpu.memory_space<hbm>> -> memref<32x1024xf32, #tpu.memory_space<hbm>>
    %dma_wait3A_519 = arith.constant 0 : i32
    %dma_wait3A_520 = tpu.memref_slice %arg3[%dma_wait3A_511, %sub3A_509, %dma_wait3A_519] : memref<4x8192x1024xf32, #tpu.memory_space<hbm>> -> memref<1x32x1024xf32, #tpu.memory_space<hbm>>
    %dma_wait3A_521 = tpu.memref_squeeze %dma_wait3A_520 : memref<1x32x1024xf32, #tpu.memory_space<hbm>> -> memref<32x1024xf32, #tpu.memory_space<hbm>>
    %dma_wait3A_522 = arith.constant 0 : i32
    %dma_wait3A_523 = arith.constant 0 : i32
    %dma_wait3A_524 = tpu.memref_slice %arg4[%dma_wait3A_510, %dma_wait3A_522, %dma_wait3A_523] : memref<2x32x1024xf32, #tpu.memory_space<vmem>> -> memref<1x32x1024xf32, #tpu.memory_space<vmem>>
    %dma_wait3A_525 = tpu.memref_squeeze %dma_wait3A_524 : memref<1x32x1024xf32, #tpu.memory_space<vmem>> -> memref<32x1024xf32, #tpu.memory_space<vmem>>
    tpu.wait_dma2 semaphore(%arg6 : memref<!tpu.dma_semaphore, #tpu.memory_space<semaphore_mem>>) src(%dma_wait3A_525 : memref<32x1024xf32, #tpu.memory_space<vmem>>) dst(%dma_wait3A_521 : memref<32x1024xf32, #tpu.memory_space<hbm>>)
    %add3A_526 = arith.constant 32 : i32
    %add3A_527 = arith.addi %add3A_440, %add3A_526 : i32
    %dma_start3A_528 = arith.constant 0 : i32
    %dma_start3A_529 = arith.constant 0 : i32
    %dma_start3A_530 = arith.constant 0 : i32
    %dma_start3A_531 = tpu.memref_slice %arg4[%dma_start3A_528, %dma_start3A_529, %dma_start3A_530] : memref<2x32x1024xf32, #tpu.memory_space<vmem>> -> memref<1x32x1024xf32, #tpu.memory_space<vmem>>
    %dma_start3A_532 = tpu.memref_squeeze %dma_start3A_531 : memref<1x32x1024xf32, #tpu.memory_space<vmem>> -> memref<32x1024xf32, #tpu.memory_space<vmem>>
    %dma_start3A_533 = arith.constant 0 : i32
    %dma_start3A_534 = tpu.memref_slice %arg2[%add3A_527, %dma_start3A_533] : memref<8192x1024xf32, #tpu.memory_space<hbm>> -> memref<32x1024xf32, #tpu.memory_space<hbm>>
    %dma_start3A_535 = arith.constant 0 : i32
    %dma_start3A_536 = arith.constant 0 : i32
    %dma_start3A_537 = tpu.memref_slice %arg4[%dma_start3A_528, %dma_start3A_535, %dma_start3A_536] : memref<2x32x1024xf32, #tpu.memory_space<vmem>> -> memref<1x32x1024xf32, #tpu.memory_space<vmem>>
    %dma_start3A_538 = tpu.memref_squeeze %dma_start3A_537 : memref<1x32x1024xf32, #tpu.memory_space<vmem>> -> memref<32x1024xf32, #tpu.memory_space<vmem>>
    %dma_start3A_539 = arith.constant 0 : i32
    %dma_start3A_540 = tpu.memref_slice %arg2[%add3A_527, %dma_start3A_539] : memref<8192x1024xf32, #tpu.memory_space<hbm>> -> memref<32x1024xf32, #tpu.memory_space<hbm>>
    tpu.enqueue_dma source(%dma_start3A_540 : memref<32x1024xf32, #tpu.memory_space<hbm>>) target(%dma_start3A_538 : memref<32x1024xf32, #tpu.memory_space<vmem>>) target_semaphore(%arg5 : memref<!tpu.dma_semaphore, #tpu.memory_space<semaphore_mem>>)
    %dma_start3A_541 = arith.constant 1 : i32
    %dma_start3A_542 = arith.constant 0 : i32
    %dma_start3A_543 = arith.constant 0 : i32
    %dma_start3A_544 = arith.constant 0 : i32
    %dma_start3A_545 = tpu.memref_slice %arg4[%dma_start3A_541, %dma_start3A_543, %dma_start3A_544] : memref<2x32x1024xf32, #tpu.memory_space<vmem>> -> memref<1x32x1024xf32, #tpu.memory_space<vmem>>
    %dma_start3A_546 = tpu.memref_squeeze %dma_start3A_545 : memref<1x32x1024xf32, #tpu.memory_space<vmem>> -> memref<32x1024xf32, #tpu.memory_space<vmem>>
    %dma_start3A_547 = arith.constant 0 : i32
    %dma_start3A_548 = tpu.memref_slice %arg3[%dma_start3A_542, %add3A_440, %dma_start3A_547] : memref<4x8192x1024xf32, #tpu.memory_space<hbm>> -> memref<1x32x1024xf32, #tpu.memory_space<hbm>>
    %dma_start3A_549 = tpu.memref_squeeze %dma_start3A_548 : memref<1x32x1024xf32, #tpu.memory_space<hbm>> -> memref<32x1024xf32, #tpu.memory_space<hbm>>
    %dma_start3A_550 = arith.constant 0 : i32
    %dma_start3A_551 = tpu.memref_slice %arg3[%dma_start3A_542, %add3A_440, %dma_start3A_550] : memref<4x8192x1024xf32, #tpu.memory_space<hbm>> -> memref<1x32x1024xf32, #tpu.memory_space<hbm>>
    %dma_start3A_552 = tpu.memref_squeeze %dma_start3A_551 : memref<1x32x1024xf32, #tpu.memory_space<hbm>> -> memref<32x1024xf32, #tpu.memory_space<hbm>>
    %dma_start3A_553 = arith.constant 0 : i32
    %dma_start3A_554 = arith.constant 0 : i32
    %dma_start3A_555 = tpu.memref_slice %arg4[%dma_start3A_541, %dma_start3A_553, %dma_start3A_554] : memref<2x32x1024xf32, #tpu.memory_space<vmem>> -> memref<1x32x1024xf32, #tpu.memory_space<vmem>>
    %dma_start3A_556 = tpu.memref_squeeze %dma_start3A_555 : memref<1x32x1024xf32, #tpu.memory_space<vmem>> -> memref<32x1024xf32, #tpu.memory_space<vmem>>
    tpu.enqueue_dma source(%dma_start3A_556 : memref<32x1024xf32, #tpu.memory_space<vmem>>) target(%dma_start3A_552 : memref<32x1024xf32, #tpu.memory_space<hbm>>) target_semaphore(%arg6 : memref<!tpu.dma_semaphore, #tpu.memory_space<semaphore_mem>>)
    %dma_start3A_557 = arith.constant 1 : i32
    %dma_start3A_558 = arith.constant 1 : i32
    %dma_start3A_559 = arith.constant 0 : i32
    %dma_start3A_560 = arith.constant 0 : i32
    %dma_start3A_561 = tpu.memref_slice %arg4[%dma_start3A_557, %dma_start3A_559, %dma_start3A_560] : memref<2x32x1024xf32, #tpu.memory_space<vmem>> -> memref<1x32x1024xf32, #tpu.memory_space<vmem>>
    %dma_start3A_562 = tpu.memref_squeeze %dma_start3A_561 : memref<1x32x1024xf32, #tpu.memory_space<vmem>> -> memref<32x1024xf32, #tpu.memory_space<vmem>>
    %dma_start3A_563 = arith.constant 0 : i32
    %dma_start3A_564 = tpu.memref_slice %arg3[%dma_start3A_558, %add3A_440, %dma_start3A_563] : memref<4x8192x1024xf32, #tpu.memory_space<hbm>> -> memref<1x32x1024xf32, #tpu.memory_space<hbm>>
    %dma_start3A_565 = tpu.memref_squeeze %dma_start3A_564 : memref<1x32x1024xf32, #tpu.memory_space<hbm>> -> memref<32x1024xf32, #tpu.memory_space<hbm>>
    %dma_start3A_566 = arith.constant 0 : i32
    %dma_start3A_567 = tpu.memref_slice %arg3[%dma_start3A_558, %add3A_440, %dma_start3A_566] : memref<4x8192x1024xf32, #tpu.memory_space<hbm>> -> memref<1x32x1024xf32, #tpu.memory_space<hbm>>
    %dma_start3A_568 = tpu.memref_squeeze %dma_start3A_567 : memref<1x32x1024xf32, #tpu.memory_space<hbm>> -> memref<32x1024xf32, #tpu.memory_space<hbm>>
    %dma_start3A_569 = arith.constant 0 : i32
    %dma_start3A_570 = arith.constant 0 : i32
    %dma_start3A_571 = tpu.memref_slice %arg4[%dma_start3A_557, %dma_start3A_569, %dma_start3A_570] : memref<2x32x1024xf32, #tpu.memory_space<vmem>> -> memref<1x32x1024xf32, #tpu.memory_space<vmem>>
    %dma_start3A_572 = tpu.memref_squeeze %dma_start3A_571 : memref<1x32x1024xf32, #tpu.memory_space<vmem>> -> memref<32x1024xf32, #tpu.memory_space<vmem>>
    tpu.enqueue_dma source(%dma_start3A_572 : memref<32x1024xf32, #tpu.memory_space<vmem>>) target(%dma_start3A_568 : memref<32x1024xf32, #tpu.memory_space<hbm>>) target_semaphore(%arg6 : memref<!tpu.dma_semaphore, #tpu.memory_space<semaphore_mem>>)
    %dma_start3A_573 = arith.constant 1 : i32
    %dma_start3A_574 = arith.constant 2 : i32
    %dma_start3A_575 = arith.constant 0 : i32
    %dma_start3A_576 = arith.constant 0 : i32
    %dma_start3A_577 = tpu.memref_slice %arg4[%dma_start3A_573, %dma_start3A_575, %dma_start3A_576] : memref<2x32x1024xf32, #tpu.memory_space<vmem>> -> memref<1x32x1024xf32, #tpu.memory_space<vmem>>
    %dma_start3A_578 = tpu.memref_squeeze %dma_start3A_577 : memref<1x32x1024xf32, #tpu.memory_space<vmem>> -> memref<32x1024xf32, #tpu.memory_space<vmem>>
    %dma_start3A_579 = arith.constant 0 : i32
    %dma_start3A_580 = tpu.memref_slice %arg3[%dma_start3A_574, %add3A_440, %dma_start3A_579] : memref<4x8192x1024xf32, #tpu.memory_space<hbm>> -> memref<1x32x1024xf32, #tpu.memory_space<hbm>>
    %dma_start3A_581 = tpu.memref_squeeze %dma_start3A_580 : memref<1x32x1024xf32, #tpu.memory_space<hbm>> -> memref<32x1024xf32, #tpu.memory_space<hbm>>
    %dma_start3A_582 = arith.constant 0 : i32
    %dma_start3A_583 = tpu.memref_slice %arg3[%dma_start3A_574, %add3A_440, %dma_start3A_582] : memref<4x8192x1024xf32, #tpu.memory_space<hbm>> -> memref<1x32x1024xf32, #tpu.memory_space<hbm>>
    %dma_start3A_584 = tpu.memref_squeeze %dma_start3A_583 : memref<1x32x1024xf32, #tpu.memory_space<hbm>> -> memref<32x1024xf32, #tpu.memory_space<hbm>>
    %dma_start3A_585 = arith.constant 0 : i32
    %dma_start3A_586 = arith.constant 0 : i32
    %dma_start3A_587 = tpu.memref_slice %arg4[%dma_start3A_573, %dma_start3A_585, %dma_start3A_586] : memref<2x32x1024xf32, #tpu.memory_space<vmem>> -> memref<1x32x1024xf32, #tpu.memory_space<vmem>>
    %dma_start3A_588 = tpu.memref_squeeze %dma_start3A_587 : memref<1x32x1024xf32, #tpu.memory_space<vmem>> -> memref<32x1024xf32, #tpu.memory_space<vmem>>
    tpu.enqueue_dma source(%dma_start3A_588 : memref<32x1024xf32, #tpu.memory_space<vmem>>) target(%dma_start3A_584 : memref<32x1024xf32, #tpu.memory_space<hbm>>) target_semaphore(%arg6 : memref<!tpu.dma_semaphore, #tpu.memory_space<semaphore_mem>>)
    %dma_start3A_589 = arith.constant 1 : i32
    %dma_start3A_590 = arith.constant 3 : i32
    %dma_start3A_591 = arith.constant 0 : i32
    %dma_start3A_592 = arith.constant 0 : i32
    %dma_start3A_593 = tpu.memref_slice %arg4[%dma_start3A_589, %dma_start3A_591, %dma_start3A_592] : memref<2x32x1024xf32, #tpu.memory_space<vmem>> -> memref<1x32x1024xf32, #tpu.memory_space<vmem>>
    %dma_start3A_594 = tpu.memref_squeeze %dma_start3A_593 : memref<1x32x1024xf32, #tpu.memory_space<vmem>> -> memref<32x1024xf32, #tpu.memory_space<vmem>>
    %dma_start3A_595 = arith.constant 0 : i32
    %dma_start3A_596 = tpu.memref_slice %arg3[%dma_start3A_590, %add3A_440, %dma_start3A_595] : memref<4x8192x1024xf32, #tpu.memory_space<hbm>> -> memref<1x32x1024xf32, #tpu.memory_space<hbm>>
    %dma_start3A_597 = tpu.memref_squeeze %dma_start3A_596 : memref<1x32x1024xf32, #tpu.memory_space<hbm>> -> memref<32x1024xf32, #tpu.memory_space<hbm>>
    %dma_start3A_598 = arith.constant 0 : i32
    %dma_start3A_599 = tpu.memref_slice %arg3[%dma_start3A_590, %add3A_440, %dma_start3A_598] : memref<4x8192x1024xf32, #tpu.memory_space<hbm>> -> memref<1x32x1024xf32, #tpu.memory_space<hbm>>
    %dma_start3A_600 = tpu.memref_squeeze %dma_start3A_599 : memref<1x32x1024xf32, #tpu.memory_space<hbm>> -> memref<32x1024xf32, #tpu.memory_space<hbm>>
    %dma_start3A_601 = arith.constant 0 : i32
    %dma_start3A_602 = arith.constant 0 : i32
    %dma_start3A_603 = tpu.memref_slice %arg4[%dma_start3A_589, %dma_start3A_601, %dma_start3A_602] : memref<2x32x1024xf32, #tpu.memory_space<vmem>> -> memref<1x32x1024xf32, #tpu.memory_space<vmem>>
    %dma_start3A_604 = tpu.memref_squeeze %dma_start3A_603 : memref<1x32x1024xf32, #tpu.memory_space<vmem>> -> memref<32x1024xf32, #tpu.memory_space<vmem>>
    tpu.enqueue_dma source(%dma_start3A_604 : memref<32x1024xf32, #tpu.memory_space<vmem>>) target(%dma_start3A_600 : memref<32x1024xf32, #tpu.memory_space<hbm>>) target_semaphore(%arg6 : memref<!tpu.dma_semaphore, #tpu.memory_space<semaphore_mem>>)
    %add3A_605 = arith.constant 128 : i32
    %add3A_606 = arith.addi %mul3A_2, %add3A_605 : i32
    %dma_wait3A_607 = arith.constant 0 : i32
    %dma_wait3A_608 = arith.constant 0 : i32
    %dma_wait3A_609 = arith.constant 0 : i32
    %dma_wait3A_610 = tpu.memref_slice %arg4[%dma_wait3A_607, %dma_wait3A_608, %dma_wait3A_609] : memref<2x32x1024xf32, #tpu.memory_space<vmem>> -> memref<1x32x1024xf32, #tpu.memory_space<vmem>>
    %dma_wait3A_611 = tpu.memref_squeeze %dma_wait3A_610 : memref<1x32x1024xf32, #tpu.memory_space<vmem>> -> memref<32x1024xf32, #tpu.memory_space<vmem>>
    %dma_wait3A_612 = arith.constant 0 : i32
    %dma_wait3A_613 = tpu.memref_slice %arg2[%add3A_606, %dma_wait3A_612] : memref<8192x1024xf32, #tpu.memory_space<hbm>> -> memref<32x1024xf32, #tpu.memory_space<hbm>>
    %dma_wait3A_614 = arith.constant 0 : i32
    %dma_wait3A_615 = arith.constant 0 : i32
    %dma_wait3A_616 = tpu.memref_slice %arg4[%dma_wait3A_607, %dma_wait3A_614, %dma_wait3A_615] : memref<2x32x1024xf32, #tpu.memory_space<vmem>> -> memref<1x32x1024xf32, #tpu.memory_space<vmem>>
    %dma_wait3A_617 = tpu.memref_squeeze %dma_wait3A_616 : memref<1x32x1024xf32, #tpu.memory_space<vmem>> -> memref<32x1024xf32, #tpu.memory_space<vmem>>
    %dma_wait3A_618 = arith.constant 0 : i32
    %dma_wait3A_619 = tpu.memref_slice %arg2[%add3A_606, %dma_wait3A_618] : memref<8192x1024xf32, #tpu.memory_space<hbm>> -> memref<32x1024xf32, #tpu.memory_space<hbm>>
    tpu.wait_dma2 semaphore(%arg5 : memref<!tpu.dma_semaphore, #tpu.memory_space<semaphore_mem>>) src(%dma_wait3A_619 : memref<32x1024xf32, #tpu.memory_space<hbm>>) dst(%dma_wait3A_617 : memref<32x1024xf32, #tpu.memory_space<vmem>>)
    %sub3A_620 = arith.constant 32 : i32
    %sub3A_621 = arith.subi %add3A_606, %sub3A_620 : i32
    %dma_wait3A_622 = arith.constant 1 : i32
    %dma_wait3A_623 = arith.constant 0 : i32
    %dma_wait3A_624 = arith.constant 0 : i32
    %dma_wait3A_625 = arith.constant 0 : i32
    %dma_wait3A_626 = tpu.memref_slice %arg4[%dma_wait3A_622, %dma_wait3A_624, %dma_wait3A_625] : memref<2x32x1024xf32, #tpu.memory_space<vmem>> -> memref<1x32x1024xf32, #tpu.memory_space<vmem>>
    %dma_wait3A_627 = tpu.memref_squeeze %dma_wait3A_626 : memref<1x32x1024xf32, #tpu.memory_space<vmem>> -> memref<32x1024xf32, #tpu.memory_space<vmem>>
    %dma_wait3A_628 = arith.constant 0 : i32
    %dma_wait3A_629 = tpu.memref_slice %arg3[%dma_wait3A_623, %sub3A_621, %dma_wait3A_628] : memref<4x8192x1024xf32, #tpu.memory_space<hbm>> -> memref<1x32x1024xf32, #tpu.memory_space<hbm>>
    %dma_wait3A_630 = tpu.memref_squeeze %dma_wait3A_629 : memref<1x32x1024xf32, #tpu.memory_space<hbm>> -> memref<32x1024xf32, #tpu.memory_space<hbm>>
    %dma_wait3A_631 = arith.constant 0 : i32
    %dma_wait3A_632 = tpu.memref_slice %arg3[%dma_wait3A_623, %sub3A_621, %dma_wait3A_631] : memref<4x8192x1024xf32, #tpu.memory_space<hbm>> -> memref<1x32x1024xf32, #tpu.memory_space<hbm>>
    %dma_wait3A_633 = tpu.memref_squeeze %dma_wait3A_632 : memref<1x32x1024xf32, #tpu.memory_space<hbm>> -> memref<32x1024xf32, #tpu.memory_space<hbm>>
    %dma_wait3A_634 = arith.constant 0 : i32
    %dma_wait3A_635 = arith.constant 0 : i32
    %dma_wait3A_636 = tpu.memref_slice %arg4[%dma_wait3A_622, %dma_wait3A_634, %dma_wait3A_635] : memref<2x32x1024xf32, #tpu.memory_space<vmem>> -> memref<1x32x1024xf32, #tpu.memory_space<vmem>>
    %dma_wait3A_637 = tpu.memref_squeeze %dma_wait3A_636 : memref<1x32x1024xf32, #tpu.memory_space<vmem>> -> memref<32x1024xf32, #tpu.memory_space<vmem>>
    tpu.wait_dma2 semaphore(%arg6 : memref<!tpu.dma_semaphore, #tpu.memory_space<semaphore_mem>>) src(%dma_wait3A_637 : memref<32x1024xf32, #tpu.memory_space<vmem>>) dst(%dma_wait3A_633 : memref<32x1024xf32, #tpu.memory_space<hbm>>)
    %sub3A_638 = arith.constant 32 : i32
    %sub3A_639 = arith.subi %add3A_606, %sub3A_638 : i32
    %dma_wait3A_640 = arith.constant 1 : i32
    %dma_wait3A_641 = arith.constant 1 : i32
    %dma_wait3A_642 = arith.constant 0 : i32
    %dma_wait3A_643 = arith.constant 0 : i32
    %dma_wait3A_644 = tpu.memref_slice %arg4[%dma_wait3A_640, %dma_wait3A_642, %dma_wait3A_643] : memref<2x32x1024xf32, #tpu.memory_space<vmem>> -> memref<1x32x1024xf32, #tpu.memory_space<vmem>>
    %dma_wait3A_645 = tpu.memref_squeeze %dma_wait3A_644 : memref<1x32x1024xf32, #tpu.memory_space<vmem>> -> memref<32x1024xf32, #tpu.memory_space<vmem>>
    %dma_wait3A_646 = arith.constant 0 : i32
    %dma_wait3A_647 = tpu.memref_slice %arg3[%dma_wait3A_641, %sub3A_639, %dma_wait3A_646] : memref<4x8192x1024xf32, #tpu.memory_space<hbm>> -> memref<1x32x1024xf32, #tpu.memory_space<hbm>>
    %dma_wait3A_648 = tpu.memref_squeeze %dma_wait3A_647 : memref<1x32x1024xf32, #tpu.memory_space<hbm>> -> memref<32x1024xf32, #tpu.memory_space<hbm>>
    %dma_wait3A_649 = arith.constant 0 : i32
    %dma_wait3A_650 = tpu.memref_slice %arg3[%dma_wait3A_641, %sub3A_639, %dma_wait3A_649] : memref<4x8192x1024xf32, #tpu.memory_space<hbm>> -> memref<1x32x1024xf32, #tpu.memory_space<hbm>>
    %dma_wait3A_651 = tpu.memref_squeeze %dma_wait3A_650 : memref<1x32x1024xf32, #tpu.memory_space<hbm>> -> memref<32x1024xf32, #tpu.memory_space<hbm>>
    %dma_wait3A_652 = arith.constant 0 : i32
    %dma_wait3A_653 = arith.constant 0 : i32
    %dma_wait3A_654 = tpu.memref_slice %arg4[%dma_wait3A_640, %dma_wait3A_652, %dma_wait3A_653] : memref<2x32x1024xf32, #tpu.memory_space<vmem>> -> memref<1x32x1024xf32, #tpu.memory_space<vmem>>
    %dma_wait3A_655 = tpu.memref_squeeze %dma_wait3A_654 : memref<1x32x1024xf32, #tpu.memory_space<vmem>> -> memref<32x1024xf32, #tpu.memory_space<vmem>>
    tpu.wait_dma2 semaphore(%arg6 : memref<!tpu.dma_semaphore, #tpu.memory_space<semaphore_mem>>) src(%dma_wait3A_655 : memref<32x1024xf32, #tpu.memory_space<vmem>>) dst(%dma_wait3A_651 : memref<32x1024xf32, #tpu.memory_space<hbm>>)
    %sub3A_656 = arith.constant 32 : i32
    %sub3A_657 = arith.subi %add3A_606, %sub3A_656 : i32
    %dma_wait3A_658 = arith.constant 1 : i32
    %dma_wait3A_659 = arith.constant 2 : i32
    %dma_wait3A_660 = arith.constant 0 : i32
    %dma_wait3A_661 = arith.constant 0 : i32
    %dma_wait3A_662 = tpu.memref_slice %arg4[%dma_wait3A_658, %dma_wait3A_660, %dma_wait3A_661] : memref<2x32x1024xf32, #tpu.memory_space<vmem>> -> memref<1x32x1024xf32, #tpu.memory_space<vmem>>
    %dma_wait3A_663 = tpu.memref_squeeze %dma_wait3A_662 : memref<1x32x1024xf32, #tpu.memory_space<vmem>> -> memref<32x1024xf32, #tpu.memory_space<vmem>>
    %dma_wait3A_664 = arith.constant 0 : i32
    %dma_wait3A_665 = tpu.memref_slice %arg3[%dma_wait3A_659, %sub3A_657, %dma_wait3A_664] : memref<4x8192x1024xf32, #tpu.memory_space<hbm>> -> memref<1x32x1024xf32, #tpu.memory_space<hbm>>
    %dma_wait3A_666 = tpu.memref_squeeze %dma_wait3A_665 : memref<1x32x1024xf32, #tpu.memory_space<hbm>> -> memref<32x1024xf32, #tpu.memory_space<hbm>>
    %dma_wait3A_667 = arith.constant 0 : i32
    %dma_wait3A_668 = tpu.memref_slice %arg3[%dma_wait3A_659, %sub3A_657, %dma_wait3A_667] : memref<4x8192x1024xf32, #tpu.memory_space<hbm>> -> memref<1x32x1024xf32, #tpu.memory_space<hbm>>
    %dma_wait3A_669 = tpu.memref_squeeze %dma_wait3A_668 : memref<1x32x1024xf32, #tpu.memory_space<hbm>> -> memref<32x1024xf32, #tpu.memory_space<hbm>>
    %dma_wait3A_670 = arith.constant 0 : i32
    %dma_wait3A_671 = arith.constant 0 : i32
    %dma_wait3A_672 = tpu.memref_slice %arg4[%dma_wait3A_658, %dma_wait3A_670, %dma_wait3A_671] : memref<2x32x1024xf32, #tpu.memory_space<vmem>> -> memref<1x32x1024xf32, #tpu.memory_space<vmem>>
    %dma_wait3A_673 = tpu.memref_squeeze %dma_wait3A_672 : memref<1x32x1024xf32, #tpu.memory_space<vmem>> -> memref<32x1024xf32, #tpu.memory_space<vmem>>
    tpu.wait_dma2 semaphore(%arg6 : memref<!tpu.dma_semaphore, #tpu.memory_space<semaphore_mem>>) src(%dma_wait3A_673 : memref<32x1024xf32, #tpu.memory_space<vmem>>) dst(%dma_wait3A_669 : memref<32x1024xf32, #tpu.memory_space<hbm>>)
    %sub3A_674 = arith.constant 32 : i32
    %sub3A_675 = arith.subi %add3A_606, %sub3A_674 : i32
    %dma_wait3A_676 = arith.constant 1 : i32
    %dma_wait3A_677 = arith.constant 3 : i32
    %dma_wait3A_678 = arith.constant 0 : i32
    %dma_wait3A_679 = arith.constant 0 : i32
    %dma_wait3A_680 = tpu.memref_slice %arg4[%dma_wait3A_676, %dma_wait3A_678, %dma_wait3A_679] : memref<2x32x1024xf32, #tpu.memory_space<vmem>> -> memref<1x32x1024xf32, #tpu.memory_space<vmem>>
    %dma_wait3A_681 = tpu.memref_squeeze %dma_wait3A_680 : memref<1x32x1024xf32, #tpu.memory_space<vmem>> -> memref<32x1024xf32, #tpu.memory_space<vmem>>
    %dma_wait3A_682 = arith.constant 0 : i32
    %dma_wait3A_683 = tpu.memref_slice %arg3[%dma_wait3A_677, %sub3A_675, %dma_wait3A_682] : memref<4x8192x1024xf32, #tpu.memory_space<hbm>> -> memref<1x32x1024xf32, #tpu.memory_space<hbm>>
    %dma_wait3A_684 = tpu.memref_squeeze %dma_wait3A_683 : memref<1x32x1024xf32, #tpu.memory_space<hbm>> -> memref<32x1024xf32, #tpu.memory_space<hbm>>
    %dma_wait3A_685 = arith.constant 0 : i32
    %dma_wait3A_686 = tpu.memref_slice %arg3[%dma_wait3A_677, %sub3A_675, %dma_wait3A_685] : memref<4x8192x1024xf32, #tpu.memory_space<hbm>> -> memref<1x32x1024xf32, #tpu.memory_space<hbm>>
    %dma_wait3A_687 = tpu.memref_squeeze %dma_wait3A_686 : memref<1x32x1024xf32, #tpu.memory_space<hbm>> -> memref<32x1024xf32, #tpu.memory_space<hbm>>
    %dma_wait3A_688 = arith.constant 0 : i32
    %dma_wait3A_689 = arith.constant 0 : i32
    %dma_wait3A_690 = tpu.memref_slice %arg4[%dma_wait3A_676, %dma_wait3A_688, %dma_wait3A_689] : memref<2x32x1024xf32, #tpu.memory_space<vmem>> -> memref<1x32x1024xf32, #tpu.memory_space<vmem>>
    %dma_wait3A_691 = tpu.memref_squeeze %dma_wait3A_690 : memref<1x32x1024xf32, #tpu.memory_space<vmem>> -> memref<32x1024xf32, #tpu.memory_space<vmem>>
    tpu.wait_dma2 semaphore(%arg6 : memref<!tpu.dma_semaphore, #tpu.memory_space<semaphore_mem>>) src(%dma_wait3A_691 : memref<32x1024xf32, #tpu.memory_space<vmem>>) dst(%dma_wait3A_687 : memref<32x1024xf32, #tpu.memory_space<hbm>>)
    %add3A_692 = arith.constant 32 : i32
    %add3A_693 = arith.addi %add3A_606, %add3A_692 : i32
    %dma_start3A_694 = arith.constant 1 : i32
    %dma_start3A_695 = arith.constant 0 : i32
    %dma_start3A_696 = arith.constant 0 : i32
    %dma_start3A_697 = tpu.memref_slice %arg4[%dma_start3A_694, %dma_start3A_695, %dma_start3A_696] : memref<2x32x1024xf32, #tpu.memory_space<vmem>> -> memref<1x32x1024xf32, #tpu.memory_space<vmem>>
    %dma_start3A_698 = tpu.memref_squeeze %dma_start3A_697 : memref<1x32x1024xf32, #tpu.memory_space<vmem>> -> memref<32x1024xf32, #tpu.memory_space<vmem>>
    %dma_start3A_699 = arith.constant 0 : i32
    %dma_start3A_700 = tpu.memref_slice %arg2[%add3A_693, %dma_start3A_699] : memref<8192x1024xf32, #tpu.memory_space<hbm>> -> memref<32x1024xf32, #tpu.memory_space<hbm>>
    %dma_start3A_701 = arith.constant 0 : i32
    %dma_start3A_702 = arith.constant 0 : i32
    %dma_start3A_703 = tpu.memref_slice %arg4[%dma_start3A_694, %dma_start3A_701, %dma_start3A_702] : memref<2x32x1024xf32, #tpu.memory_space<vmem>> -> memref<1x32x1024xf32, #tpu.memory_space<vmem>>
    %dma_start3A_704 = tpu.memref_squeeze %dma_start3A_703 : memref<1x32x1024xf32, #tpu.memory_space<vmem>> -> memref<32x1024xf32, #tpu.memory_space<vmem>>
    %dma_start3A_705 = arith.constant 0 : i32
    %dma_start3A_706 = tpu.memref_slice %arg2[%add3A_693, %dma_start3A_705] : memref<8192x1024xf32, #tpu.memory_space<hbm>> -> memref<32x1024xf32, #tpu.memory_space<hbm>>
    tpu.enqueue_dma source(%dma_start3A_706 : memref<32x1024xf32, #tpu.memory_space<hbm>>) target(%dma_start3A_704 : memref<32x1024xf32, #tpu.memory_space<vmem>>) target_semaphore(%arg5 : memref<!tpu.dma_semaphore, #tpu.memory_space<semaphore_mem>>)
    %dma_start3A_707 = arith.constant 0 : i32
    %dma_start3A_708 = arith.constant 0 : i32
    %dma_start3A_709 = arith.constant 0 : i32
    %dma_start3A_710 = arith.constant 0 : i32
    %dma_start3A_711 = tpu.memref_slice %arg4[%dma_start3A_707, %dma_start3A_709, %dma_start3A_710] : memref<2x32x1024xf32, #tpu.memory_space<vmem>> -> memref<1x32x1024xf32, #tpu.memory_space<vmem>>
    %dma_start3A_712 = tpu.memref_squeeze %dma_start3A_711 : memref<1x32x1024xf32, #tpu.memory_space<vmem>> -> memref<32x1024xf32, #tpu.memory_space<vmem>>
    %dma_start3A_713 = arith.constant 0 : i32
    %dma_start3A_714 = tpu.memref_slice %arg3[%dma_start3A_708, %add3A_606, %dma_start3A_713] : memref<4x8192x1024xf32, #tpu.memory_space<hbm>> -> memref<1x32x1024xf32, #tpu.memory_space<hbm>>
    %dma_start3A_715 = tpu.memref_squeeze %dma_start3A_714 : memref<1x32x1024xf32, #tpu.memory_space<hbm>> -> memref<32x1024xf32, #tpu.memory_space<hbm>>
    %dma_start3A_716 = arith.constant 0 : i32
    %dma_start3A_717 = tpu.memref_slice %arg3[%dma_start3A_708, %add3A_606, %dma_start3A_716] : memref<4x8192x1024xf32, #tpu.memory_space<hbm>> -> memref<1x32x1024xf32, #tpu.memory_space<hbm>>
    %dma_start3A_718 = tpu.memref_squeeze %dma_start3A_717 : memref<1x32x1024xf32, #tpu.memory_space<hbm>> -> memref<32x1024xf32, #tpu.memory_space<hbm>>
    %dma_start3A_719 = arith.constant 0 : i32
    %dma_start3A_720 = arith.constant 0 : i32
    %dma_start3A_721 = tpu.memref_slice %arg4[%dma_start3A_707, %dma_start3A_719, %dma_start3A_720] : memref<2x32x1024xf32, #tpu.memory_space<vmem>> -> memref<1x32x1024xf32, #tpu.memory_space<vmem>>
    %dma_start3A_722 = tpu.memref_squeeze %dma_start3A_721 : memref<1x32x1024xf32, #tpu.memory_space<vmem>> -> memref<32x1024xf32, #tpu.memory_space<vmem>>
    tpu.enqueue_dma source(%dma_start3A_722 : memref<32x1024xf32, #tpu.memory_space<vmem>>) target(%dma_start3A_718 : memref<32x1024xf32, #tpu.memory_space<hbm>>) target_semaphore(%arg6 : memref<!tpu.dma_semaphore, #tpu.memory_space<semaphore_mem>>)
    %dma_start3A_723 = arith.constant 0 : i32
    %dma_start3A_724 = arith.constant 1 : i32
    %dma_start3A_725 = arith.constant 0 : i32
    %dma_start3A_726 = arith.constant 0 : i32
    %dma_start3A_727 = tpu.memref_slice %arg4[%dma_start3A_723, %dma_start3A_725, %dma_start3A_726] : memref<2x32x1024xf32, #tpu.memory_space<vmem>> -> memref<1x32x1024xf32, #tpu.memory_space<vmem>>
    %dma_start3A_728 = tpu.memref_squeeze %dma_start3A_727 : memref<1x32x1024xf32, #tpu.memory_space<vmem>> -> memref<32x1024xf32, #tpu.memory_space<vmem>>
    %dma_start3A_729 = arith.constant 0 : i32
    %dma_start3A_730 = tpu.memref_slice %arg3[%dma_start3A_724, %add3A_606, %dma_start3A_729] : memref<4x8192x1024xf32, #tpu.memory_space<hbm>> -> memref<1x32x1024xf32, #tpu.memory_space<hbm>>
    %dma_start3A_731 = tpu.memref_squeeze %dma_start3A_730 : memref<1x32x1024xf32, #tpu.memory_space<hbm>> -> memref<32x1024xf32, #tpu.memory_space<hbm>>
    %dma_start3A_732 = arith.constant 0 : i32
    %dma_start3A_733 = tpu.memref_slice %arg3[%dma_start3A_724, %add3A_606, %dma_start3A_732] : memref<4x8192x1024xf32, #tpu.memory_space<hbm>> -> memref<1x32x1024xf32, #tpu.memory_space<hbm>>
    %dma_start3A_734 = tpu.memref_squeeze %dma_start3A_733 : memref<1x32x1024xf32, #tpu.memory_space<hbm>> -> memref<32x1024xf32, #tpu.memory_space<hbm>>
    %dma_start3A_735 = arith.constant 0 : i32
    %dma_start3A_736 = arith.constant 0 : i32
    %dma_start3A_737 = tpu.memref_slice %arg4[%dma_start3A_723, %dma_start3A_735, %dma_start3A_736] : memref<2x32x1024xf32, #tpu.memory_space<vmem>> -> memref<1x32x1024xf32, #tpu.memory_space<vmem>>
    %dma_start3A_738 = tpu.memref_squeeze %dma_start3A_737 : memref<1x32x1024xf32, #tpu.memory_space<vmem>> -> memref<32x1024xf32, #tpu.memory_space<vmem>>
    tpu.enqueue_dma source(%dma_start3A_738 : memref<32x1024xf32, #tpu.memory_space<vmem>>) target(%dma_start3A_734 : memref<32x1024xf32, #tpu.memory_space<hbm>>) target_semaphore(%arg6 : memref<!tpu.dma_semaphore, #tpu.memory_space<semaphore_mem>>)
    %dma_start3A_739 = arith.constant 0 : i32
    %dma_start3A_740 = arith.constant 2 : i32
    %dma_start3A_741 = arith.constant 0 : i32
    %dma_start3A_742 = arith.constant 0 : i32
    %dma_start3A_743 = tpu.memref_slice %arg4[%dma_start3A_739, %dma_start3A_741, %dma_start3A_742] : memref<2x32x1024xf32, #tpu.memory_space<vmem>> -> memref<1x32x1024xf32, #tpu.memory_space<vmem>>
    %dma_start3A_744 = tpu.memref_squeeze %dma_start3A_743 : memref<1x32x1024xf32, #tpu.memory_space<vmem>> -> memref<32x1024xf32, #tpu.memory_space<vmem>>
    %dma_start3A_745 = arith.constant 0 : i32
    %dma_start3A_746 = tpu.memref_slice %arg3[%dma_start3A_740, %add3A_606, %dma_start3A_745] : memref<4x8192x1024xf32, #tpu.memory_space<hbm>> -> memref<1x32x1024xf32, #tpu.memory_space<hbm>>
    %dma_start3A_747 = tpu.memref_squeeze %dma_start3A_746 : memref<1x32x1024xf32, #tpu.memory_space<hbm>> -> memref<32x1024xf32, #tpu.memory_space<hbm>>
    %dma_start3A_748 = arith.constant 0 : i32
    %dma_start3A_749 = tpu.memref_slice %arg3[%dma_start3A_740, %add3A_606, %dma_start3A_748] : memref<4x8192x1024xf32, #tpu.memory_space<hbm>> -> memref<1x32x1024xf32, #tpu.memory_space<hbm>>
    %dma_start3A_750 = tpu.memref_squeeze %dma_start3A_749 : memref<1x32x1024xf32, #tpu.memory_space<hbm>> -> memref<32x1024xf32, #tpu.memory_space<hbm>>
    %dma_start3A_751 = arith.constant 0 : i32
    %dma_start3A_752 = arith.constant 0 : i32
    %dma_start3A_753 = tpu.memref_slice %arg4[%dma_start3A_739, %dma_start3A_751, %dma_start3A_752] : memref<2x32x1024xf32, #tpu.memory_space<vmem>> -> memref<1x32x1024xf32, #tpu.memory_space<vmem>>
    %dma_start3A_754 = tpu.memref_squeeze %dma_start3A_753 : memref<1x32x1024xf32, #tpu.memory_space<vmem>> -> memref<32x1024xf32, #tpu.memory_space<vmem>>
    tpu.enqueue_dma source(%dma_start3A_754 : memref<32x1024xf32, #tpu.memory_space<vmem>>) target(%dma_start3A_750 : memref<32x1024xf32, #tpu.memory_space<hbm>>) target_semaphore(%arg6 : memref<!tpu.dma_semaphore, #tpu.memory_space<semaphore_mem>>)
    %dma_start3A_755 = arith.constant 0 : i32
    %dma_start3A_756 = arith.constant 3 : i32
    %dma_start3A_757 = arith.constant 0 : i32
    %dma_start3A_758 = arith.constant 0 : i32
    %dma_start3A_759 = tpu.memref_slice %arg4[%dma_start3A_755, %dma_start3A_757, %dma_start3A_758] : memref<2x32x1024xf32, #tpu.memory_space<vmem>> -> memref<1x32x1024xf32, #tpu.memory_space<vmem>>
    %dma_start3A_760 = tpu.memref_squeeze %dma_start3A_759 : memref<1x32x1024xf32, #tpu.memory_space<vmem>> -> memref<32x1024xf32, #tpu.memory_space<vmem>>
    %dma_start3A_761 = arith.constant 0 : i32
    %dma_start3A_762 = tpu.memref_slice %arg3[%dma_start3A_756, %add3A_606, %dma_start3A_761] : memref<4x8192x1024xf32, #tpu.memory_space<hbm>> -> memref<1x32x1024xf32, #tpu.memory_space<hbm>>
    %dma_start3A_763 = tpu.memref_squeeze %dma_start3A_762 : memref<1x32x1024xf32, #tpu.memory_space<hbm>> -> memref<32x1024xf32, #tpu.memory_space<hbm>>
    %dma_start3A_764 = arith.constant 0 : i32
    %dma_start3A_765 = tpu.memref_slice %arg3[%dma_start3A_756, %add3A_606, %dma_start3A_764] : memref<4x8192x1024xf32, #tpu.memory_space<hbm>> -> memref<1x32x1024xf32, #tpu.memory_space<hbm>>
    %dma_start3A_766 = tpu.memref_squeeze %dma_start3A_765 : memref<1x32x1024xf32, #tpu.memory_space<hbm>> -> memref<32x1024xf32, #tpu.memory_space<hbm>>
    %dma_start3A_767 = arith.constant 0 : i32
    %dma_start3A_768 = arith.constant 0 : i32
    %dma_start3A_769 = tpu.memref_slice %arg4[%dma_start3A_755, %dma_start3A_767, %dma_start3A_768] : memref<2x32x1024xf32, #tpu.memory_space<vmem>> -> memref<1x32x1024xf32, #tpu.memory_space<vmem>>
    %dma_start3A_770 = tpu.memref_squeeze %dma_start3A_769 : memref<1x32x1024xf32, #tpu.memory_space<vmem>> -> memref<32x1024xf32, #tpu.memory_space<vmem>>
    tpu.enqueue_dma source(%dma_start3A_770 : memref<32x1024xf32, #tpu.memory_space<vmem>>) target(%dma_start3A_766 : memref<32x1024xf32, #tpu.memory_space<hbm>>) target_semaphore(%arg6 : memref<!tpu.dma_semaphore, #tpu.memory_space<semaphore_mem>>)
    %add3A_771 = arith.constant 160 : i32
    %add3A_772 = arith.addi %mul3A_2, %add3A_771 : i32
    %dma_wait3A_773 = arith.constant 1 : i32
    %dma_wait3A_774 = arith.constant 0 : i32
    %dma_wait3A_775 = arith.constant 0 : i32
    %dma_wait3A_776 = tpu.memref_slice %arg4[%dma_wait3A_773, %dma_wait3A_774, %dma_wait3A_775] : memref<2x32x1024xf32, #tpu.memory_space<vmem>> -> memref<1x32x1024xf32, #tpu.memory_space<vmem>>
    %dma_wait3A_777 = tpu.memref_squeeze %dma_wait3A_776 : memref<1x32x1024xf32, #tpu.memory_space<vmem>> -> memref<32x1024xf32, #tpu.memory_space<vmem>>
    %dma_wait3A_778 = arith.constant 0 : i32
    %dma_wait3A_779 = tpu.memref_slice %arg2[%add3A_772, %dma_wait3A_778] : memref<8192x1024xf32, #tpu.memory_space<hbm>> -> memref<32x1024xf32, #tpu.memory_space<hbm>>
    %dma_wait3A_780 = arith.constant 0 : i32
    %dma_wait3A_781 = arith.constant 0 : i32
    %dma_wait3A_782 = tpu.memref_slice %arg4[%dma_wait3A_773, %dma_wait3A_780, %dma_wait3A_781] : memref<2x32x1024xf32, #tpu.memory_space<vmem>> -> memref<1x32x1024xf32, #tpu.memory_space<vmem>>
    %dma_wait3A_783 = tpu.memref_squeeze %dma_wait3A_782 : memref<1x32x1024xf32, #tpu.memory_space<vmem>> -> memref<32x1024xf32, #tpu.memory_space<vmem>>
    %dma_wait3A_784 = arith.constant 0 : i32
    %dma_wait3A_785 = tpu.memref_slice %arg2[%add3A_772, %dma_wait3A_784] : memref<8192x1024xf32, #tpu.memory_space<hbm>> -> memref<32x1024xf32, #tpu.memory_space<hbm>>
    tpu.wait_dma2 semaphore(%arg5 : memref<!tpu.dma_semaphore, #tpu.memory_space<semaphore_mem>>) src(%dma_wait3A_785 : memref<32x1024xf32, #tpu.memory_space<hbm>>) dst(%dma_wait3A_783 : memref<32x1024xf32, #tpu.memory_space<vmem>>)
    %sub3A_786 = arith.constant 32 : i32
    %sub3A_787 = arith.subi %add3A_772, %sub3A_786 : i32
    %dma_wait3A_788 = arith.constant 0 : i32
    %dma_wait3A_789 = arith.constant 0 : i32
    %dma_wait3A_790 = arith.constant 0 : i32
    %dma_wait3A_791 = arith.constant 0 : i32
    %dma_wait3A_792 = tpu.memref_slice %arg4[%dma_wait3A_788, %dma_wait3A_790, %dma_wait3A_791] : memref<2x32x1024xf32, #tpu.memory_space<vmem>> -> memref<1x32x1024xf32, #tpu.memory_space<vmem>>
    %dma_wait3A_793 = tpu.memref_squeeze %dma_wait3A_792 : memref<1x32x1024xf32, #tpu.memory_space<vmem>> -> memref<32x1024xf32, #tpu.memory_space<vmem>>
    %dma_wait3A_794 = arith.constant 0 : i32
    %dma_wait3A_795 = tpu.memref_slice %arg3[%dma_wait3A_789, %sub3A_787, %dma_wait3A_794] : memref<4x8192x1024xf32, #tpu.memory_space<hbm>> -> memref<1x32x1024xf32, #tpu.memory_space<hbm>>
    %dma_wait3A_796 = tpu.memref_squeeze %dma_wait3A_795 : memref<1x32x1024xf32, #tpu.memory_space<hbm>> -> memref<32x1024xf32, #tpu.memory_space<hbm>>
    %dma_wait3A_797 = arith.constant 0 : i32
    %dma_wait3A_798 = tpu.memref_slice %arg3[%dma_wait3A_789, %sub3A_787, %dma_wait3A_797] : memref<4x8192x1024xf32, #tpu.memory_space<hbm>> -> memref<1x32x1024xf32, #tpu.memory_space<hbm>>
    %dma_wait3A_799 = tpu.memref_squeeze %dma_wait3A_798 : memref<1x32x1024xf32, #tpu.memory_space<hbm>> -> memref<32x1024xf32, #tpu.memory_space<hbm>>
    %dma_wait3A_800 = arith.constant 0 : i32
    %dma_wait3A_801 = arith.constant 0 : i32
    %dma_wait3A_802 = tpu.memref_slice %arg4[%dma_wait3A_788, %dma_wait3A_800, %dma_wait3A_801] : memref<2x32x1024xf32, #tpu.memory_space<vmem>> -> memref<1x32x1024xf32, #tpu.memory_space<vmem>>
    %dma_wait3A_803 = tpu.memref_squeeze %dma_wait3A_802 : memref<1x32x1024xf32, #tpu.memory_space<vmem>> -> memref<32x1024xf32, #tpu.memory_space<vmem>>
    tpu.wait_dma2 semaphore(%arg6 : memref<!tpu.dma_semaphore, #tpu.memory_space<semaphore_mem>>) src(%dma_wait3A_803 : memref<32x1024xf32, #tpu.memory_space<vmem>>) dst(%dma_wait3A_799 : memref<32x1024xf32, #tpu.memory_space<hbm>>)
    %sub3A_804 = arith.constant 32 : i32
    %sub3A_805 = arith.subi %add3A_772, %sub3A_804 : i32
    %dma_wait3A_806 = arith.constant 0 : i32
    %dma_wait3A_807 = arith.constant 1 : i32
    %dma_wait3A_808 = arith.constant 0 : i32
    %dma_wait3A_809 = arith.constant 0 : i32
    %dma_wait3A_810 = tpu.memref_slice %arg4[%dma_wait3A_806, %dma_wait3A_808, %dma_wait3A_809] : memref<2x32x1024xf32, #tpu.memory_space<vmem>> -> memref<1x32x1024xf32, #tpu.memory_space<vmem>>
    %dma_wait3A_811 = tpu.memref_squeeze %dma_wait3A_810 : memref<1x32x1024xf32, #tpu.memory_space<vmem>> -> memref<32x1024xf32, #tpu.memory_space<vmem>>
    %dma_wait3A_812 = arith.constant 0 : i32
    %dma_wait3A_813 = tpu.memref_slice %arg3[%dma_wait3A_807, %sub3A_805, %dma_wait3A_812] : memref<4x8192x1024xf32, #tpu.memory_space<hbm>> -> memref<1x32x1024xf32, #tpu.memory_space<hbm>>
    %dma_wait3A_814 = tpu.memref_squeeze %dma_wait3A_813 : memref<1x32x1024xf32, #tpu.memory_space<hbm>> -> memref<32x1024xf32, #tpu.memory_space<hbm>>
    %dma_wait3A_815 = arith.constant 0 : i32
    %dma_wait3A_816 = tpu.memref_slice %arg3[%dma_wait3A_807, %sub3A_805, %dma_wait3A_815] : memref<4x8192x1024xf32, #tpu.memory_space<hbm>> -> memref<1x32x1024xf32, #tpu.memory_space<hbm>>
    %dma_wait3A_817 = tpu.memref_squeeze %dma_wait3A_816 : memref<1x32x1024xf32, #tpu.memory_space<hbm>> -> memref<32x1024xf32, #tpu.memory_space<hbm>>
    %dma_wait3A_818 = arith.constant 0 : i32
    %dma_wait3A_819 = arith.constant 0 : i32
    %dma_wait3A_820 = tpu.memref_slice %arg4[%dma_wait3A_806, %dma_wait3A_818, %dma_wait3A_819] : memref<2x32x1024xf32, #tpu.memory_space<vmem>> -> memref<1x32x1024xf32, #tpu.memory_space<vmem>>
    %dma_wait3A_821 = tpu.memref_squeeze %dma_wait3A_820 : memref<1x32x1024xf32, #tpu.memory_space<vmem>> -> memref<32x1024xf32, #tpu.memory_space<vmem>>
    tpu.wait_dma2 semaphore(%arg6 : memref<!tpu.dma_semaphore, #tpu.memory_space<semaphore_mem>>) src(%dma_wait3A_821 : memref<32x1024xf32, #tpu.memory_space<vmem>>) dst(%dma_wait3A_817 : memref<32x1024xf32, #tpu.memory_space<hbm>>)
    %sub3A_822 = arith.constant 32 : i32
    %sub3A_823 = arith.subi %add3A_772, %sub3A_822 : i32
    %dma_wait3A_824 = arith.constant 0 : i32
    %dma_wait3A_825 = arith.constant 2 : i32
    %dma_wait3A_826 = arith.constant 0 : i32
    %dma_wait3A_827 = arith.constant 0 : i32
    %dma_wait3A_828 = tpu.memref_slice %arg4[%dma_wait3A_824, %dma_wait3A_826, %dma_wait3A_827] : memref<2x32x1024xf32, #tpu.memory_space<vmem>> -> memref<1x32x1024xf32, #tpu.memory_space<vmem>>
    %dma_wait3A_829 = tpu.memref_squeeze %dma_wait3A_828 : memref<1x32x1024xf32, #tpu.memory_space<vmem>> -> memref<32x1024xf32, #tpu.memory_space<vmem>>
    %dma_wait3A_830 = arith.constant 0 : i32
    %dma_wait3A_831 = tpu.memref_slice %arg3[%dma_wait3A_825, %sub3A_823, %dma_wait3A_830] : memref<4x8192x1024xf32, #tpu.memory_space<hbm>> -> memref<1x32x1024xf32, #tpu.memory_space<hbm>>
    %dma_wait3A_832 = tpu.memref_squeeze %dma_wait3A_831 : memref<1x32x1024xf32, #tpu.memory_space<hbm>> -> memref<32x1024xf32, #tpu.memory_space<hbm>>
    %dma_wait3A_833 = arith.constant 0 : i32
    %dma_wait3A_834 = tpu.memref_slice %arg3[%dma_wait3A_825, %sub3A_823, %dma_wait3A_833] : memref<4x8192x1024xf32, #tpu.memory_space<hbm>> -> memref<1x32x1024xf32, #tpu.memory_space<hbm>>
    %dma_wait3A_835 = tpu.memref_squeeze %dma_wait3A_834 : memref<1x32x1024xf32, #tpu.memory_space<hbm>> -> memref<32x1024xf32, #tpu.memory_space<hbm>>
    %dma_wait3A_836 = arith.constant 0 : i32
    %dma_wait3A_837 = arith.constant 0 : i32
    %dma_wait3A_838 = tpu.memref_slice %arg4[%dma_wait3A_824, %dma_wait3A_836, %dma_wait3A_837] : memref<2x32x1024xf32, #tpu.memory_space<vmem>> -> memref<1x32x1024xf32, #tpu.memory_space<vmem>>
    %dma_wait3A_839 = tpu.memref_squeeze %dma_wait3A_838 : memref<1x32x1024xf32, #tpu.memory_space<vmem>> -> memref<32x1024xf32, #tpu.memory_space<vmem>>
    tpu.wait_dma2 semaphore(%arg6 : memref<!tpu.dma_semaphore, #tpu.memory_space<semaphore_mem>>) src(%dma_wait3A_839 : memref<32x1024xf32, #tpu.memory_space<vmem>>) dst(%dma_wait3A_835 : memref<32x1024xf32, #tpu.memory_space<hbm>>)
    %sub3A_840 = arith.constant 32 : i32
    %sub3A_841 = arith.subi %add3A_772, %sub3A_840 : i32
    %dma_wait3A_842 = arith.constant 0 : i32
    %dma_wait3A_843 = arith.constant 3 : i32
    %dma_wait3A_844 = arith.constant 0 : i32
    %dma_wait3A_845 = arith.constant 0 : i32
    %dma_wait3A_846 = tpu.memref_slice %arg4[%dma_wait3A_842, %dma_wait3A_844, %dma_wait3A_845] : memref<2x32x1024xf32, #tpu.memory_space<vmem>> -> memref<1x32x1024xf32, #tpu.memory_space<vmem>>
    %dma_wait3A_847 = tpu.memref_squeeze %dma_wait3A_846 : memref<1x32x1024xf32, #tpu.memory_space<vmem>> -> memref<32x1024xf32, #tpu.memory_space<vmem>>
    %dma_wait3A_848 = arith.constant 0 : i32
    %dma_wait3A_849 = tpu.memref_slice %arg3[%dma_wait3A_843, %sub3A_841, %dma_wait3A_848] : memref<4x8192x1024xf32, #tpu.memory_space<hbm>> -> memref<1x32x1024xf32, #tpu.memory_space<hbm>>
    %dma_wait3A_850 = tpu.memref_squeeze %dma_wait3A_849 : memref<1x32x1024xf32, #tpu.memory_space<hbm>> -> memref<32x1024xf32, #tpu.memory_space<hbm>>
    %dma_wait3A_851 = arith.constant 0 : i32
    %dma_wait3A_852 = tpu.memref_slice %arg3[%dma_wait3A_843, %sub3A_841, %dma_wait3A_851] : memref<4x8192x1024xf32, #tpu.memory_space<hbm>> -> memref<1x32x1024xf32, #tpu.memory_space<hbm>>
    %dma_wait3A_853 = tpu.memref_squeeze %dma_wait3A_852 : memref<1x32x1024xf32, #tpu.memory_space<hbm>> -> memref<32x1024xf32, #tpu.memory_space<hbm>>
    %dma_wait3A_854 = arith.constant 0 : i32
    %dma_wait3A_855 = arith.constant 0 : i32
    %dma_wait3A_856 = tpu.memref_slice %arg4[%dma_wait3A_842, %dma_wait3A_854, %dma_wait3A_855] : memref<2x32x1024xf32, #tpu.memory_space<vmem>> -> memref<1x32x1024xf32, #tpu.memory_space<vmem>>
    %dma_wait3A_857 = tpu.memref_squeeze %dma_wait3A_856 : memref<1x32x1024xf32, #tpu.memory_space<vmem>> -> memref<32x1024xf32, #tpu.memory_space<vmem>>
    tpu.wait_dma2 semaphore(%arg6 : memref<!tpu.dma_semaphore, #tpu.memory_space<semaphore_mem>>) src(%dma_wait3A_857 : memref<32x1024xf32, #tpu.memory_space<vmem>>) dst(%dma_wait3A_853 : memref<32x1024xf32, #tpu.memory_space<hbm>>)
    %add3A_858 = arith.constant 32 : i32
    %add3A_859 = arith.addi %add3A_772, %add3A_858 : i32
    %dma_start3A_860 = arith.constant 0 : i32
    %dma_start3A_861 = arith.constant 0 : i32
    %dma_start3A_862 = arith.constant 0 : i32
    %dma_start3A_863 = tpu.memref_slice %arg4[%dma_start3A_860, %dma_start3A_861, %dma_start3A_862] : memref<2x32x1024xf32, #tpu.memory_space<vmem>> -> memref<1x32x1024xf32, #tpu.memory_space<vmem>>
    %dma_start3A_864 = tpu.memref_squeeze %dma_start3A_863 : memref<1x32x1024xf32, #tpu.memory_space<vmem>> -> memref<32x1024xf32, #tpu.memory_space<vmem>>
    %dma_start3A_865 = arith.constant 0 : i32
    %dma_start3A_866 = tpu.memref_slice %arg2[%add3A_859, %dma_start3A_865] : memref<8192x1024xf32, #tpu.memory_space<hbm>> -> memref<32x1024xf32, #tpu.memory_space<hbm>>
    %dma_start3A_867 = arith.constant 0 : i32
    %dma_start3A_868 = arith.constant 0 : i32
    %dma_start3A_869 = tpu.memref_slice %arg4[%dma_start3A_860, %dma_start3A_867, %dma_start3A_868] : memref<2x32x1024xf32, #tpu.memory_space<vmem>> -> memref<1x32x1024xf32, #tpu.memory_space<vmem>>
    %dma_start3A_870 = tpu.memref_squeeze %dma_start3A_869 : memref<1x32x1024xf32, #tpu.memory_space<vmem>> -> memref<32x1024xf32, #tpu.memory_space<vmem>>
    %dma_start3A_871 = arith.constant 0 : i32
    %dma_start3A_872 = tpu.memref_slice %arg2[%add3A_859, %dma_start3A_871] : memref<8192x1024xf32, #tpu.memory_space<hbm>> -> memref<32x1024xf32, #tpu.memory_space<hbm>>
    tpu.enqueue_dma source(%dma_start3A_872 : memref<32x1024xf32, #tpu.memory_space<hbm>>) target(%dma_start3A_870 : memref<32x1024xf32, #tpu.memory_space<vmem>>) target_semaphore(%arg5 : memref<!tpu.dma_semaphore, #tpu.memory_space<semaphore_mem>>)
    %dma_start3A_873 = arith.constant 1 : i32
    %dma_start3A_874 = arith.constant 0 : i32
    %dma_start3A_875 = arith.constant 0 : i32
    %dma_start3A_876 = arith.constant 0 : i32
    %dma_start3A_877 = tpu.memref_slice %arg4[%dma_start3A_873, %dma_start3A_875, %dma_start3A_876] : memref<2x32x1024xf32, #tpu.memory_space<vmem>> -> memref<1x32x1024xf32, #tpu.memory_space<vmem>>
    %dma_start3A_878 = tpu.memref_squeeze %dma_start3A_877 : memref<1x32x1024xf32, #tpu.memory_space<vmem>> -> memref<32x1024xf32, #tpu.memory_space<vmem>>
    %dma_start3A_879 = arith.constant 0 : i32
    %dma_start3A_880 = tpu.memref_slice %arg3[%dma_start3A_874, %add3A_772, %dma_start3A_879] : memref<4x8192x1024xf32, #tpu.memory_space<hbm>> -> memref<1x32x1024xf32, #tpu.memory_space<hbm>>
    %dma_start3A_881 = tpu.memref_squeeze %dma_start3A_880 : memref<1x32x1024xf32, #tpu.memory_space<hbm>> -> memref<32x1024xf32, #tpu.memory_space<hbm>>
    %dma_start3A_882 = arith.constant 0 : i32
    %dma_start3A_883 = tpu.memref_slice %arg3[%dma_start3A_874, %add3A_772, %dma_start3A_882] : memref<4x8192x1024xf32, #tpu.memory_space<hbm>> -> memref<1x32x1024xf32, #tpu.memory_space<hbm>>
    %dma_start3A_884 = tpu.memref_squeeze %dma_start3A_883 : memref<1x32x1024xf32, #tpu.memory_space<hbm>> -> memref<32x1024xf32, #tpu.memory_space<hbm>>
    %dma_start3A_885 = arith.constant 0 : i32
    %dma_start3A_886 = arith.constant 0 : i32
    %dma_start3A_887 = tpu.memref_slice %arg4[%dma_start3A_873, %dma_start3A_885, %dma_start3A_886] : memref<2x32x1024xf32, #tpu.memory_space<vmem>> -> memref<1x32x1024xf32, #tpu.memory_space<vmem>>
    %dma_start3A_888 = tpu.memref_squeeze %dma_start3A_887 : memref<1x32x1024xf32, #tpu.memory_space<vmem>> -> memref<32x1024xf32, #tpu.memory_space<vmem>>
    tpu.enqueue_dma source(%dma_start3A_888 : memref<32x1024xf32, #tpu.memory_space<vmem>>) target(%dma_start3A_884 : memref<32x1024xf32, #tpu.memory_space<hbm>>) target_semaphore(%arg6 : memref<!tpu.dma_semaphore, #tpu.memory_space<semaphore_mem>>)
    %dma_start3A_889 = arith.constant 1 : i32
    %dma_start3A_890 = arith.constant 1 : i32
    %dma_start3A_891 = arith.constant 0 : i32
    %dma_start3A_892 = arith.constant 0 : i32
    %dma_start3A_893 = tpu.memref_slice %arg4[%dma_start3A_889, %dma_start3A_891, %dma_start3A_892] : memref<2x32x1024xf32, #tpu.memory_space<vmem>> -> memref<1x32x1024xf32, #tpu.memory_space<vmem>>
    %dma_start3A_894 = tpu.memref_squeeze %dma_start3A_893 : memref<1x32x1024xf32, #tpu.memory_space<vmem>> -> memref<32x1024xf32, #tpu.memory_space<vmem>>
    %dma_start3A_895 = arith.constant 0 : i32
    %dma_start3A_896 = tpu.memref_slice %arg3[%dma_start3A_890, %add3A_772, %dma_start3A_895] : memref<4x8192x1024xf32, #tpu.memory_space<hbm>> -> memref<1x32x1024xf32, #tpu.memory_space<hbm>>
    %dma_start3A_897 = tpu.memref_squeeze %dma_start3A_896 : memref<1x32x1024xf32, #tpu.memory_space<hbm>> -> memref<32x1024xf32, #tpu.memory_space<hbm>>
    %dma_start3A_898 = arith.constant 0 : i32
    %dma_start3A_899 = tpu.memref_slice %arg3[%dma_start3A_890, %add3A_772, %dma_start3A_898] : memref<4x8192x1024xf32, #tpu.memory_space<hbm>> -> memref<1x32x1024xf32, #tpu.memory_space<hbm>>
    %dma_start3A_900 = tpu.memref_squeeze %dma_start3A_899 : memref<1x32x1024xf32, #tpu.memory_space<hbm>> -> memref<32x1024xf32, #tpu.memory_space<hbm>>
    %dma_start3A_901 = arith.constant 0 : i32
    %dma_start3A_902 = arith.constant 0 : i32
    %dma_start3A_903 = tpu.memref_slice %arg4[%dma_start3A_889, %dma_start3A_901, %dma_start3A_902] : memref<2x32x1024xf32, #tpu.memory_space<vmem>> -> memref<1x32x1024xf32, #tpu.memory_space<vmem>>
    %dma_start3A_904 = tpu.memref_squeeze %dma_start3A_903 : memref<1x32x1024xf32, #tpu.memory_space<vmem>> -> memref<32x1024xf32, #tpu.memory_space<vmem>>
    tpu.enqueue_dma source(%dma_start3A_904 : memref<32x1024xf32, #tpu.memory_space<vmem>>) target(%dma_start3A_900 : memref<32x1024xf32, #tpu.memory_space<hbm>>) target_semaphore(%arg6 : memref<!tpu.dma_semaphore, #tpu.memory_space<semaphore_mem>>)
    %dma_start3A_905 = arith.constant 1 : i32
    %dma_start3A_906 = arith.constant 2 : i32
    %dma_start3A_907 = arith.constant 0 : i32
    %dma_start3A_908 = arith.constant 0 : i32
    %dma_start3A_909 = tpu.memref_slice %arg4[%dma_start3A_905, %dma_start3A_907, %dma_start3A_908] : memref<2x32x1024xf32, #tpu.memory_space<vmem>> -> memref<1x32x1024xf32, #tpu.memory_space<vmem>>
    %dma_start3A_910 = tpu.memref_squeeze %dma_start3A_909 : memref<1x32x1024xf32, #tpu.memory_space<vmem>> -> memref<32x1024xf32, #tpu.memory_space<vmem>>
    %dma_start3A_911 = arith.constant 0 : i32
    %dma_start3A_912 = tpu.memref_slice %arg3[%dma_start3A_906, %add3A_772, %dma_start3A_911] : memref<4x8192x1024xf32, #tpu.memory_space<hbm>> -> memref<1x32x1024xf32, #tpu.memory_space<hbm>>
    %dma_start3A_913 = tpu.memref_squeeze %dma_start3A_912 : memref<1x32x1024xf32, #tpu.memory_space<hbm>> -> memref<32x1024xf32, #tpu.memory_space<hbm>>
    %dma_start3A_914 = arith.constant 0 : i32
    %dma_start3A_915 = tpu.memref_slice %arg3[%dma_start3A_906, %add3A_772, %dma_start3A_914] : memref<4x8192x1024xf32, #tpu.memory_space<hbm>> -> memref<1x32x1024xf32, #tpu.memory_space<hbm>>
    %dma_start3A_916 = tpu.memref_squeeze %dma_start3A_915 : memref<1x32x1024xf32, #tpu.memory_space<hbm>> -> memref<32x1024xf32, #tpu.memory_space<hbm>>
    %dma_start3A_917 = arith.constant 0 : i32
    %dma_start3A_918 = arith.constant 0 : i32
    %dma_start3A_919 = tpu.memref_slice %arg4[%dma_start3A_905, %dma_start3A_917, %dma_start3A_918] : memref<2x32x1024xf32, #tpu.memory_space<vmem>> -> memref<1x32x1024xf32, #tpu.memory_space<vmem>>
    %dma_start3A_920 = tpu.memref_squeeze %dma_start3A_919 : memref<1x32x1024xf32, #tpu.memory_space<vmem>> -> memref<32x1024xf32, #tpu.memory_space<vmem>>
    tpu.enqueue_dma source(%dma_start3A_920 : memref<32x1024xf32, #tpu.memory_space<vmem>>) target(%dma_start3A_916 : memref<32x1024xf32, #tpu.memory_space<hbm>>) target_semaphore(%arg6 : memref<!tpu.dma_semaphore, #tpu.memory_space<semaphore_mem>>)
    %dma_start3A_921 = arith.constant 1 : i32
    %dma_start3A_922 = arith.constant 3 : i32
    %dma_start3A_923 = arith.constant 0 : i32
    %dma_start3A_924 = arith.constant 0 : i32
    %dma_start3A_925 = tpu.memref_slice %arg4[%dma_start3A_921, %dma_start3A_923, %dma_start3A_924] : memref<2x32x1024xf32, #tpu.memory_space<vmem>> -> memref<1x32x1024xf32, #tpu.memory_space<vmem>>
    %dma_start3A_926 = tpu.memref_squeeze %dma_start3A_925 : memref<1x32x1024xf32, #tpu.memory_space<vmem>> -> memref<32x1024xf32, #tpu.memory_space<vmem>>
    %dma_start3A_927 = arith.constant 0 : i32
    %dma_start3A_928 = tpu.memref_slice %arg3[%dma_start3A_922, %add3A_772, %dma_start3A_927] : memref<4x8192x1024xf32, #tpu.memory_space<hbm>> -> memref<1x32x1024xf32, #tpu.memory_space<hbm>>
    %dma_start3A_929 = tpu.memref_squeeze %dma_start3A_928 : memref<1x32x1024xf32, #tpu.memory_space<hbm>> -> memref<32x1024xf32, #tpu.memory_space<hbm>>
    %dma_start3A_930 = arith.constant 0 : i32
    %dma_start3A_931 = tpu.memref_slice %arg3[%dma_start3A_922, %add3A_772, %dma_start3A_930] : memref<4x8192x1024xf32, #tpu.memory_space<hbm>> -> memref<1x32x1024xf32, #tpu.memory_space<hbm>>
    %dma_start3A_932 = tpu.memref_squeeze %dma_start3A_931 : memref<1x32x1024xf32, #tpu.memory_space<hbm>> -> memref<32x1024xf32, #tpu.memory_space<hbm>>
    %dma_start3A_933 = arith.constant 0 : i32
    %dma_start3A_934 = arith.constant 0 : i32
    %dma_start3A_935 = tpu.memref_slice %arg4[%dma_start3A_921, %dma_start3A_933, %dma_start3A_934] : memref<2x32x1024xf32, #tpu.memory_space<vmem>> -> memref<1x32x1024xf32, #tpu.memory_space<vmem>>
    %dma_start3A_936 = tpu.memref_squeeze %dma_start3A_935 : memref<1x32x1024xf32, #tpu.memory_space<vmem>> -> memref<32x1024xf32, #tpu.memory_space<vmem>>
    tpu.enqueue_dma source(%dma_start3A_936 : memref<32x1024xf32, #tpu.memory_space<vmem>>) target(%dma_start3A_932 : memref<32x1024xf32, #tpu.memory_space<hbm>>) target_semaphore(%arg6 : memref<!tpu.dma_semaphore, #tpu.memory_space<semaphore_mem>>)
    %add3A_937 = arith.constant 192 : i32
    %add3A_938 = arith.addi %mul3A_2, %add3A_937 : i32
    %dma_wait3A_939 = arith.constant 0 : i32
    %dma_wait3A_940 = arith.constant 0 : i32
    %dma_wait3A_941 = arith.constant 0 : i32
    %dma_wait3A_942 = tpu.memref_slice %arg4[%dma_wait3A_939, %dma_wait3A_940, %dma_wait3A_941] : memref<2x32x1024xf32, #tpu.memory_space<vmem>> -> memref<1x32x1024xf32, #tpu.memory_space<vmem>>
    %dma_wait3A_943 = tpu.memref_squeeze %dma_wait3A_942 : memref<1x32x1024xf32, #tpu.memory_space<vmem>> -> memref<32x1024xf32, #tpu.memory_space<vmem>>
    %dma_wait3A_944 = arith.constant 0 : i32
    %dma_wait3A_945 = tpu.memref_slice %arg2[%add3A_938, %dma_wait3A_944] : memref<8192x1024xf32, #tpu.memory_space<hbm>> -> memref<32x1024xf32, #tpu.memory_space<hbm>>
    %dma_wait3A_946 = arith.constant 0 : i32
    %dma_wait3A_947 = arith.constant 0 : i32
    %dma_wait3A_948 = tpu.memref_slice %arg4[%dma_wait3A_939, %dma_wait3A_946, %dma_wait3A_947] : memref<2x32x1024xf32, #tpu.memory_space<vmem>> -> memref<1x32x1024xf32, #tpu.memory_space<vmem>>
    %dma_wait3A_949 = tpu.memref_squeeze %dma_wait3A_948 : memref<1x32x1024xf32, #tpu.memory_space<vmem>> -> memref<32x1024xf32, #tpu.memory_space<vmem>>
    %dma_wait3A_950 = arith.constant 0 : i32
    %dma_wait3A_951 = tpu.memref_slice %arg2[%add3A_938, %dma_wait3A_950] : memref<8192x1024xf32, #tpu.memory_space<hbm>> -> memref<32x1024xf32, #tpu.memory_space<hbm>>
    tpu.wait_dma2 semaphore(%arg5 : memref<!tpu.dma_semaphore, #tpu.memory_space<semaphore_mem>>) src(%dma_wait3A_951 : memref<32x1024xf32, #tpu.memory_space<hbm>>) dst(%dma_wait3A_949 : memref<32x1024xf32, #tpu.memory_space<vmem>>)
    %sub3A_952 = arith.constant 32 : i32
    %sub3A_953 = arith.subi %add3A_938, %sub3A_952 : i32
    %dma_wait3A_954 = arith.constant 1 : i32
    %dma_wait3A_955 = arith.constant 0 : i32
    %dma_wait3A_956 = arith.constant 0 : i32
    %dma_wait3A_957 = arith.constant 0 : i32
    %dma_wait3A_958 = tpu.memref_slice %arg4[%dma_wait3A_954, %dma_wait3A_956, %dma_wait3A_957] : memref<2x32x1024xf32, #tpu.memory_space<vmem>> -> memref<1x32x1024xf32, #tpu.memory_space<vmem>>
    %dma_wait3A_959 = tpu.memref_squeeze %dma_wait3A_958 : memref<1x32x1024xf32, #tpu.memory_space<vmem>> -> memref<32x1024xf32, #tpu.memory_space<vmem>>
    %dma_wait3A_960 = arith.constant 0 : i32
    %dma_wait3A_961 = tpu.memref_slice %arg3[%dma_wait3A_955, %sub3A_953, %dma_wait3A_960] : memref<4x8192x1024xf32, #tpu.memory_space<hbm>> -> memref<1x32x1024xf32, #tpu.memory_space<hbm>>
    %dma_wait3A_962 = tpu.memref_squeeze %dma_wait3A_961 : memref<1x32x1024xf32, #tpu.memory_space<hbm>> -> memref<32x1024xf32, #tpu.memory_space<hbm>>
    %dma_wait3A_963 = arith.constant 0 : i32
    %dma_wait3A_964 = tpu.memref_slice %arg3[%dma_wait3A_955, %sub3A_953, %dma_wait3A_963] : memref<4x8192x1024xf32, #tpu.memory_space<hbm>> -> memref<1x32x1024xf32, #tpu.memory_space<hbm>>
    %dma_wait3A_965 = tpu.memref_squeeze %dma_wait3A_964 : memref<1x32x1024xf32, #tpu.memory_space<hbm>> -> memref<32x1024xf32, #tpu.memory_space<hbm>>
    %dma_wait3A_966 = arith.constant 0 : i32
    %dma_wait3A_967 = arith.constant 0 : i32
    %dma_wait3A_968 = tpu.memref_slice %arg4[%dma_wait3A_954, %dma_wait3A_966, %dma_wait3A_967] : memref<2x32x1024xf32, #tpu.memory_space<vmem>> -> memref<1x32x1024xf32, #tpu.memory_space<vmem>>
    %dma_wait3A_969 = tpu.memref_squeeze %dma_wait3A_968 : memref<1x32x1024xf32, #tpu.memory_space<vmem>> -> memref<32x1024xf32, #tpu.memory_space<vmem>>
    tpu.wait_dma2 semaphore(%arg6 : memref<!tpu.dma_semaphore, #tpu.memory_space<semaphore_mem>>) src(%dma_wait3A_969 : memref<32x1024xf32, #tpu.memory_space<vmem>>) dst(%dma_wait3A_965 : memref<32x1024xf32, #tpu.memory_space<hbm>>)
    %sub3A_970 = arith.constant 32 : i32
    %sub3A_971 = arith.subi %add3A_938, %sub3A_970 : i32
    %dma_wait3A_972 = arith.constant 1 : i32
    %dma_wait3A_973 = arith.constant 1 : i32
    %dma_wait3A_974 = arith.constant 0 : i32
    %dma_wait3A_975 = arith.constant 0 : i32
    %dma_wait3A_976 = tpu.memref_slice %arg4[%dma_wait3A_972, %dma_wait3A_974, %dma_wait3A_975] : memref<2x32x1024xf32, #tpu.memory_space<vmem>> -> memref<1x32x1024xf32, #tpu.memory_space<vmem>>
    %dma_wait3A_977 = tpu.memref_squeeze %dma_wait3A_976 : memref<1x32x1024xf32, #tpu.memory_space<vmem>> -> memref<32x1024xf32, #tpu.memory_space<vmem>>
    %dma_wait3A_978 = arith.constant 0 : i32
    %dma_wait3A_979 = tpu.memref_slice %arg3[%dma_wait3A_973, %sub3A_971, %dma_wait3A_978] : memref<4x8192x1024xf32, #tpu.memory_space<hbm>> -> memref<1x32x1024xf32, #tpu.memory_space<hbm>>
    %dma_wait3A_980 = tpu.memref_squeeze %dma_wait3A_979 : memref<1x32x1024xf32, #tpu.memory_space<hbm>> -> memref<32x1024xf32, #tpu.memory_space<hbm>>
    %dma_wait3A_981 = arith.constant 0 : i32
    %dma_wait3A_982 = tpu.memref_slice %arg3[%dma_wait3A_973, %sub3A_971, %dma_wait3A_981] : memref<4x8192x1024xf32, #tpu.memory_space<hbm>> -> memref<1x32x1024xf32, #tpu.memory_space<hbm>>
    %dma_wait3A_983 = tpu.memref_squeeze %dma_wait3A_982 : memref<1x32x1024xf32, #tpu.memory_space<hbm>> -> memref<32x1024xf32, #tpu.memory_space<hbm>>
    %dma_wait3A_984 = arith.constant 0 : i32
    %dma_wait3A_985 = arith.constant 0 : i32
    %dma_wait3A_986 = tpu.memref_slice %arg4[%dma_wait3A_972, %dma_wait3A_984, %dma_wait3A_985] : memref<2x32x1024xf32, #tpu.memory_space<vmem>> -> memref<1x32x1024xf32, #tpu.memory_space<vmem>>
    %dma_wait3A_987 = tpu.memref_squeeze %dma_wait3A_986 : memref<1x32x1024xf32, #tpu.memory_space<vmem>> -> memref<32x1024xf32, #tpu.memory_space<vmem>>
    tpu.wait_dma2 semaphore(%arg6 : memref<!tpu.dma_semaphore, #tpu.memory_space<semaphore_mem>>) src(%dma_wait3A_987 : memref<32x1024xf32, #tpu.memory_space<vmem>>) dst(%dma_wait3A_983 : memref<32x1024xf32, #tpu.memory_space<hbm>>)
    %sub3A_988 = arith.constant 32 : i32
    %sub3A_989 = arith.subi %add3A_938, %sub3A_988 : i32
    %dma_wait3A_990 = arith.constant 1 : i32
    %dma_wait3A_991 = arith.constant 2 : i32
    %dma_wait3A_992 = arith.constant 0 : i32
    %dma_wait3A_993 = arith.constant 0 : i32
    %dma_wait3A_994 = tpu.memref_slice %arg4[%dma_wait3A_990, %dma_wait3A_992, %dma_wait3A_993] : memref<2x32x1024xf32, #tpu.memory_space<vmem>> -> memref<1x32x1024xf32, #tpu.memory_space<vmem>>
    %dma_wait3A_995 = tpu.memref_squeeze %dma_wait3A_994 : memref<1x32x1024xf32, #tpu.memory_space<vmem>> -> memref<32x1024xf32, #tpu.memory_space<vmem>>
    %dma_wait3A_996 = arith.constant 0 : i32
    %dma_wait3A_997 = tpu.memref_slice %arg3[%dma_wait3A_991, %sub3A_989, %dma_wait3A_996] : memref<4x8192x1024xf32, #tpu.memory_space<hbm>> -> memref<1x32x1024xf32, #tpu.memory_space<hbm>>
    %dma_wait3A_998 = tpu.memref_squeeze %dma_wait3A_997 : memref<1x32x1024xf32, #tpu.memory_space<hbm>> -> memref<32x1024xf32, #tpu.memory_space<hbm>>
    %dma_wait3A_999 = arith.constant 0 : i32
    %dma_wait3A_1000 = tpu.memref_slice %arg3[%dma_wait3A_991, %sub3A_989, %dma_wait3A_999] : memref<4x8192x1024xf32, #tpu.memory_space<hbm>> -> memref<1x32x1024xf32, #tpu.memory_space<hbm>>
    %dma_wait3A_1001 = tpu.memref_squeeze %dma_wait3A_1000 : memref<1x32x1024xf32, #tpu.memory_space<hbm>> -> memref<32x1024xf32, #tpu.memory_space<hbm>>
    %dma_wait3A_1002 = arith.constant 0 : i32
    %dma_wait3A_1003 = arith.constant 0 : i32
    %dma_wait3A_1004 = tpu.memref_slice %arg4[%dma_wait3A_990, %dma_wait3A_1002, %dma_wait3A_1003] : memref<2x32x1024xf32, #tpu.memory_space<vmem>> -> memref<1x32x1024xf32, #tpu.memory_space<vmem>>
    %dma_wait3A_1005 = tpu.memref_squeeze %dma_wait3A_1004 : memref<1x32x1024xf32, #tpu.memory_space<vmem>> -> memref<32x1024xf32, #tpu.memory_space<vmem>>
    tpu.wait_dma2 semaphore(%arg6 : memref<!tpu.dma_semaphore, #tpu.memory_space<semaphore_mem>>) src(%dma_wait3A_1005 : memref<32x1024xf32, #tpu.memory_space<vmem>>) dst(%dma_wait3A_1001 : memref<32x1024xf32, #tpu.memory_space<hbm>>)
    %sub3A_1006 = arith.constant 32 : i32
    %sub3A_1007 = arith.subi %add3A_938, %sub3A_1006 : i32
    %dma_wait3A_1008 = arith.constant 1 : i32
    %dma_wait3A_1009 = arith.constant 3 : i32
    %dma_wait3A_1010 = arith.constant 0 : i32
    %dma_wait3A_1011 = arith.constant 0 : i32
    %dma_wait3A_1012 = tpu.memref_slice %arg4[%dma_wait3A_1008, %dma_wait3A_1010, %dma_wait3A_1011] : memref<2x32x1024xf32, #tpu.memory_space<vmem>> -> memref<1x32x1024xf32, #tpu.memory_space<vmem>>
    %dma_wait3A_1013 = tpu.memref_squeeze %dma_wait3A_1012 : memref<1x32x1024xf32, #tpu.memory_space<vmem>> -> memref<32x1024xf32, #tpu.memory_space<vmem>>
    %dma_wait3A_1014 = arith.constant 0 : i32
    %dma_wait3A_1015 = tpu.memref_slice %arg3[%dma_wait3A_1009, %sub3A_1007, %dma_wait3A_1014] : memref<4x8192x1024xf32, #tpu.memory_space<hbm>> -> memref<1x32x1024xf32, #tpu.memory_space<hbm>>
    %dma_wait3A_1016 = tpu.memref_squeeze %dma_wait3A_1015 : memref<1x32x1024xf32, #tpu.memory_space<hbm>> -> memref<32x1024xf32, #tpu.memory_space<hbm>>
    %dma_wait3A_1017 = arith.constant 0 : i32
    %dma_wait3A_1018 = tpu.memref_slice %arg3[%dma_wait3A_1009, %sub3A_1007, %dma_wait3A_1017] : memref<4x8192x1024xf32, #tpu.memory_space<hbm>> -> memref<1x32x1024xf32, #tpu.memory_space<hbm>>
    %dma_wait3A_1019 = tpu.memref_squeeze %dma_wait3A_1018 : memref<1x32x1024xf32, #tpu.memory_space<hbm>> -> memref<32x1024xf32, #tpu.memory_space<hbm>>
    %dma_wait3A_1020 = arith.constant 0 : i32
    %dma_wait3A_1021 = arith.constant 0 : i32
    %dma_wait3A_1022 = tpu.memref_slice %arg4[%dma_wait3A_1008, %dma_wait3A_1020, %dma_wait3A_1021] : memref<2x32x1024xf32, #tpu.memory_space<vmem>> -> memref<1x32x1024xf32, #tpu.memory_space<vmem>>
    %dma_wait3A_1023 = tpu.memref_squeeze %dma_wait3A_1022 : memref<1x32x1024xf32, #tpu.memory_space<vmem>> -> memref<32x1024xf32, #tpu.memory_space<vmem>>
    tpu.wait_dma2 semaphore(%arg6 : memref<!tpu.dma_semaphore, #tpu.memory_space<semaphore_mem>>) src(%dma_wait3A_1023 : memref<32x1024xf32, #tpu.memory_space<vmem>>) dst(%dma_wait3A_1019 : memref<32x1024xf32, #tpu.memory_space<hbm>>)
    %add3A_1024 = arith.constant 32 : i32
    %add3A_1025 = arith.addi %add3A_938, %add3A_1024 : i32
    %dma_start3A_1026 = arith.constant 1 : i32
    %dma_start3A_1027 = arith.constant 0 : i32
    %dma_start3A_1028 = arith.constant 0 : i32
    %dma_start3A_1029 = tpu.memref_slice %arg4[%dma_start3A_1026, %dma_start3A_1027, %dma_start3A_1028] : memref<2x32x1024xf32, #tpu.memory_space<vmem>> -> memref<1x32x1024xf32, #tpu.memory_space<vmem>>
    %dma_start3A_1030 = tpu.memref_squeeze %dma_start3A_1029 : memref<1x32x1024xf32, #tpu.memory_space<vmem>> -> memref<32x1024xf32, #tpu.memory_space<vmem>>
    %dma_start3A_1031 = arith.constant 0 : i32
    %dma_start3A_1032 = tpu.memref_slice %arg2[%add3A_1025, %dma_start3A_1031] : memref<8192x1024xf32, #tpu.memory_space<hbm>> -> memref<32x1024xf32, #tpu.memory_space<hbm>>
    %dma_start3A_1033 = arith.constant 0 : i32
    %dma_start3A_1034 = arith.constant 0 : i32
    %dma_start3A_1035 = tpu.memref_slice %arg4[%dma_start3A_1026, %dma_start3A_1033, %dma_start3A_1034] : memref<2x32x1024xf32, #tpu.memory_space<vmem>> -> memref<1x32x1024xf32, #tpu.memory_space<vmem>>
    %dma_start3A_1036 = tpu.memref_squeeze %dma_start3A_1035 : memref<1x32x1024xf32, #tpu.memory_space<vmem>> -> memref<32x1024xf32, #tpu.memory_space<vmem>>
    %dma_start3A_1037 = arith.constant 0 : i32
    %dma_start3A_1038 = tpu.memref_slice %arg2[%add3A_1025, %dma_start3A_1037] : memref<8192x1024xf32, #tpu.memory_space<hbm>> -> memref<32x1024xf32, #tpu.memory_space<hbm>>
    tpu.enqueue_dma source(%dma_start3A_1038 : memref<32x1024xf32, #tpu.memory_space<hbm>>) target(%dma_start3A_1036 : memref<32x1024xf32, #tpu.memory_space<vmem>>) target_semaphore(%arg5 : memref<!tpu.dma_semaphore, #tpu.memory_space<semaphore_mem>>)
    %dma_start3A_1039 = arith.constant 0 : i32
    %dma_start3A_1040 = arith.constant 0 : i32
    %dma_start3A_1041 = arith.constant 0 : i32
    %dma_start3A_1042 = arith.constant 0 : i32
    %dma_start3A_1043 = tpu.memref_slice %arg4[%dma_start3A_1039, %dma_start3A_1041, %dma_start3A_1042] : memref<2x32x1024xf32, #tpu.memory_space<vmem>> -> memref<1x32x1024xf32, #tpu.memory_space<vmem>>
    %dma_start3A_1044 = tpu.memref_squeeze %dma_start3A_1043 : memref<1x32x1024xf32, #tpu.memory_space<vmem>> -> memref<32x1024xf32, #tpu.memory_space<vmem>>
    %dma_start3A_1045 = arith.constant 0 : i32
    %dma_start3A_1046 = tpu.memref_slice %arg3[%dma_start3A_1040, %add3A_938, %dma_start3A_1045] : memref<4x8192x1024xf32, #tpu.memory_space<hbm>> -> memref<1x32x1024xf32, #tpu.memory_space<hbm>>
    %dma_start3A_1047 = tpu.memref_squeeze %dma_start3A_1046 : memref<1x32x1024xf32, #tpu.memory_space<hbm>> -> memref<32x1024xf32, #tpu.memory_space<hbm>>
    %dma_start3A_1048 = arith.constant 0 : i32
    %dma_start3A_1049 = tpu.memref_slice %arg3[%dma_start3A_1040, %add3A_938, %dma_start3A_1048] : memref<4x8192x1024xf32, #tpu.memory_space<hbm>> -> memref<1x32x1024xf32, #tpu.memory_space<hbm>>
    %dma_start3A_1050 = tpu.memref_squeeze %dma_start3A_1049 : memref<1x32x1024xf32, #tpu.memory_space<hbm>> -> memref<32x1024xf32, #tpu.memory_space<hbm>>
    %dma_start3A_1051 = arith.constant 0 : i32
    %dma_start3A_1052 = arith.constant 0 : i32
    %dma_start3A_1053 = tpu.memref_slice %arg4[%dma_start3A_1039, %dma_start3A_1051, %dma_start3A_1052] : memref<2x32x1024xf32, #tpu.memory_space<vmem>> -> memref<1x32x1024xf32, #tpu.memory_space<vmem>>
    %dma_start3A_1054 = tpu.memref_squeeze %dma_start3A_1053 : memref<1x32x1024xf32, #tpu.memory_space<vmem>> -> memref<32x1024xf32, #tpu.memory_space<vmem>>
    tpu.enqueue_dma source(%dma_start3A_1054 : memref<32x1024xf32, #tpu.memory_space<vmem>>) target(%dma_start3A_1050 : memref<32x1024xf32, #tpu.memory_space<hbm>>) target_semaphore(%arg6 : memref<!tpu.dma_semaphore, #tpu.memory_space<semaphore_mem>>)
    %dma_start3A_1055 = arith.constant 0 : i32
    %dma_start3A_1056 = arith.constant 1 : i32
    %dma_start3A_1057 = arith.constant 0 : i32
    %dma_start3A_1058 = arith.constant 0 : i32
    %dma_start3A_1059 = tpu.memref_slice %arg4[%dma_start3A_1055, %dma_start3A_1057, %dma_start3A_1058] : memref<2x32x1024xf32, #tpu.memory_space<vmem>> -> memref<1x32x1024xf32, #tpu.memory_space<vmem>>
    %dma_start3A_1060 = tpu.memref_squeeze %dma_start3A_1059 : memref<1x32x1024xf32, #tpu.memory_space<vmem>> -> memref<32x1024xf32, #tpu.memory_space<vmem>>
    %dma_start3A_1061 = arith.constant 0 : i32
    %dma_start3A_1062 = tpu.memref_slice %arg3[%dma_start3A_1056, %add3A_938, %dma_start3A_1061] : memref<4x8192x1024xf32, #tpu.memory_space<hbm>> -> memref<1x32x1024xf32, #tpu.memory_space<hbm>>
    %dma_start3A_1063 = tpu.memref_squeeze %dma_start3A_1062 : memref<1x32x1024xf32, #tpu.memory_space<hbm>> -> memref<32x1024xf32, #tpu.memory_space<hbm>>
    %dma_start3A_1064 = arith.constant 0 : i32
    %dma_start3A_1065 = tpu.memref_slice %arg3[%dma_start3A_1056, %add3A_938, %dma_start3A_1064] : memref<4x8192x1024xf32, #tpu.memory_space<hbm>> -> memref<1x32x1024xf32, #tpu.memory_space<hbm>>
    %dma_start3A_1066 = tpu.memref_squeeze %dma_start3A_1065 : memref<1x32x1024xf32, #tpu.memory_space<hbm>> -> memref<32x1024xf32, #tpu.memory_space<hbm>>
    %dma_start3A_1067 = arith.constant 0 : i32
    %dma_start3A_1068 = arith.constant 0 : i32
    %dma_start3A_1069 = tpu.memref_slice %arg4[%dma_start3A_1055, %dma_start3A_1067, %dma_start3A_1068] : memref<2x32x1024xf32, #tpu.memory_space<vmem>> -> memref<1x32x1024xf32, #tpu.memory_space<vmem>>
    %dma_start3A_1070 = tpu.memref_squeeze %dma_start3A_1069 : memref<1x32x1024xf32, #tpu.memory_space<vmem>> -> memref<32x1024xf32, #tpu.memory_space<vmem>>
    tpu.enqueue_dma source(%dma_start3A_1070 : memref<32x1024xf32, #tpu.memory_space<vmem>>) target(%dma_start3A_1066 : memref<32x1024xf32, #tpu.memory_space<hbm>>) target_semaphore(%arg6 : memref<!tpu.dma_semaphore, #tpu.memory_space<semaphore_mem>>)
    %dma_start3A_1071 = arith.constant 0 : i32
    %dma_start3A_1072 = arith.constant 2 : i32
    %dma_start3A_1073 = arith.constant 0 : i32
    %dma_start3A_1074 = arith.constant 0 : i32
    %dma_start3A_1075 = tpu.memref_slice %arg4[%dma_start3A_1071, %dma_start3A_1073, %dma_start3A_1074] : memref<2x32x1024xf32, #tpu.memory_space<vmem>> -> memref<1x32x1024xf32, #tpu.memory_space<vmem>>
    %dma_start3A_1076 = tpu.memref_squeeze %dma_start3A_1075 : memref<1x32x1024xf32, #tpu.memory_space<vmem>> -> memref<32x1024xf32, #tpu.memory_space<vmem>>
    %dma_start3A_1077 = arith.constant 0 : i32
    %dma_start3A_1078 = tpu.memref_slice %arg3[%dma_start3A_1072, %add3A_938, %dma_start3A_1077] : memref<4x8192x1024xf32, #tpu.memory_space<hbm>> -> memref<1x32x1024xf32, #tpu.memory_space<hbm>>
    %dma_start3A_1079 = tpu.memref_squeeze %dma_start3A_1078 : memref<1x32x1024xf32, #tpu.memory_space<hbm>> -> memref<32x1024xf32, #tpu.memory_space<hbm>>
    %dma_start3A_1080 = arith.constant 0 : i32
    %dma_start3A_1081 = tpu.memref_slice %arg3[%dma_start3A_1072, %add3A_938, %dma_start3A_1080] : memref<4x8192x1024xf32, #tpu.memory_space<hbm>> -> memref<1x32x1024xf32, #tpu.memory_space<hbm>>
    %dma_start3A_1082 = tpu.memref_squeeze %dma_start3A_1081 : memref<1x32x1024xf32, #tpu.memory_space<hbm>> -> memref<32x1024xf32, #tpu.memory_space<hbm>>
    %dma_start3A_1083 = arith.constant 0 : i32
    %dma_start3A_1084 = arith.constant 0 : i32
    %dma_start3A_1085 = tpu.memref_slice %arg4[%dma_start3A_1071, %dma_start3A_1083, %dma_start3A_1084] : memref<2x32x1024xf32, #tpu.memory_space<vmem>> -> memref<1x32x1024xf32, #tpu.memory_space<vmem>>
    %dma_start3A_1086 = tpu.memref_squeeze %dma_start3A_1085 : memref<1x32x1024xf32, #tpu.memory_space<vmem>> -> memref<32x1024xf32, #tpu.memory_space<vmem>>
    tpu.enqueue_dma source(%dma_start3A_1086 : memref<32x1024xf32, #tpu.memory_space<vmem>>) target(%dma_start3A_1082 : memref<32x1024xf32, #tpu.memory_space<hbm>>) target_semaphore(%arg6 : memref<!tpu.dma_semaphore, #tpu.memory_space<semaphore_mem>>)
    %dma_start3A_1087 = arith.constant 0 : i32
    %dma_start3A_1088 = arith.constant 3 : i32
    %dma_start3A_1089 = arith.constant 0 : i32
    %dma_start3A_1090 = arith.constant 0 : i32
    %dma_start3A_1091 = tpu.memref_slice %arg4[%dma_start3A_1087, %dma_start3A_1089, %dma_start3A_1090] : memref<2x32x1024xf32, #tpu.memory_space<vmem>> -> memref<1x32x1024xf32, #tpu.memory_space<vmem>>
    %dma_start3A_1092 = tpu.memref_squeeze %dma_start3A_1091 : memref<1x32x1024xf32, #tpu.memory_space<vmem>> -> memref<32x1024xf32, #tpu.memory_space<vmem>>
    %dma_start3A_1093 = arith.constant 0 : i32
    %dma_start3A_1094 = tpu.memref_slice %arg3[%dma_start3A_1088, %add3A_938, %dma_start3A_1093] : memref<4x8192x1024xf32, #tpu.memory_space<hbm>> -> memref<1x32x1024xf32, #tpu.memory_space<hbm>>
    %dma_start3A_1095 = tpu.memref_squeeze %dma_start3A_1094 : memref<1x32x1024xf32, #tpu.memory_space<hbm>> -> memref<32x1024xf32, #tpu.memory_space<hbm>>
    %dma_start3A_1096 = arith.constant 0 : i32
    %dma_start3A_1097 = tpu.memref_slice %arg3[%dma_start3A_1088, %add3A_938, %dma_start3A_1096] : memref<4x8192x1024xf32, #tpu.memory_space<hbm>> -> memref<1x32x1024xf32, #tpu.memory_space<hbm>>
    %dma_start3A_1098 = tpu.memref_squeeze %dma_start3A_1097 : memref<1x32x1024xf32, #tpu.memory_space<hbm>> -> memref<32x1024xf32, #tpu.memory_space<hbm>>
    %dma_start3A_1099 = arith.constant 0 : i32
    %dma_start3A_1100 = arith.constant 0 : i32
    %dma_start3A_1101 = tpu.memref_slice %arg4[%dma_start3A_1087, %dma_start3A_1099, %dma_start3A_1100] : memref<2x32x1024xf32, #tpu.memory_space<vmem>> -> memref<1x32x1024xf32, #tpu.memory_space<vmem>>
    %dma_start3A_1102 = tpu.memref_squeeze %dma_start3A_1101 : memref<1x32x1024xf32, #tpu.memory_space<vmem>> -> memref<32x1024xf32, #tpu.memory_space<vmem>>
    tpu.enqueue_dma source(%dma_start3A_1102 : memref<32x1024xf32, #tpu.memory_space<vmem>>) target(%dma_start3A_1098 : memref<32x1024xf32, #tpu.memory_space<hbm>>) target_semaphore(%arg6 : memref<!tpu.dma_semaphore, #tpu.memory_space<semaphore_mem>>)
    %add3A_1103 = arith.constant 224 : i32
    %add3A_1104 = arith.addi %mul3A_2, %add3A_1103 : i32
    %dma_wait3A_1105 = arith.constant 1 : i32
    %dma_wait3A_1106 = arith.constant 0 : i32
    %dma_wait3A_1107 = arith.constant 0 : i32
    %dma_wait3A_1108 = tpu.memref_slice %arg4[%dma_wait3A_1105, %dma_wait3A_1106, %dma_wait3A_1107] : memref<2x32x1024xf32, #tpu.memory_space<vmem>> -> memref<1x32x1024xf32, #tpu.memory_space<vmem>>
    %dma_wait3A_1109 = tpu.memref_squeeze %dma_wait3A_1108 : memref<1x32x1024xf32, #tpu.memory_space<vmem>> -> memref<32x1024xf32, #tpu.memory_space<vmem>>
    %dma_wait3A_1110 = arith.constant 0 : i32
    %dma_wait3A_1111 = tpu.memref_slice %arg2[%add3A_1104, %dma_wait3A_1110] : memref<8192x1024xf32, #tpu.memory_space<hbm>> -> memref<32x1024xf32, #tpu.memory_space<hbm>>
    %dma_wait3A_1112 = arith.constant 0 : i32
    %dma_wait3A_1113 = arith.constant 0 : i32
    %dma_wait3A_1114 = tpu.memref_slice %arg4[%dma_wait3A_1105, %dma_wait3A_1112, %dma_wait3A_1113] : memref<2x32x1024xf32, #tpu.memory_space<vmem>> -> memref<1x32x1024xf32, #tpu.memory_space<vmem>>
    %dma_wait3A_1115 = tpu.memref_squeeze %dma_wait3A_1114 : memref<1x32x1024xf32, #tpu.memory_space<vmem>> -> memref<32x1024xf32, #tpu.memory_space<vmem>>
    %dma_wait3A_1116 = arith.constant 0 : i32
    %dma_wait3A_1117 = tpu.memref_slice %arg2[%add3A_1104, %dma_wait3A_1116] : memref<8192x1024xf32, #tpu.memory_space<hbm>> -> memref<32x1024xf32, #tpu.memory_space<hbm>>
    tpu.wait_dma2 semaphore(%arg5 : memref<!tpu.dma_semaphore, #tpu.memory_space<semaphore_mem>>) src(%dma_wait3A_1117 : memref<32x1024xf32, #tpu.memory_space<hbm>>) dst(%dma_wait3A_1115 : memref<32x1024xf32, #tpu.memory_space<vmem>>)
    %sub3A_1118 = arith.constant 32 : i32
    %sub3A_1119 = arith.subi %add3A_1104, %sub3A_1118 : i32
    %dma_wait3A_1120 = arith.constant 0 : i32
    %dma_wait3A_1121 = arith.constant 0 : i32
    %dma_wait3A_1122 = arith.constant 0 : i32
    %dma_wait3A_1123 = arith.constant 0 : i32
    %dma_wait3A_1124 = tpu.memref_slice %arg4[%dma_wait3A_1120, %dma_wait3A_1122, %dma_wait3A_1123] : memref<2x32x1024xf32, #tpu.memory_space<vmem>> -> memref<1x32x1024xf32, #tpu.memory_space<vmem>>
    %dma_wait3A_1125 = tpu.memref_squeeze %dma_wait3A_1124 : memref<1x32x1024xf32, #tpu.memory_space<vmem>> -> memref<32x1024xf32, #tpu.memory_space<vmem>>
    %dma_wait3A_1126 = arith.constant 0 : i32
    %dma_wait3A_1127 = tpu.memref_slice %arg3[%dma_wait3A_1121, %sub3A_1119, %dma_wait3A_1126] : memref<4x8192x1024xf32, #tpu.memory_space<hbm>> -> memref<1x32x1024xf32, #tpu.memory_space<hbm>>
    %dma_wait3A_1128 = tpu.memref_squeeze %dma_wait3A_1127 : memref<1x32x1024xf32, #tpu.memory_space<hbm>> -> memref<32x1024xf32, #tpu.memory_space<hbm>>
    %dma_wait3A_1129 = arith.constant 0 : i32
    %dma_wait3A_1130 = tpu.memref_slice %arg3[%dma_wait3A_1121, %sub3A_1119, %dma_wait3A_1129] : memref<4x8192x1024xf32, #tpu.memory_space<hbm>> -> memref<1x32x1024xf32, #tpu.memory_space<hbm>>
    %dma_wait3A_1131 = tpu.memref_squeeze %dma_wait3A_1130 : memref<1x32x1024xf32, #tpu.memory_space<hbm>> -> memref<32x1024xf32, #tpu.memory_space<hbm>>
    %dma_wait3A_1132 = arith.constant 0 : i32
    %dma_wait3A_1133 = arith.constant 0 : i32
    %dma_wait3A_1134 = tpu.memref_slice %arg4[%dma_wait3A_1120, %dma_wait3A_1132, %dma_wait3A_1133] : memref<2x32x1024xf32, #tpu.memory_space<vmem>> -> memref<1x32x1024xf32, #tpu.memory_space<vmem>>
    %dma_wait3A_1135 = tpu.memref_squeeze %dma_wait3A_1134 : memref<1x32x1024xf32, #tpu.memory_space<vmem>> -> memref<32x1024xf32, #tpu.memory_space<vmem>>
    tpu.wait_dma2 semaphore(%arg6 : memref<!tpu.dma_semaphore, #tpu.memory_space<semaphore_mem>>) src(%dma_wait3A_1135 : memref<32x1024xf32, #tpu.memory_space<vmem>>) dst(%dma_wait3A_1131 : memref<32x1024xf32, #tpu.memory_space<hbm>>)
    %sub3A_1136 = arith.constant 32 : i32
    %sub3A_1137 = arith.subi %add3A_1104, %sub3A_1136 : i32
    %dma_wait3A_1138 = arith.constant 0 : i32
    %dma_wait3A_1139 = arith.constant 1 : i32
    %dma_wait3A_1140 = arith.constant 0 : i32
    %dma_wait3A_1141 = arith.constant 0 : i32
    %dma_wait3A_1142 = tpu.memref_slice %arg4[%dma_wait3A_1138, %dma_wait3A_1140, %dma_wait3A_1141] : memref<2x32x1024xf32, #tpu.memory_space<vmem>> -> memref<1x32x1024xf32, #tpu.memory_space<vmem>>
    %dma_wait3A_1143 = tpu.memref_squeeze %dma_wait3A_1142 : memref<1x32x1024xf32, #tpu.memory_space<vmem>> -> memref<32x1024xf32, #tpu.memory_space<vmem>>
    %dma_wait3A_1144 = arith.constant 0 : i32
    %dma_wait3A_1145 = tpu.memref_slice %arg3[%dma_wait3A_1139, %sub3A_1137, %dma_wait3A_1144] : memref<4x8192x1024xf32, #tpu.memory_space<hbm>> -> memref<1x32x1024xf32, #tpu.memory_space<hbm>>
    %dma_wait3A_1146 = tpu.memref_squeeze %dma_wait3A_1145 : memref<1x32x1024xf32, #tpu.memory_space<hbm>> -> memref<32x1024xf32, #tpu.memory_space<hbm>>
    %dma_wait3A_1147 = arith.constant 0 : i32
    %dma_wait3A_1148 = tpu.memref_slice %arg3[%dma_wait3A_1139, %sub3A_1137, %dma_wait3A_1147] : memref<4x8192x1024xf32, #tpu.memory_space<hbm>> -> memref<1x32x1024xf32, #tpu.memory_space<hbm>>
    %dma_wait3A_1149 = tpu.memref_squeeze %dma_wait3A_1148 : memref<1x32x1024xf32, #tpu.memory_space<hbm>> -> memref<32x1024xf32, #tpu.memory_space<hbm>>
    %dma_wait3A_1150 = arith.constant 0 : i32
    %dma_wait3A_1151 = arith.constant 0 : i32
    %dma_wait3A_1152 = tpu.memref_slice %arg4[%dma_wait3A_1138, %dma_wait3A_1150, %dma_wait3A_1151] : memref<2x32x1024xf32, #tpu.memory_space<vmem>> -> memref<1x32x1024xf32, #tpu.memory_space<vmem>>
    %dma_wait3A_1153 = tpu.memref_squeeze %dma_wait3A_1152 : memref<1x32x1024xf32, #tpu.memory_space<vmem>> -> memref<32x1024xf32, #tpu.memory_space<vmem>>
    tpu.wait_dma2 semaphore(%arg6 : memref<!tpu.dma_semaphore, #tpu.memory_space<semaphore_mem>>) src(%dma_wait3A_1153 : memref<32x1024xf32, #tpu.memory_space<vmem>>) dst(%dma_wait3A_1149 : memref<32x1024xf32, #tpu.memory_space<hbm>>)
    %sub3A_1154 = arith.constant 32 : i32
    %sub3A_1155 = arith.subi %add3A_1104, %sub3A_1154 : i32
    %dma_wait3A_1156 = arith.constant 0 : i32
    %dma_wait3A_1157 = arith.constant 2 : i32
    %dma_wait3A_1158 = arith.constant 0 : i32
    %dma_wait3A_1159 = arith.constant 0 : i32
    %dma_wait3A_1160 = tpu.memref_slice %arg4[%dma_wait3A_1156, %dma_wait3A_1158, %dma_wait3A_1159] : memref<2x32x1024xf32, #tpu.memory_space<vmem>> -> memref<1x32x1024xf32, #tpu.memory_space<vmem>>
    %dma_wait3A_1161 = tpu.memref_squeeze %dma_wait3A_1160 : memref<1x32x1024xf32, #tpu.memory_space<vmem>> -> memref<32x1024xf32, #tpu.memory_space<vmem>>
    %dma_wait3A_1162 = arith.constant 0 : i32
    %dma_wait3A_1163 = tpu.memref_slice %arg3[%dma_wait3A_1157, %sub3A_1155, %dma_wait3A_1162] : memref<4x8192x1024xf32, #tpu.memory_space<hbm>> -> memref<1x32x1024xf32, #tpu.memory_space<hbm>>
    %dma_wait3A_1164 = tpu.memref_squeeze %dma_wait3A_1163 : memref<1x32x1024xf32, #tpu.memory_space<hbm>> -> memref<32x1024xf32, #tpu.memory_space<hbm>>
    %dma_wait3A_1165 = arith.constant 0 : i32
    %dma_wait3A_1166 = tpu.memref_slice %arg3[%dma_wait3A_1157, %sub3A_1155, %dma_wait3A_1165] : memref<4x8192x1024xf32, #tpu.memory_space<hbm>> -> memref<1x32x1024xf32, #tpu.memory_space<hbm>>
    %dma_wait3A_1167 = tpu.memref_squeeze %dma_wait3A_1166 : memref<1x32x1024xf32, #tpu.memory_space<hbm>> -> memref<32x1024xf32, #tpu.memory_space<hbm>>
    %dma_wait3A_1168 = arith.constant 0 : i32
    %dma_wait3A_1169 = arith.constant 0 : i32
    %dma_wait3A_1170 = tpu.memref_slice %arg4[%dma_wait3A_1156, %dma_wait3A_1168, %dma_wait3A_1169] : memref<2x32x1024xf32, #tpu.memory_space<vmem>> -> memref<1x32x1024xf32, #tpu.memory_space<vmem>>
    %dma_wait3A_1171 = tpu.memref_squeeze %dma_wait3A_1170 : memref<1x32x1024xf32, #tpu.memory_space<vmem>> -> memref<32x1024xf32, #tpu.memory_space<vmem>>
    tpu.wait_dma2 semaphore(%arg6 : memref<!tpu.dma_semaphore, #tpu.memory_space<semaphore_mem>>) src(%dma_wait3A_1171 : memref<32x1024xf32, #tpu.memory_space<vmem>>) dst(%dma_wait3A_1167 : memref<32x1024xf32, #tpu.memory_space<hbm>>)
    %sub3A_1172 = arith.constant 32 : i32
    %sub3A_1173 = arith.subi %add3A_1104, %sub3A_1172 : i32
    %dma_wait3A_1174 = arith.constant 0 : i32
    %dma_wait3A_1175 = arith.constant 3 : i32
    %dma_wait3A_1176 = arith.constant 0 : i32
    %dma_wait3A_1177 = arith.constant 0 : i32
    %dma_wait3A_1178 = tpu.memref_slice %arg4[%dma_wait3A_1174, %dma_wait3A_1176, %dma_wait3A_1177] : memref<2x32x1024xf32, #tpu.memory_space<vmem>> -> memref<1x32x1024xf32, #tpu.memory_space<vmem>>
    %dma_wait3A_1179 = tpu.memref_squeeze %dma_wait3A_1178 : memref<1x32x1024xf32, #tpu.memory_space<vmem>> -> memref<32x1024xf32, #tpu.memory_space<vmem>>
    %dma_wait3A_1180 = arith.constant 0 : i32
    %dma_wait3A_1181 = tpu.memref_slice %arg3[%dma_wait3A_1175, %sub3A_1173, %dma_wait3A_1180] : memref<4x8192x1024xf32, #tpu.memory_space<hbm>> -> memref<1x32x1024xf32, #tpu.memory_space<hbm>>
    %dma_wait3A_1182 = tpu.memref_squeeze %dma_wait3A_1181 : memref<1x32x1024xf32, #tpu.memory_space<hbm>> -> memref<32x1024xf32, #tpu.memory_space<hbm>>
    %dma_wait3A_1183 = arith.constant 0 : i32
    %dma_wait3A_1184 = tpu.memref_slice %arg3[%dma_wait3A_1175, %sub3A_1173, %dma_wait3A_1183] : memref<4x8192x1024xf32, #tpu.memory_space<hbm>> -> memref<1x32x1024xf32, #tpu.memory_space<hbm>>
    %dma_wait3A_1185 = tpu.memref_squeeze %dma_wait3A_1184 : memref<1x32x1024xf32, #tpu.memory_space<hbm>> -> memref<32x1024xf32, #tpu.memory_space<hbm>>
    %dma_wait3A_1186 = arith.constant 0 : i32
    %dma_wait3A_1187 = arith.constant 0 : i32
    %dma_wait3A_1188 = tpu.memref_slice %arg4[%dma_wait3A_1174, %dma_wait3A_1186, %dma_wait3A_1187] : memref<2x32x1024xf32, #tpu.memory_space<vmem>> -> memref<1x32x1024xf32, #tpu.memory_space<vmem>>
    %dma_wait3A_1189 = tpu.memref_squeeze %dma_wait3A_1188 : memref<1x32x1024xf32, #tpu.memory_space<vmem>> -> memref<32x1024xf32, #tpu.memory_space<vmem>>
    tpu.wait_dma2 semaphore(%arg6 : memref<!tpu.dma_semaphore, #tpu.memory_space<semaphore_mem>>) src(%dma_wait3A_1189 : memref<32x1024xf32, #tpu.memory_space<vmem>>) dst(%dma_wait3A_1185 : memref<32x1024xf32, #tpu.memory_space<hbm>>)
    %dma_start3A_1190 = arith.constant 1 : i32
    %dma_start3A_1191 = arith.constant 0 : i32
    %dma_start3A_1192 = arith.constant 0 : i32
    %dma_start3A_1193 = arith.constant 0 : i32
    %dma_start3A_1194 = tpu.memref_slice %arg4[%dma_start3A_1190, %dma_start3A_1192, %dma_start3A_1193] : memref<2x32x1024xf32, #tpu.memory_space<vmem>> -> memref<1x32x1024xf32, #tpu.memory_space<vmem>>
    %dma_start3A_1195 = tpu.memref_squeeze %dma_start3A_1194 : memref<1x32x1024xf32, #tpu.memory_space<vmem>> -> memref<32x1024xf32, #tpu.memory_space<vmem>>
    %dma_start3A_1196 = arith.constant 0 : i32
    %dma_start3A_1197 = tpu.memref_slice %arg3[%dma_start3A_1191, %add3A_1104, %dma_start3A_1196] : memref<4x8192x1024xf32, #tpu.memory_space<hbm>> -> memref<1x32x1024xf32, #tpu.memory_space<hbm>>
    %dma_start3A_1198 = tpu.memref_squeeze %dma_start3A_1197 : memref<1x32x1024xf32, #tpu.memory_space<hbm>> -> memref<32x1024xf32, #tpu.memory_space<hbm>>
    %dma_start3A_1199 = arith.constant 0 : i32
    %dma_start3A_1200 = tpu.memref_slice %arg3[%dma_start3A_1191, %add3A_1104, %dma_start3A_1199] : memref<4x8192x1024xf32, #tpu.memory_space<hbm>> -> memref<1x32x1024xf32, #tpu.memory_space<hbm>>
    %dma_start3A_1201 = tpu.memref_squeeze %dma_start3A_1200 : memref<1x32x1024xf32, #tpu.memory_space<hbm>> -> memref<32x1024xf32, #tpu.memory_space<hbm>>
    %dma_start3A_1202 = arith.constant 0 : i32
    %dma_start3A_1203 = arith.constant 0 : i32
    %dma_start3A_1204 = tpu.memref_slice %arg4[%dma_start3A_1190, %dma_start3A_1202, %dma_start3A_1203] : memref<2x32x1024xf32, #tpu.memory_space<vmem>> -> memref<1x32x1024xf32, #tpu.memory_space<vmem>>
    %dma_start3A_1205 = tpu.memref_squeeze %dma_start3A_1204 : memref<1x32x1024xf32, #tpu.memory_space<vmem>> -> memref<32x1024xf32, #tpu.memory_space<vmem>>
    tpu.enqueue_dma source(%dma_start3A_1205 : memref<32x1024xf32, #tpu.memory_space<vmem>>) target(%dma_start3A_1201 : memref<32x1024xf32, #tpu.memory_space<hbm>>) target_semaphore(%arg6 : memref<!tpu.dma_semaphore, #tpu.memory_space<semaphore_mem>>)
    %dma_start3A_1206 = arith.constant 1 : i32
    %dma_start3A_1207 = arith.constant 1 : i32
    %dma_start3A_1208 = arith.constant 0 : i32
    %dma_start3A_1209 = arith.constant 0 : i32
    %dma_start3A_1210 = tpu.memref_slice %arg4[%dma_start3A_1206, %dma_start3A_1208, %dma_start3A_1209] : memref<2x32x1024xf32, #tpu.memory_space<vmem>> -> memref<1x32x1024xf32, #tpu.memory_space<vmem>>
    %dma_start3A_1211 = tpu.memref_squeeze %dma_start3A_1210 : memref<1x32x1024xf32, #tpu.memory_space<vmem>> -> memref<32x1024xf32, #tpu.memory_space<vmem>>
    %dma_start3A_1212 = arith.constant 0 : i32
    %dma_start3A_1213 = tpu.memref_slice %arg3[%dma_start3A_1207, %add3A_1104, %dma_start3A_1212] : memref<4x8192x1024xf32, #tpu.memory_space<hbm>> -> memref<1x32x1024xf32, #tpu.memory_space<hbm>>
    %dma_start3A_1214 = tpu.memref_squeeze %dma_start3A_1213 : memref<1x32x1024xf32, #tpu.memory_space<hbm>> -> memref<32x1024xf32, #tpu.memory_space<hbm>>
    %dma_start3A_1215 = arith.constant 0 : i32
    %dma_start3A_1216 = tpu.memref_slice %arg3[%dma_start3A_1207, %add3A_1104, %dma_start3A_1215] : memref<4x8192x1024xf32, #tpu.memory_space<hbm>> -> memref<1x32x1024xf32, #tpu.memory_space<hbm>>
    %dma_start3A_1217 = tpu.memref_squeeze %dma_start3A_1216 : memref<1x32x1024xf32, #tpu.memory_space<hbm>> -> memref<32x1024xf32, #tpu.memory_space<hbm>>
    %dma_start3A_1218 = arith.constant 0 : i32
    %dma_start3A_1219 = arith.constant 0 : i32
    %dma_start3A_1220 = tpu.memref_slice %arg4[%dma_start3A_1206, %dma_start3A_1218, %dma_start3A_1219] : memref<2x32x1024xf32, #tpu.memory_space<vmem>> -> memref<1x32x1024xf32, #tpu.memory_space<vmem>>
    %dma_start3A_1221 = tpu.memref_squeeze %dma_start3A_1220 : memref<1x32x1024xf32, #tpu.memory_space<vmem>> -> memref<32x1024xf32, #tpu.memory_space<vmem>>
    tpu.enqueue_dma source(%dma_start3A_1221 : memref<32x1024xf32, #tpu.memory_space<vmem>>) target(%dma_start3A_1217 : memref<32x1024xf32, #tpu.memory_space<hbm>>) target_semaphore(%arg6 : memref<!tpu.dma_semaphore, #tpu.memory_space<semaphore_mem>>)
    %dma_start3A_1222 = arith.constant 1 : i32
    %dma_start3A_1223 = arith.constant 2 : i32
    %dma_start3A_1224 = arith.constant 0 : i32
    %dma_start3A_1225 = arith.constant 0 : i32
    %dma_start3A_1226 = tpu.memref_slice %arg4[%dma_start3A_1222, %dma_start3A_1224, %dma_start3A_1225] : memref<2x32x1024xf32, #tpu.memory_space<vmem>> -> memref<1x32x1024xf32, #tpu.memory_space<vmem>>
    %dma_start3A_1227 = tpu.memref_squeeze %dma_start3A_1226 : memref<1x32x1024xf32, #tpu.memory_space<vmem>> -> memref<32x1024xf32, #tpu.memory_space<vmem>>
    %dma_start3A_1228 = arith.constant 0 : i32
    %dma_start3A_1229 = tpu.memref_slice %arg3[%dma_start3A_1223, %add3A_1104, %dma_start3A_1228] : memref<4x8192x1024xf32, #tpu.memory_space<hbm>> -> memref<1x32x1024xf32, #tpu.memory_space<hbm>>
    %dma_start3A_1230 = tpu.memref_squeeze %dma_start3A_1229 : memref<1x32x1024xf32, #tpu.memory_space<hbm>> -> memref<32x1024xf32, #tpu.memory_space<hbm>>
    %dma_start3A_1231 = arith.constant 0 : i32
    %dma_start3A_1232 = tpu.memref_slice %arg3[%dma_start3A_1223, %add3A_1104, %dma_start3A_1231] : memref<4x8192x1024xf32, #tpu.memory_space<hbm>> -> memref<1x32x1024xf32, #tpu.memory_space<hbm>>
    %dma_start3A_1233 = tpu.memref_squeeze %dma_start3A_1232 : memref<1x32x1024xf32, #tpu.memory_space<hbm>> -> memref<32x1024xf32, #tpu.memory_space<hbm>>
    %dma_start3A_1234 = arith.constant 0 : i32
    %dma_start3A_1235 = arith.constant 0 : i32
    %dma_start3A_1236 = tpu.memref_slice %arg4[%dma_start3A_1222, %dma_start3A_1234, %dma_start3A_1235] : memref<2x32x1024xf32, #tpu.memory_space<vmem>> -> memref<1x32x1024xf32, #tpu.memory_space<vmem>>
    %dma_start3A_1237 = tpu.memref_squeeze %dma_start3A_1236 : memref<1x32x1024xf32, #tpu.memory_space<vmem>> -> memref<32x1024xf32, #tpu.memory_space<vmem>>
    tpu.enqueue_dma source(%dma_start3A_1237 : memref<32x1024xf32, #tpu.memory_space<vmem>>) target(%dma_start3A_1233 : memref<32x1024xf32, #tpu.memory_space<hbm>>) target_semaphore(%arg6 : memref<!tpu.dma_semaphore, #tpu.memory_space<semaphore_mem>>)
    %dma_start3A_1238 = arith.constant 1 : i32
    %dma_start3A_1239 = arith.constant 3 : i32
    %dma_start3A_1240 = arith.constant 0 : i32
    %dma_start3A_1241 = arith.constant 0 : i32
    %dma_start3A_1242 = tpu.memref_slice %arg4[%dma_start3A_1238, %dma_start3A_1240, %dma_start3A_1241] : memref<2x32x1024xf32, #tpu.memory_space<vmem>> -> memref<1x32x1024xf32, #tpu.memory_space<vmem>>
    %dma_start3A_1243 = tpu.memref_squeeze %dma_start3A_1242 : memref<1x32x1024xf32, #tpu.memory_space<vmem>> -> memref<32x1024xf32, #tpu.memory_space<vmem>>
    %dma_start3A_1244 = arith.constant 0 : i32
    %dma_start3A_1245 = tpu.memref_slice %arg3[%dma_start3A_1239, %add3A_1104, %dma_start3A_1244] : memref<4x8192x1024xf32, #tpu.memory_space<hbm>> -> memref<1x32x1024xf32, #tpu.memory_space<hbm>>
    %dma_start3A_1246 = tpu.memref_squeeze %dma_start3A_1245 : memref<1x32x1024xf32, #tpu.memory_space<hbm>> -> memref<32x1024xf32, #tpu.memory_space<hbm>>
    %dma_start3A_1247 = arith.constant 0 : i32
    %dma_start3A_1248 = tpu.memref_slice %arg3[%dma_start3A_1239, %add3A_1104, %dma_start3A_1247] : memref<4x8192x1024xf32, #tpu.memory_space<hbm>> -> memref<1x32x1024xf32, #tpu.memory_space<hbm>>
    %dma_start3A_1249 = tpu.memref_squeeze %dma_start3A_1248 : memref<1x32x1024xf32, #tpu.memory_space<hbm>> -> memref<32x1024xf32, #tpu.memory_space<hbm>>
    %dma_start3A_1250 = arith.constant 0 : i32
    %dma_start3A_1251 = arith.constant 0 : i32
    %dma_start3A_1252 = tpu.memref_slice %arg4[%dma_start3A_1238, %dma_start3A_1250, %dma_start3A_1251] : memref<2x32x1024xf32, #tpu.memory_space<vmem>> -> memref<1x32x1024xf32, #tpu.memory_space<vmem>>
    %dma_start3A_1253 = tpu.memref_squeeze %dma_start3A_1252 : memref<1x32x1024xf32, #tpu.memory_space<vmem>> -> memref<32x1024xf32, #tpu.memory_space<vmem>>
    tpu.enqueue_dma source(%dma_start3A_1253 : memref<32x1024xf32, #tpu.memory_space<vmem>>) target(%dma_start3A_1249 : memref<32x1024xf32, #tpu.memory_space<hbm>>) target_semaphore(%arg6 : memref<!tpu.dma_semaphore, #tpu.memory_space<semaphore_mem>>)
    %add3A_1254 = arith.constant 224 : i32
    %add3A_1255 = arith.addi %mul3A_2, %add3A_1254 : i32
    %dma_wait3A_1256 = arith.constant 1 : i32
    %dma_wait3A_1257 = arith.constant 0 : i32
    %dma_wait3A_1258 = arith.constant 0 : i32
    %dma_wait3A_1259 = arith.constant 0 : i32
    %dma_wait3A_1260 = tpu.memref_slice %arg4[%dma_wait3A_1256, %dma_wait3A_1258, %dma_wait3A_1259] : memref<2x32x1024xf32, #tpu.memory_space<vmem>> -> memref<1x32x1024xf32, #tpu.memory_space<vmem>>
    %dma_wait3A_1261 = tpu.memref_squeeze %dma_wait3A_1260 : memref<1x32x1024xf32, #tpu.memory_space<vmem>> -> memref<32x1024xf32, #tpu.memory_space<vmem>>
    %dma_wait3A_1262 = arith.constant 0 : i32
    %dma_wait3A_1263 = tpu.memref_slice %arg3[%dma_wait3A_1257, %add3A_1255, %dma_wait3A_1262] : memref<4x8192x1024xf32, #tpu.memory_space<hbm>> -> memref<1x32x1024xf32, #tpu.memory_space<hbm>>
    %dma_wait3A_1264 = tpu.memref_squeeze %dma_wait3A_1263 : memref<1x32x1024xf32, #tpu.memory_space<hbm>> -> memref<32x1024xf32, #tpu.memory_space<hbm>>
    %dma_wait3A_1265 = arith.constant 0 : i32
    %dma_wait3A_1266 = tpu.memref_slice %arg3[%dma_wait3A_1257, %add3A_1255, %dma_wait3A_1265] : memref<4x8192x1024xf32, #tpu.memory_space<hbm>> -> memref<1x32x1024xf32, #tpu.memory_space<hbm>>
    %dma_wait3A_1267 = tpu.memref_squeeze %dma_wait3A_1266 : memref<1x32x1024xf32, #tpu.memory_space<hbm>> -> memref<32x1024xf32, #tpu.memory_space<hbm>>
    %dma_wait3A_1268 = arith.constant 0 : i32
    %dma_wait3A_1269 = arith.constant 0 : i32
    %dma_wait3A_1270 = tpu.memref_slice %arg4[%dma_wait3A_1256, %dma_wait3A_1268, %dma_wait3A_1269] : memref<2x32x1024xf32, #tpu.memory_space<vmem>> -> memref<1x32x1024xf32, #tpu.memory_space<vmem>>
    %dma_wait3A_1271 = tpu.memref_squeeze %dma_wait3A_1270 : memref<1x32x1024xf32, #tpu.memory_space<vmem>> -> memref<32x1024xf32, #tpu.memory_space<vmem>>
    tpu.wait_dma2 semaphore(%arg6 : memref<!tpu.dma_semaphore, #tpu.memory_space<semaphore_mem>>) src(%dma_wait3A_1271 : memref<32x1024xf32, #tpu.memory_space<vmem>>) dst(%dma_wait3A_1267 : memref<32x1024xf32, #tpu.memory_space<hbm>>)
    %dma_wait3A_1272 = arith.constant 1 : i32
    %dma_wait3A_1273 = arith.constant 1 : i32
    %dma_wait3A_1274 = arith.constant 0 : i32
    %dma_wait3A_1275 = arith.constant 0 : i32
    %dma_wait3A_1276 = tpu.memref_slice %arg4[%dma_wait3A_1272, %dma_wait3A_1274, %dma_wait3A_1275] : memref<2x32x1024xf32, #tpu.memory_space<vmem>> -> memref<1x32x1024xf32, #tpu.memory_space<vmem>>
    %dma_wait3A_1277 = tpu.memref_squeeze %dma_wait3A_1276 : memref<1x32x1024xf32, #tpu.memory_space<vmem>> -> memref<32x1024xf32, #tpu.memory_space<vmem>>
    %dma_wait3A_1278 = arith.constant 0 : i32
    %dma_wait3A_1279 = tpu.memref_slice %arg3[%dma_wait3A_1273, %add3A_1255, %dma_wait3A_1278] : memref<4x8192x1024xf32, #tpu.memory_space<hbm>> -> memref<1x32x1024xf32, #tpu.memory_space<hbm>>
    %dma_wait3A_1280 = tpu.memref_squeeze %dma_wait3A_1279 : memref<1x32x1024xf32, #tpu.memory_space<hbm>> -> memref<32x1024xf32, #tpu.memory_space<hbm>>
    %dma_wait3A_1281 = arith.constant 0 : i32
    %dma_wait3A_1282 = tpu.memref_slice %arg3[%dma_wait3A_1273, %add3A_1255, %dma_wait3A_1281] : memref<4x8192x1024xf32, #tpu.memory_space<hbm>> -> memref<1x32x1024xf32, #tpu.memory_space<hbm>>
    %dma_wait3A_1283 = tpu.memref_squeeze %dma_wait3A_1282 : memref<1x32x1024xf32, #tpu.memory_space<hbm>> -> memref<32x1024xf32, #tpu.memory_space<hbm>>
    %dma_wait3A_1284 = arith.constant 0 : i32
    %dma_wait3A_1285 = arith.constant 0 : i32
    %dma_wait3A_1286 = tpu.memref_slice %arg4[%dma_wait3A_1272, %dma_wait3A_1284, %dma_wait3A_1285] : memref<2x32x1024xf32, #tpu.memory_space<vmem>> -> memref<1x32x1024xf32, #tpu.memory_space<vmem>>
    %dma_wait3A_1287 = tpu.memref_squeeze %dma_wait3A_1286 : memref<1x32x1024xf32, #tpu.memory_space<vmem>> -> memref<32x1024xf32, #tpu.memory_space<vmem>>
    tpu.wait_dma2 semaphore(%arg6 : memref<!tpu.dma_semaphore, #tpu.memory_space<semaphore_mem>>) src(%dma_wait3A_1287 : memref<32x1024xf32, #tpu.memory_space<vmem>>) dst(%dma_wait3A_1283 : memref<32x1024xf32, #tpu.memory_space<hbm>>)
    %dma_wait3A_1288 = arith.constant 1 : i32
    %dma_wait3A_1289 = arith.constant 2 : i32
    %dma_wait3A_1290 = arith.constant 0 : i32
    %dma_wait3A_1291 = arith.constant 0 : i32
    %dma_wait3A_1292 = tpu.memref_slice %arg4[%dma_wait3A_1288, %dma_wait3A_1290, %dma_wait3A_1291] : memref<2x32x1024xf32, #tpu.memory_space<vmem>> -> memref<1x32x1024xf32, #tpu.memory_space<vmem>>
    %dma_wait3A_1293 = tpu.memref_squeeze %dma_wait3A_1292 : memref<1x32x1024xf32, #tpu.memory_space<vmem>> -> memref<32x1024xf32, #tpu.memory_space<vmem>>
    %dma_wait3A_1294 = arith.constant 0 : i32
    %dma_wait3A_1295 = tpu.memref_slice %arg3[%dma_wait3A_1289, %add3A_1255, %dma_wait3A_1294] : memref<4x8192x1024xf32, #tpu.memory_space<hbm>> -> memref<1x32x1024xf32, #tpu.memory_space<hbm>>
    %dma_wait3A_1296 = tpu.memref_squeeze %dma_wait3A_1295 : memref<1x32x1024xf32, #tpu.memory_space<hbm>> -> memref<32x1024xf32, #tpu.memory_space<hbm>>
    %dma_wait3A_1297 = arith.constant 0 : i32
    %dma_wait3A_1298 = tpu.memref_slice %arg3[%dma_wait3A_1289, %add3A_1255, %dma_wait3A_1297] : memref<4x8192x1024xf32, #tpu.memory_space<hbm>> -> memref<1x32x1024xf32, #tpu.memory_space<hbm>>
    %dma_wait3A_1299 = tpu.memref_squeeze %dma_wait3A_1298 : memref<1x32x1024xf32, #tpu.memory_space<hbm>> -> memref<32x1024xf32, #tpu.memory_space<hbm>>
    %dma_wait3A_1300 = arith.constant 0 : i32
    %dma_wait3A_1301 = arith.constant 0 : i32
    %dma_wait3A_1302 = tpu.memref_slice %arg4[%dma_wait3A_1288, %dma_wait3A_1300, %dma_wait3A_1301] : memref<2x32x1024xf32, #tpu.memory_space<vmem>> -> memref<1x32x1024xf32, #tpu.memory_space<vmem>>
    %dma_wait3A_1303 = tpu.memref_squeeze %dma_wait3A_1302 : memref<1x32x1024xf32, #tpu.memory_space<vmem>> -> memref<32x1024xf32, #tpu.memory_space<vmem>>
    tpu.wait_dma2 semaphore(%arg6 : memref<!tpu.dma_semaphore, #tpu.memory_space<semaphore_mem>>) src(%dma_wait3A_1303 : memref<32x1024xf32, #tpu.memory_space<vmem>>) dst(%dma_wait3A_1299 : memref<32x1024xf32, #tpu.memory_space<hbm>>)
    %dma_wait3A_1304 = arith.constant 1 : i32
    %dma_wait3A_1305 = arith.constant 3 : i32
    %dma_wait3A_1306 = arith.constant 0 : i32
    %dma_wait3A_1307 = arith.constant 0 : i32
    %dma_wait3A_1308 = tpu.memref_slice %arg4[%dma_wait3A_1304, %dma_wait3A_1306, %dma_wait3A_1307] : memref<2x32x1024xf32, #tpu.memory_space<vmem>> -> memref<1x32x1024xf32, #tpu.memory_space<vmem>>
    %dma_wait3A_1309 = tpu.memref_squeeze %dma_wait3A_1308 : memref<1x32x1024xf32, #tpu.memory_space<vmem>> -> memref<32x1024xf32, #tpu.memory_space<vmem>>
    %dma_wait3A_1310 = arith.constant 0 : i32
    %dma_wait3A_1311 = tpu.memref_slice %arg3[%dma_wait3A_1305, %add3A_1255, %dma_wait3A_1310] : memref<4x8192x1024xf32, #tpu.memory_space<hbm>> -> memref<1x32x1024xf32, #tpu.memory_space<hbm>>
    %dma_wait3A_1312 = tpu.memref_squeeze %dma_wait3A_1311 : memref<1x32x1024xf32, #tpu.memory_space<hbm>> -> memref<32x1024xf32, #tpu.memory_space<hbm>>
    %dma_wait3A_1313 = arith.constant 0 : i32
    %dma_wait3A_1314 = tpu.memref_slice %arg3[%dma_wait3A_1305, %add3A_1255, %dma_wait3A_1313] : memref<4x8192x1024xf32, #tpu.memory_space<hbm>> -> memref<1x32x1024xf32, #tpu.memory_space<hbm>>
    %dma_wait3A_1315 = tpu.memref_squeeze %dma_wait3A_1314 : memref<1x32x1024xf32, #tpu.memory_space<hbm>> -> memref<32x1024xf32, #tpu.memory_space<hbm>>
    %dma_wait3A_1316 = arith.constant 0 : i32
    %dma_wait3A_1317 = arith.constant 0 : i32
    %dma_wait3A_1318 = tpu.memref_slice %arg4[%dma_wait3A_1304, %dma_wait3A_1316, %dma_wait3A_1317] : memref<2x32x1024xf32, #tpu.memory_space<vmem>> -> memref<1x32x1024xf32, #tpu.memory_space<vmem>>
    %dma_wait3A_1319 = tpu.memref_squeeze %dma_wait3A_1318 : memref<1x32x1024xf32, #tpu.memory_space<vmem>> -> memref<32x1024xf32, #tpu.memory_space<vmem>>
    tpu.wait_dma2 semaphore(%arg6 : memref<!tpu.dma_semaphore, #tpu.memory_space<semaphore_mem>>) src(%dma_wait3A_1319 : memref<32x1024xf32, #tpu.memory_space<vmem>>) dst(%dma_wait3A_1315 : memref<32x1024xf32, #tpu.memory_space<hbm>>)
    return
  }
}

</mosaic_0001>

<sc_bundles>
// kernel: kernel.3.cloned.1.call-start
scs
__scs_entry_jumppad:
0x0: {  	(pc) =	sbr.rel $0x88, $3  }
0x1: {  	(tag) =	ssettag $0x0;
	lr =	simm.s32 $0x1  }
0x2: {  	[smem:$0x3FA0] =	sst lr;
	_ =	strace $0xD0000000  }
0x3: {  	_ = 	snop  }
0x4: {  	_ = 	snop  }
0x5: {  	_ = 	snop  }
0x6: {  	_ = 	snop  }
0x7: {  	_ = 	snop  }
__scs_overlays_trampoline_lowered:
0x8: {  	[smem:$0x3FAF] =	sst s0  }
0x9: {  	[smem:$0x3FB0] =	sst s1  }
0xa: {  	[smem:$0x3FB1] =	sst s2  }
0xb: {  	[smem:$0x3FB2] =	sst s3  }
0xc: {  	[smem:$0x3FB3] =	sst s4  }
0xd: {  	[smem:$0x3FB4] =	sst s5  }
0xe: {  	[smem:$0x3FB5] =	sst s6  }
0xf: {  	[smem:$0x3FB6] =	sst s7  }
0x10: {  	[smem:$0x3FB7] =	sst s8  }
0x11: {  	[smem:$0x3FB8] =	sst s9;
	s0 =	simm.s32 @!p0 $0x0  }
0x12: {  	s1 =	sld [smem:$0x3F9E];
	s0 =	simm.s32 @p0 $0x1  }
0x13: {  	[smem:$0x3FB9] =	sst s0;
	s0 =	simm.s32 @!p1 $0x0  }
0x14: {  	s2 =	sld [smem:$0x3F9D];
	s0 =	simm.s32 @p1 $0x1  }
0x15: {  	[smem:$0x3FBA] =	sst s0;
	s0 =	simm.s32 @!p2 $0x0  }
0x16: {  	s3 =	sld [smem:$0x3FDB];
	s0 =	simm.s32 @p2 $0x1  }
0x17: {  	s4 =	simm.s32 $0x1BF5;
	[smem:$0x3FBC] =	sst s0  }
0x18: {  	s0 =	sld [smem:$0x3F9F];
	_ =	swait.ge [sflag:s4], $0x0  }
0x19: {  	s7 =	sld [smem:$0x3FA0]  }
0x1a: {  	s8 =	sadd.s32 $0xFFFFE003, lr  }
0x1b: {  	s9 =	sadd.s32 $0xFFFFFEF7, lr;
	s5 =	simm.s32 $0xFFFFFFFF;
	p2 =	slt.u32 s8, $0xFFFFF086  }
0x1c: {  	p1 =	slt.u32 s9, $0xF7A;
	s5 =	simm.s32 @!p2 $0x0  }
0x1d: {  	s5 =	simm.s32 @p1 $0x1;
	p0 =	seq.s32 s7, s2  }
0x1e: {  	s7 =	smul.u32 @!p0 $0xF7A, s2;
	p2 =	seq.s32 @!p0 s5, $0x0  }
0x1f: {  	s9 =	smul.u32 $0xF7A, s1;
	s8 =	simm.s32 @!p0 $0x1BF5;
	p2 =	por !p2, p0  }
0x20: {  	[sflag:s8] =	ssyncset.s32 @!p0 $0xFFFFF086;
	s6 =	sadd.s32 @!p0 s3, s7;
	s7 =	simm.s32 @!p0 $0x108  }
0x21: {  	s3 =	sadd.s32 s3, s9;
	s6 =	sadd.s32 @!p0 $0x88, s6;
	s7 =	simm.s32 @p2 $0x1082  }
0x22: {  	[simem:s7], [sflag:s8] =	dma.local @!p0 [hbm:s6], $0xF7A  }
0x23: {  	s9 =	sor.u32 $0xD0000000, s2;
	s6 =	simm.s32 $0x108;
	_ =	swait.ge @!p0 [sflag:s8], $0x0  }
0x24: {  	s3 =	sadd.s32 $0x88, s3;
	s6 =	simm.s32 @!p1 $0x1082;
	[sflag:s4] =	ssyncset.s32 $0xFFFFF086  }
0x25: {  	[simem:s6], [sflag:s4] =	dma.local [hbm:s3], $0xF7A  }
0x26: {  	[smem:$0x3FA0] =	sst s1;
	(tag) =	ssettag s2;
	_ =	strace s9  }
0x27: {  	s1 =	sld [smem:$0x3FB0]  }
0x28: {  	s2 =	sld [smem:$0x3FB1]  }
0x29: {  	s4 =	sld [smem:$0x3FB3]  }
0x2a: {  	p0 =	seq.s32 s5, $0x0;
	s5 =	sld [smem:$0x3FB4]  }
0x2b: {  	s6 =	sld [smem:$0x3FB5]  }
0x2c: {  	s7 =	sld [smem:$0x3FB6]  }
0x2d: {  	s3 =	simm.s32 $0x108;
	s8 =	sld [smem:$0x3FB7]  }
0x2e: {  	s3 =	simm.s32 @!p0 $0x1082;
	s9 =	sld [smem:$0x3FB8]  }
0x2f: {  	lr =	sadd.s32 s0, s3;
	s0 =	sld [smem:$0x3FAF]  }
0x30: {  	s3 =	sld [smem:$0x3FB2]  }
0x31: {  	[smem:$0x3FBB] =	sst s10  }
0x32: {  	s10 =	sld [smem:$0x3FB9];
	_ =	sdelay $0x3  }
0x33: {  	p0 =	seq.s32 s10, $0x1;
	s10 =	sld [smem:$0x3FBB];
	_ =	sdelay $0x3  }
0x34: {  	[smem:$0x3FBB] =	sst s10  }
0x35: {  	s10 =	sld [smem:$0x3FBA];
	_ =	sdelay $0x3  }
0x36: {  	p1 =	seq.s32 s10, $0x1;
	s10 =	sld [smem:$0x3FBB];
	_ =	sdelay $0x3  }
0x37: {  	[smem:$0x3FBB] =	sst s10  }
0x38: {  	s10 =	sld [smem:$0x3FBC]  }
0x39: {  	_ = 	snop;
	(pc) =	sbr.ind lr, $3  }
0x3a: {  	_ = 	snop  }
0x3b: {  	_ = 	snop  }
0x3c: {  	p2 =	seq.s32 s10, $0x1;
	s10 =	sld [smem:$0x3FBB]  }
0x3d: {  	_ =	shalt  }
0x3e: {  	_ =	shalt  }
0x3f: {  	_ =	shalt  }
0x40: {  	_ =	shalt  }
0x41: {  	_ =	shalt  }
0x42: {  	_ =	shalt  }
0x43: {  	_ =	shalt  }
0x44: {  	_ =	shalt  }
0x45: {  	_ =	shalt  }
0x46: {  	_ =	shalt  }
0x47: {  	_ =	shalt  }
0x48: {  	_ =	shalt  }
0x49: {  	_ =	shalt  }
0x4a: {  	_ =	shalt  }
0x4b: {  	_ =	shalt  }
0x4c: {  	_ =	shalt  }
0x4d: {  	_ =	shalt  }
0x4e: {  	_ =	shalt  }
0x4f: {  	_ =	shalt  }
0x50: {  	_ =	shalt  }
0x51: {  	_ =	shalt  }
0x52: {  	_ =	shalt  }
0x53: {  	_ =	shalt  }
0x54: {  	_ =	shalt  }
0x55: {  	_ =	shalt  }
0x56: {  	_ =	shalt  }
0x57: {  	_ =	shalt  }
0x58: {  	_ =	shalt  }
0x59: {  	_ =	shalt  }
0x5a: {  	_ =	shalt  }
0x5b: {  	_ =	shalt  }
0x5c: {  	_ =	shalt  }
0x5d: {  	_ =	shalt  }
0x5e: {  	_ =	shalt  }
0x5f: {  	_ =	shalt  }
0x60: {  	_ =	shalt  }
0x61: {  	_ =	shalt  }
0x62: {  	_ =	shalt  }
0x63: {  	_ =	shalt  }
0x64: {  	_ =	shalt  }
0x65: {  	_ =	shalt  }
0x66: {  	_ =	shalt  }
0x67: {  	_ =	shalt  }
0x68: {  	_ =	shalt  }
0x69: {  	_ =	shalt  }
0x6a: {  	_ =	shalt  }
0x6b: {  	_ =	shalt  }
0x6c: {  	_ =	shalt  }
0x6d: {  	_ =	shalt  }
0x6e: {  	_ =	shalt  }
0x6f: {  	_ =	shalt  }
0x70: {  	_ =	shalt  }
0x71: {  	_ =	shalt  }
0x72: {  	_ =	shalt  }
0x73: {  	_ =	shalt  }
0x74: {  	_ =	shalt  }
0x75: {  	_ =	shalt  }
0x76: {  	_ =	shalt  }
0x77: {  	_ =	shalt  }
0x78: {  	_ =	shalt  }
0x79: {  	_ =	shalt  }
0x7a: {  	_ =	shalt  }
0x7b: {  	_ =	shalt  }
0x7c: {  	_ =	shalt  }
0x7d: {  	_ =	shalt  }
0x7e: {  	_ =	shalt  }
0x7f: {  	_ =	shalt  }
0x80: {  	_ =	shalt  }
0x81: {  	_ =	shalt  }
0x82: {  	_ =	shalt  }
0x83: {  	_ =	shalt  }
0x84: {  	_ =	shalt  }
0x85: {  	_ =	shalt  }
0x86: {  	_ =	shalt  }
0x87: {  	_ =	shalt  }
.Lfunc_end0:
.L_simem_size_0:
called_computation_lowered:
.L_overlay_start_0:
0x88: {  	s2 =	sld [smem:$0x3FD9]  }
0x89: {  	s3 =	sld [smem:$0x3FFE];
	_ =	sdelay $0x1  }
0x8a: {  	s1 =	srdreg.scid  }
0x8b: {  	s0 =	sand.u32 $0x1, s1  }
0x8c: {  	s18 =	sshll.u32 s0, $0xA;
	s2 =	sadd.s32 s3, s2  }
0x8d: {  	s2 =	sadd.s32 s2, s18  }
0x8e: {  	[smem:$0x3FC7] =	sst s2  }
0x8f: {  	_ = 	snop  }
0x90: {  	s2 =	sld [smem:$0x3FC9]  }
0x91: {  	s19 =	sld [smem:$0x3FD0];
	(tm) =	ssettm $0x1  }
0x92: {  	s4 =	sld [smem:$0x3FFB];
	_ =	sdelay $0x3  }
0x93: {  	_ =	strace s4  }
0x94: {  	s4 =	sld [smem:$0x3FFC];
	_ =	sdelay $0x3  }
0x95: {  	_ =	strace s4  }
0x96: {  	s4 =	sld [smem:$0x3FFD];
	_ =	sdelay $0x3  }
0x97: {  	_ =	strace s4  }
0x98: {  	_ =	strace $0x8FFFFFFF  }
0x99: {  	s20 =	sld [smem:$0x3FDB];
	_ =	sdelay $0x1  }
0x9a: {  	s5 =	simm.s32 $_scs_section_size  }
0x9b: {  	s6 =	simm.s32 $_size__tile_overlayer_lowered;
	s7 =	simm.s32 $_tile_overlayer_lowered  }
0x9c: {  	s23 =	simm.s32 $0x1BFF;
	s22 =	sshll.u32 s7, $0x1;
	s4 =	sadd.s32 s5, s20  }
0x9d: {  	s8 =	simm.s32 $0x0;
	s21 =	sshll.u32 s6, $0x1;
	s6 =	sadd.s32 s22, s4  }
0x9e: {  	[timem:s8], [sflag:s23] =	dma.local [hbm:s6], s21  }
0x9f: {  	_ =	swait.ge [sflag:s23], s21  }
0xa0: {  	s5 =	ssub.s32 $0x0, s21;
	[sflag:s23] =	ssyncset.done $0x0  }
0xa1: {  	[sflag:s23] =	ssyncadd.s32 s5;
	_ =	sdelay $0x1  }
0xa2: {  	s24 =	simm.s32 $0x1B8B  }
0xa3: {  	_ =	swait.ge [sflag:s24], $0x1  }
0xa4: {  	[sflag:s24] =	ssyncset.done $0x0  }
0xa5: {  	s25 =	simm.s32 $0x1B8E;
	[sflag:s24] =	ssyncadd.s32 $0xFFFFFFFF  }
0xa6: {  	s26 =	simm.s32 $execute0_lowered;
	[smem:$0x3FD2] =	sst s25  }
0xa7: {  	s5 =	sshll.u32 s26, $0x1;
	_ =	strace $0x80000046;
	[dreg:$0x1] =	wrdreg $0xFFFFFFFF  }
0xa8: {  	s28 =	simm.s32 $_size_execute0_lowered;
	s4 =	sadd.s32 s4, s5;
	[dreg:$0x0] =	wrdreg $0x0  }
0xa9: {  	s5 =	sshll.u32 s28, $0x1;
	[dreg:$0x2] =	wrdreg s4  }
0xaa: {  	[dreg:$0x3] =	wrdreg s5  }
0xab: {  	[dreg:$0x4] =	wrdreg $0xC0  }
0xac: {  	_ =	task [dreg:s8], $0x5FFFF  }
0xad: {  	[dreg:$0x1] =	wrdreg $0xFFFFFFFF  }
0xae: {  	[dreg:$0x0] =	wrdreg $0x60  }
0xaf: {  	[dreg:$0x2] =	wrdreg s2  }
0xb0: {  	[dreg:$0x3] =	wrdreg s19  }
0xb1: {  	[dreg:$0x4] =	wrdreg $0x9  }
0xb2: {  	_ =	task.clear_ibuf [dreg:s8], $0x5FFFF;
	_ =	strace $0x90000046  }
0xb3: {  	s29 =	simm.s32 $0x9;
	_ =	strace $0x80000048  }
0xb4: {  	_ =	swait.ge [sflag:s29], $0x1  }
0xb5: {  	[sflag:s29] =	ssyncadd.s32 $0xFFFFFFFF  }
0xb6: {  	_ =	strace $0x90000048  }
0xb7: {  	_ =	sfence  }
0xb8: {  	s30 =	sld [smem:$0x0];
	_ =	sdelay $0x2  }
0xb9: {  	s31 =	sshll.u32 s1, $0xD;
	s1 =	sshrl.u32 s1, $0x2  }
0xba: {  	s3 =	sand.u32 $0x4000, s31;
	s1 =	sadd.s32 s1, s30  }
0xbb: {  	s0 =	sor.u32 s3, s0;
	s1 =	sshll.u32 s1, $0x11  }
0xbc: {  	s0 =	sor.u32 s1, s0  }
0xbd: {  	s0 =	sadd.s32 $0x8F2B, s0  }
0xbe: {  	[sflag:s0] =	ssyncadd.remote.s32 $0x1  }
0xbf: {  	_ =	sfence.sel $0xFFFF  }
0xc0: {  	[dreg:$0x0] =	wrdreg $0xFFFFFFFF;
	(pc) =	sbr.abs _section_cstart, $3  }
0xc1: {  	[dreg:$0x1] =	wrdreg $0xFFFFFFFF  }
0xc2: {  	_ =	task.clear_ibuf [dreg:s8], $0x2FFFF;
	_ =	strace $0x9FFFFFFF  }
0xc3: {  	(tm) =	ssettm $0x7FFFFFFF  }
tec
execute0_lowered:
.L_overlay_start_1:
0x0: {  	(tag) =	ssettag $0x1  }
0x1: {  	s3 =	rddreg [dreg:$0x0]  }
0x2: {  	s0 =	rddreg [dreg:$0x1]  }
0x3: {  	s1 =	srdreg.scid;
	s4 =	stileid.u32  }
0x4: {  	s2 =	simm.s32 $0x0;
	p0 =	por $0x0, $0x0;
	s1 =	sand.u32 $0x1, s1  }
0x5: {  	s4 =	sshll.u32 s4, $0x10;
	[smem:$0x7FF] =	sst s2;
	s5 =	sshll.u32 s1, $0xF  }
0x6: {  	s31 =	simm.s32 $0x1;
	_ =	strace $0x80000047;
	s8 =	sor.u32 s5, s4  }
0x7: {  	s1 =	ssub.s32 $0x2, s1;
	s5 =	sadd.s32 s3, s8;
	s6 =	sor.u32 $0x1000, s8  }
0x8: {  	s4 =	sadd.s32 s0, s8;
	[dreg:$0x3] =	wrdreg s5;
	s14 =	sadd.s32 s3, s6  }
0x9: {  	s26 =	sshrl.u32 s1, $0x1;
	s15 =	sadd.s32 $0x100000, s4;
	[dreg:$0x4] =	wrdreg s14  }
0xa: {  	s7 =	sor.u32 $0x2000, s8;
	s16 =	sadd.s32 $0x200000, s4;
	[dreg:$0x5] =	wrdreg s15  }
0xb: {  	s23 =	sor.u32 $0x3000, s8;
	s17 =	sadd.s32 $0x300000, s4;
	[dreg:$0x6] =	wrdreg s16  }
0xc: {  	s1 =	ssub.s32 s1, s26;
	s18 =	sadd.s32 s3, s7;
	[dreg:$0x7] =	wrdreg s17  }
0xd: {  	s12 =	sor.u32 $0x4000, s8;
	s19 =	sadd.s32 s0, s6;
	[dreg:$0x8] =	wrdreg s18  }
0xe: {  	s13 =	sor.u32 $0x5000, s8;
	s20 =	sadd.s32 $0x101000, s4;
	[dreg:$0x9] =	wrdreg s19  }
0xf: {  	s21 =	sadd.s32 $0x201000, s4;
	s22 =	sadd.s32 $0x301000, s4;
	[dreg:$0xa] =	wrdreg s20  }
0x10: {  	s24 =	sadd.s32 s3, s23;
	s25 =	sadd.s32 s0, s7;
	[dreg:$0xb] =	wrdreg s21  }
0x11: {  	s9 =	sadd.s32 $0x102000, s4;
	s10 =	sadd.s32 $0x202000, s4;
	[dreg:$0xc] =	wrdreg s22  }
0x12: {  	s11 =	sadd.s32 $0x302000, s4;
	s26 =	sadd.s32 s0, s23;
	[dreg:$0xd] =	wrdreg s24  }
0x13: {  	s28 =	sadd.s32 $0x103000, s4;
	s29 =	sadd.s32 $0x203000, s4;
	[dreg:$0xe] =	wrdreg s25  }
0x14: {  	s30 =	sadd.s32 $0x303000, s4;
	s23 =	sadd.s32 $0x204000, s4;
	[dreg:$0xf] =	wrdreg s9  }
0x15: {  	s5 =	sadd.s32 s0, s13;
	s1 =	smax.u32 s1, $0x1;
	[dreg:$0x10] =	wrdreg s10  }
0x16: {  	s6 =	sadd.s32 $0x207000, s4;
	s7 =	sadd.s32 $0x307000, s4;
	[dreg:$0x11] =	wrdreg s11  }
0x17: {  	s25 =	sadd.s32 s3, s12;
	s20 =	sadd.s32 s3, s13;
	s21 =	sadd.s32 s0, s12  }
0x18: {  	s22 =	sadd.s32 $0x104000, s4;
	s14 =	sor.u32 $0x6000, s8;
	s24 =	sadd.s32 $0x304000, s4  }
0x19: {  	[dreg:$0x14] =	wrdreg s5;
	s16 =	sadd.s32 $0x105000, s4;
	s18 =	sadd.s32 $0x205000, s4  }
0x1a: {  	s17 =	sor.u32 $0x7000, s8;
	s19 =	sadd.s32 $0x305000, s4;
	p1 =	sne.s32 s1, $0x1  }
.Ltmp0:
0x1b: {  	s11 =	sadd.s32 $0x106000, s4;
	s12 =	sadd.s32 $0x206000, s4;
	(pc) =	sbr.rel @!p1 .LBB2_3-.Ltmp0, $4  }
0x1c: {  	s13 =	sadd.s32 $0x306000, s4;
	s9 =	sadd.s32 $0xFFFFFFFF, s1;
	s1 =	rddreg [dreg:$0x3]  }
0x1d: {  	s8 =	simm.s32 $0x8000;
	s15 =	sadd.s32 s3, s14;
	[dreg:$0x15] =	wrdreg s16  }
0x1e: {  	s10 =	sadd.s32 s3, s17;
	s16 =	sadd.s32 s0, s14;
	s5 =	sadd.s32 s0, s17  }
0x1f: {  	s17 =	sadd.s32 $0x107000, s4;
	s3 =	simm.s32 $0x2;
	[dreg:$0x13] =	wrdreg s15  }
0x20: {  	[tilespmem:s2], [sflag:$0x1] =	stream.linear.gather [hbm4b:s1+s2], $0x8000, $0x38;
	[tilespmem:$0x10000] =	vst v63  }
0x21: {  	_ =	swait.ge [sflag:s31], $0x8000  }
0x22: {  	[sflag:s31] =	ssyncset.done $0x0  }
0x23: {  	s0 =	rddreg [dreg:$0x4];
	[sflag:s31] =	ssyncadd.s32 $0xFFFF8000  }
0x24: {  	[tilespmem:s8], [sflag:$0x1] =	stream.linear.gather [hbm4b:s0+s2], $0x8000, $0x38;
	[tilespmem:$0x10000] =	vst v63  }
0x25: {  	_ = 	snop  }
0x26: {  	[hbm4b:s4+s2] =	stream.linear.scatter [tilespmem:s2], [sflag:$0x2], $0x8000, $0x38;
	[tilespmem:$0x10000] =	vst v63  }
0x27: {  	s14 =	rddreg [dreg:$0x5]  }
0x28: {  	[hbm4b:s14+s2] =	stream.linear.scatter [tilespmem:s2], [sflag:$0x2], $0x8000, $0x38;
	[tilespmem:$0x10000] =	vst v63  }
0x29: {  	s0 =	rddreg [dreg:$0x6]  }
0x2a: {  	[hbm4b:s0+s2] =	stream.linear.scatter [tilespmem:s2], [sflag:$0x2], $0x8000, $0x38;
	[tilespmem:$0x10000] =	vst v63  }
0x2b: {  	s15 =	rddreg [dreg:$0x7]  }
0x2c: {  	[hbm4b:s15+s2] =	stream.linear.scatter [tilespmem:s2], [sflag:$0x2], $0x8000, $0x38;
	[tilespmem:$0x10000] =	vst v63  }
0x2d: {  	_ =	swait.ge [sflag:s31], $0x8000  }
0x2e: {  	[sflag:s31] =	ssyncset.done $0x0  }
0x2f: {  	[sflag:s31] =	ssyncadd.s32 $0xFFFF8000  }
0x30: {  	_ =	swait.ge [sflag:s3], $0x8000  }
0x31: {  	[sflag:s3] =	ssyncset.done $0x0  }
0x32: {  	[sflag:s3] =	ssyncadd.s32 $0xFFFF8000  }
0x33: {  	_ =	swait.ge [sflag:s3], $0x8000  }
0x34: {  	[sflag:s3] =	ssyncset.done $0x0  }
0x35: {  	[sflag:s3] =	ssyncadd.s32 $0xFFFF8000  }
0x36: {  	_ =	swait.ge [sflag:s3], $0x8000  }
0x37: {  	[sflag:s3] =	ssyncset.done $0x0  }
0x38: {  	[sflag:s3] =	ssyncadd.s32 $0xFFFF8000  }
0x39: {  	_ =	swait.ge [sflag:s3], $0x8000  }
0x3a: {  	[sflag:s3] =	ssyncset.done $0x0  }
0x3b: {  	s1 =	rddreg [dreg:$0x8];
	[sflag:s3] =	ssyncadd.s32 $0xFFFF8000  }
0x3c: {  	[tilespmem:s2], [sflag:$0x1] =	stream.linear.gather [hbm4b:s1+s2], $0x8000, $0x38;
	[tilespmem:$0x10000] =	vst v63  }
0x3d: {  	s14 =	rddreg [dreg:$0x9]  }
0x3e: {  	[hbm4b:s14+s2] =	stream.linear.scatter [tilespmem:s8], [sflag:$0x2], $0x8000, $0x38;
	[tilespmem:$0x10000] =	vst v63  }
0x3f: {  	s15 =	rddreg [dreg:$0xa]  }
0x40: {  	[hbm4b:s15+s2] =	stream.linear.scatter [tilespmem:s8], [sflag:$0x2], $0x8000, $0x38;
	[tilespmem:$0x10000] =	vst v63  }
0x41: {  	s14 =	rddreg [dreg:$0xb]  }
0x42: {  	[hbm4b:s14+s2] =	stream.linear.scatter [tilespmem:s8], [sflag:$0x2], $0x8000, $0x38;
	[tilespmem:$0x10000] =	vst v63  }
0x43: {  	s15 =	rddreg [dreg:$0xc]  }
0x44: {  	[hbm4b:s15+s2] =	stream.linear.scatter [tilespmem:s8], [sflag:$0x2], $0x8000, $0x38;
	[tilespmem:$0x10000] =	vst v63  }
0x45: {  	_ =	swait.ge [sflag:s31], $0x8000  }
0x46: {  	[sflag:s31] =	ssyncset.done $0x0  }
0x47: {  	[sflag:s31] =	ssyncadd.s32 $0xFFFF8000  }
0x48: {  	_ =	swait.ge [sflag:s3], $0x8000  }
0x49: {  	[sflag:s3] =	ssyncset.done $0x0  }
0x4a: {  	[sflag:s3] =	ssyncadd.s32 $0xFFFF8000  }
0x4b: {  	_ =	swait.ge [sflag:s3], $0x8000  }
0x4c: {  	[sflag:s3] =	ssyncset.done $0x0  }
0x4d: {  	[sflag:s3] =	ssyncadd.s32 $0xFFFF8000  }
0x4e: {  	_ =	swait.ge [sflag:s3], $0x8000  }
0x4f: {  	[sflag:s3] =	ssyncset.done $0x0  }
0x50: {  	[sflag:s3] =	ssyncadd.s32 $0xFFFF8000  }
0x51: {  	_ =	swait.ge [sflag:s3], $0x8000  }
0x52: {  	[sflag:s3] =	ssyncset.done $0x0  }
0x53: {  	s1 =	rddreg [dreg:$0xd];
	[sflag:s3] =	ssyncadd.s32 $0xFFFF8000  }
0x54: {  	[tilespmem:s8], [sflag:$0x1] =	stream.linear.gather [hbm4b:s1+s2], $0x8000, $0x38;
	[tilespmem:$0x10000] =	vst v63  }
0x55: {  	s14 =	rddreg [dreg:$0xe]  }
0x56: {  	[hbm4b:s14+s2] =	stream.linear.scatter [tilespmem:s2], [sflag:$0x2], $0x8000, $0x38;
	[tilespmem:$0x10000] =	vst v63  }
0x57: {  	s15 =	rddreg [dreg:$0xf]  }
0x58: {  	[hbm4b:s15+s2] =	stream.linear.scatter [tilespmem:s2], [sflag:$0x2], $0x8000, $0x38;
	[tilespmem:$0x10000] =	vst v63  }
0x59: {  	s14 =	rddreg [dreg:$0x10]  }
0x5a: {  	[hbm4b:s14+s2] =	stream.linear.scatter [tilespmem:s2], [sflag:$0x2], $0x8000, $0x38;
	[tilespmem:$0x10000] =	vst v63  }
0x5b: {  	s15 =	rddreg [dreg:$0x11]  }
0x5c: {  	[hbm4b:s15+s2] =	stream.linear.scatter [tilespmem:s2], [sflag:$0x2], $0x8000, $0x38;
	[tilespmem:$0x10000] =	vst v63  }
0x5d: {  	_ =	swait.ge [sflag:s31], $0x8000  }
0x5e: {  	[sflag:s31] =	ssyncset.done $0x0  }
0x5f: {  	[sflag:s31] =	ssyncadd.s32 $0xFFFF8000  }
0x60: {  	_ =	swait.ge [sflag:s3], $0x8000  }
0x61: {  	[sflag:s3] =	ssyncset.done $0x0  }
0x62: {  	[sflag:s3] =	ssyncadd.s32 $0xFFFF8000  }
0x63: {  	_ =	swait.ge [sflag:s3], $0x8000  }
0x64: {  	[sflag:s3] =	ssyncset.done $0x0  }
0x65: {  	[sflag:s3] =	ssyncadd.s32 $0xFFFF8000  }
0x66: {  	_ =	swait.ge [sflag:s3], $0x8000  }
0x67: {  	[sflag:s3] =	ssyncset.done $0x0  }
0x68: {  	[sflag:s3] =	ssyncadd.s32 $0xFFFF8000  }
0x69: {  	_ =	swait.ge [sflag:s3], $0x8000  }
0x6a: {  	[sflag:s3] =	ssyncset.done $0x0  }
0x6b: {  	[sflag:s3] =	ssyncadd.s32 $0xFFFF8000  }
0x6c: {  	[tilespmem:s2], [sflag:$0x1] =	stream.linear.gather [hbm4b:s25+s2], $0x8000, $0x38;
	[tilespmem:$0x10000] =	vst v63  }
0x6d: {  	_ = 	snop  }
0x6e: {  	[hbm4b:s26+s2] =	stream.linear.scatter [tilespmem:s8], [sflag:$0x2], $0x8000, $0x38;
	[tilespmem:$0x10000] =	vst v63  }
0x6f: {  	_ = 	snop  }
0x70: {  	[hbm4b:s28+s2] =	stream.linear.scatter [tilespmem:s8], [sflag:$0x2], $0x8000, $0x38;
	[tilespmem:$0x10000] =	vst v63  }
0x71: {  	_ = 	snop  }
0x72: {  	[hbm4b:s29+s2] =	stream.linear.scatter [tilespmem:s8], [sflag:$0x2], $0x8000, $0x38;
	[tilespmem:$0x10000] =	vst v63  }
0x73: {  	_ = 	snop  }
0x74: {  	[hbm4b:s30+s2] =	stream.linear.scatter [tilespmem:s8], [sflag:$0x2], $0x8000, $0x38;
	[tilespmem:$0x10000] =	vst v63  }
0x75: {  	_ =	swait.ge [sflag:s31], $0x8000  }
0x76: {  	[sflag:s31] =	ssyncset.done $0x0  }
0x77: {  	[sflag:s31] =	ssyncadd.s32 $0xFFFF8000  }
0x78: {  	_ =	swait.ge [sflag:s3], $0x8000  }
0x79: {  	[sflag:s3] =	ssyncset.done $0x0  }
0x7a: {  	[sflag:s3] =	ssyncadd.s32 $0xFFFF8000  }
0x7b: {  	_ =	swait.ge [sflag:s3], $0x8000  }
0x7c: {  	[sflag:s3] =	ssyncset.done $0x0  }
0x7d: {  	[sflag:s3] =	ssyncadd.s32 $0xFFFF8000  }
0x7e: {  	_ =	swait.ge [sflag:s3], $0x8000  }
0x7f: {  	[sflag:s3] =	ssyncset.done $0x0  }
0x80: {  	[sflag:s3] =	ssyncadd.s32 $0xFFFF8000  }
0x81: {  	_ =	swait.ge [sflag:s3], $0x8000  }
0x82: {  	[sflag:s3] =	ssyncset.done $0x0  }
0x83: {  	[sflag:s3] =	ssyncadd.s32 $0xFFFF8000  }
0x84: {  	[tilespmem:s8], [sflag:$0x1] =	stream.linear.gather [hbm4b:s20+s2], $0x8000, $0x38;
	[tilespmem:$0x10000] =	vst v63  }
0x85: {  	_ = 	snop  }
0x86: {  	[hbm4b:s21+s2] =	stream.linear.scatter [tilespmem:s2], [sflag:$0x2], $0x8000, $0x38;
	[tilespmem:$0x10000] =	vst v63  }
0x87: {  	_ = 	snop  }
0x88: {  	[hbm4b:s22+s2] =	stream.linear.scatter [tilespmem:s2], [sflag:$0x2], $0x8000, $0x38;
	[tilespmem:$0x10000] =	vst v63  }
0x89: {  	_ = 	snop  }
0x8a: {  	[hbm4b:s23+s2] =	stream.linear.scatter [tilespmem:s2], [sflag:$0x2], $0x8000, $0x38;
	[tilespmem:$0x10000] =	vst v63  }
0x8b: {  	_ = 	snop  }
0x8c: {  	[hbm4b:s24+s2] =	stream.linear.scatter [tilespmem:s2], [sflag:$0x2], $0x8000, $0x38;
	[tilespmem:$0x10000] =	vst v63  }
0x8d: {  	_ =	swait.ge [sflag:s31], $0x8000  }
0x8e: {  	[sflag:s31] =	ssyncset.done $0x0  }
0x8f: {  	[sflag:s31] =	ssyncadd.s32 $0xFFFF8000  }
0x90: {  	_ =	swait.ge [sflag:s3], $0x8000  }
0x91: {  	[sflag:s3] =	ssyncset.done $0x0  }
0x92: {  	[sflag:s3] =	ssyncadd.s32 $0xFFFF8000  }
0x93: {  	_ =	swait.ge [sflag:s3], $0x8000  }
0x94: {  	[sflag:s3] =	ssyncset.done $0x0  }
0x95: {  	[sflag:s3] =	ssyncadd.s32 $0xFFFF8000  }
0x96: {  	_ =	swait.ge [sflag:s3], $0x8000  }
0x97: {  	[sflag:s3] =	ssyncset.done $0x0  }
0x98: {  	[sflag:s3] =	ssyncadd.s32 $0xFFFF8000  }
0x99: {  	_ =	swait.ge [sflag:s3], $0x8000  }
0x9a: {  	[sflag:s3] =	ssyncset.done $0x0  }
0x9b: {  	s1 =	rddreg [dreg:$0x13];
	[sflag:s3] =	ssyncadd.s32 $0xFFFF8000  }
0x9c: {  	[tilespmem:s2], [sflag:$0x1] =	stream.linear.gather [hbm4b:s1+s2], $0x8000, $0x38;
	[tilespmem:$0x10000] =	vst v63  }
0x9d: {  	s14 =	rddreg [dreg:$0x14]  }
0x9e: {  	[hbm4b:s14+s2] =	stream.linear.scatter [tilespmem:s8], [sflag:$0x2], $0x8000, $0x38;
	[tilespmem:$0x10000] =	vst v63  }
0x9f: {  	s15 =	rddreg [dreg:$0x15]  }
0xa0: {  	[hbm4b:s15+s2] =	stream.linear.scatter [tilespmem:s8], [sflag:$0x2], $0x8000, $0x38;
	[tilespmem:$0x10000] =	vst v63  }
0xa1: {  	_ = 	snop  }
0xa2: {  	[hbm4b:s18+s2] =	stream.linear.scatter [tilespmem:s8], [sflag:$0x2], $0x8000, $0x38;
	[tilespmem:$0x10000] =	vst v63  }
0xa3: {  	_ = 	snop  }
0xa4: {  	[hbm4b:s19+s2] =	stream.linear.scatter [tilespmem:s8], [sflag:$0x2], $0x8000, $0x38;
	[tilespmem:$0x10000] =	vst v63  }
0xa5: {  	_ =	swait.ge [sflag:s31], $0x8000  }
0xa6: {  	[sflag:s31] =	ssyncset.done $0x0  }
0xa7: {  	[sflag:s31] =	ssyncadd.s32 $0xFFFF8000  }
0xa8: {  	_ =	swait.ge [sflag:s3], $0x8000  }
0xa9: {  	[sflag:s3] =	ssyncset.done $0x0  }
0xaa: {  	[sflag:s3] =	ssyncadd.s32 $0xFFFF8000  }
0xab: {  	_ =	swait.ge [sflag:s3], $0x8000  }
0xac: {  	[sflag:s3] =	ssyncset.done $0x0  }
0xad: {  	[sflag:s3] =	ssyncadd.s32 $0xFFFF8000  }
0xae: {  	_ =	swait.ge [sflag:s3], $0x8000  }
0xaf: {  	[sflag:s3] =	ssyncset.done $0x0  }
0xb0: {  	[sflag:s3] =	ssyncadd.s32 $0xFFFF8000  }
0xb1: {  	_ =	swait.ge [sflag:s3], $0x8000  }
0xb2: {  	[sflag:s3] =	ssyncset.done $0x0  }
0xb3: {  	[sflag:s3] =	ssyncadd.s32 $0xFFFF8000  }
0xb4: {  	[tilespmem:s8], [sflag:$0x1] =	stream.linear.gather [hbm4b:s10+s2], $0x8000, $0x38;
	[tilespmem:$0x10000] =	vst v63  }
0xb5: {  	_ = 	snop  }
0xb6: {  	[hbm4b:s16+s2] =	stream.linear.scatter [tilespmem:s2], [sflag:$0x2], $0x8000, $0x38;
	[tilespmem:$0x10000] =	vst v63  }
0xb7: {  	_ = 	snop  }
0xb8: {  	[hbm4b:s11+s2] =	stream.linear.scatter [tilespmem:s2], [sflag:$0x2], $0x8000, $0x38;
	[tilespmem:$0x10000] =	vst v63  }
0xb9: {  	_ = 	snop  }
0xba: {  	[hbm4b:s12+s2] =	stream.linear.scatter [tilespmem:s2], [sflag:$0x2], $0x8000, $0x38;
	[tilespmem:$0x10000] =	vst v63  }
0xbb: {  	_ = 	snop  }
0xbc: {  	[hbm4b:s13+s2] =	stream.linear.scatter [tilespmem:s2], [sflag:$0x2], $0x8000, $0x38;
	[tilespmem:$0x10000] =	vst v63  }
0xbd: {  	_ =	swait.ge [sflag:s31], $0x8000  }
0xbe: {  	[sflag:s31] =	ssyncset.done $0x0  }
0xbf: {  	[sflag:s31] =	ssyncadd.s32 $0xFFFF8000  }
0xc0: {  	_ =	swait.ge [sflag:s3], $0x8000  }
0xc1: {  	[sflag:s3] =	ssyncset.done $0x0  }
0xc2: {  	[sflag:s3] =	ssyncadd.s32 $0xFFFF8000  }
0xc3: {  	_ =	swait.ge [sflag:s3], $0x8000  }
0xc4: {  	[sflag:s3] =	ssyncset.done $0x0  }
0xc5: {  	[sflag:s3] =	ssyncadd.s32 $0xFFFF8000  }
0xc6: {  	_ =	swait.ge [sflag:s3], $0x8000  }
0xc7: {  	[sflag:s3] =	ssyncset.done $0x0  }
0xc8: {  	[sflag:s3] =	ssyncadd.s32 $0xFFFF8000  }
0xc9: {  	_ =	swait.ge [sflag:s3], $0x8000  }
0xca: {  	[sflag:s3] =	ssyncset.done $0x0  }
0xcb: {  	[sflag:s3] =	ssyncadd.s32 $0xFFFF8000  }
0xcc: {  	[hbm4b:s5+s2] =	stream.linear.scatter [tilespmem:s8], [sflag:$0x2], $0x8000, $0x38;
	[tilespmem:$0x10000] =	vst v63  }
0xcd: {  	_ = 	snop  }
0xce: {  	[hbm4b:s17+s2] =	stream.linear.scatter [tilespmem:s8], [sflag:$0x2], $0x8000, $0x38;
	[tilespmem:$0x10000] =	vst v63  }
0xcf: {  	_ = 	snop  }
0xd0: {  	[hbm4b:s6+s2] =	stream.linear.scatter [tilespmem:s8], [sflag:$0x2], $0x8000, $0x38;
	[tilespmem:$0x10000] =	vst v63  }
0xd1: {  	_ = 	snop  }
0xd2: {  	[hbm4b:s7+s2] =	stream.linear.scatter [tilespmem:s8], [sflag:$0x2], $0x8000, $0x38;
	[tilespmem:$0x10000] =	vst v63  }
0xd3: {  	_ =	swait.ge [sflag:s3], $0x8000  }
0xd4: {  	[sflag:s3] =	ssyncset.done $0x0  }
0xd5: {  	[sflag:s3] =	ssyncadd.s32 $0xFFFF8000  }
0xd6: {  	_ =	swait.ge [sflag:s3], $0x8000  }
0xd7: {  	[sflag:s3] =	ssyncset.done $0x0  }
0xd8: {  	p1 =	sne.s32 s9, $0x1;
	[sflag:s3] =	ssyncadd.s32 $0xFFFF8000  }
.Ltmp1:
0xd9: {  	_ =	swait.ge [sflag:s3], $0x8000;
	(pc) =	sbr.rel @!p1 .LBB2_3-.Ltmp1, $4  }
0xda: {  	[sflag:s3] =	ssyncset.done $0x0  }
0xdb: {  	[sflag:s3] =	ssyncadd.s32 $0xFFFF8000  }
0xdc: {  	p0 =	por $0x1, $0x1;
	_ =	swait.ge [sflag:s3], $0x8000;
	[dreg:$0x12] =	wrdreg s4  }
0xdd: {  	s0 =	sadd.s32 $0xFFFFFFFF, s9;
	s1 =	rddreg [dreg:$0x3];
	[sflag:s3] =	ssyncset.done $0x0  }
.LBB2_2:
0xde: {  	[sflag:s3] =	ssyncadd.s32 $0xFFFF8000  }
0xdf: {  	[tilespmem:s2], [sflag:$0x1] =	stream.linear.gather [hbm4b:s1+s2], $0x8000, $0x38;
	[tilespmem:$0x10000] =	vst v63  }
0xe0: {  	_ =	swait.ge [sflag:s31], $0x8000  }
0xe1: {  	[sflag:s31] =	ssyncset.done $0x0  }
0xe2: {  	s15 =	rddreg [dreg:$0x4];
	[sflag:s31] =	ssyncadd.s32 $0xFFFF8000  }
0xe3: {  	[tilespmem:s8], [sflag:$0x1] =	stream.linear.gather [hbm4b:s15+s2], $0x8000, $0x38;
	[tilespmem:$0x10000] =	vst v63  }
0xe4: {  	s1 =	rddreg [dreg:$0x5];
	s8 =	smov.u32 s30;
	s30 =	smov.u32 s29  }
0xe5: {  	s29 =	smov.u32 s28;
	s28 =	smov.u32 s26;
	s26 =	smov.u32 s25  }
0xe6: {  	[hbm4b:s4+s2] =	stream.linear.scatter [tilespmem:s2], [sflag:$0x2], $0x8000, $0x38;
	[tilespmem:$0x10000] =	vst v63  }
0xe7: {  	s25 =	smov.u32 s24;
	s24 =	smov.u32 s23;
	s23 =	smov.u32 s22  }
0xe8: {  	[hbm4b:s1+s2] =	stream.linear.scatter [tilespmem:s2], [sflag:$0x2], $0x8000, $0x38;
	[tilespmem:$0x10000] =	vst v63  }
0xe9: {  	s22 =	smov.u32 s21;
	s21 =	smov.u32 s20;
	s20 =	rddreg [dreg:$0x6]  }
0xea: {  	[hbm4b:s20+s2] =	stream.linear.scatter [tilespmem:s2], [sflag:$0x2], $0x8000, $0x38;
	[tilespmem:$0x10000] =	vst v63  }
0xeb: {  	s9 =	smov.u32 s7;
	s7 =	smov.u32 s6;
	s6 =	rddreg [dreg:$0x7]  }
0xec: {  	[hbm4b:s6+s2] =	stream.linear.scatter [tilespmem:s2], [sflag:$0x2], $0x8000, $0x38;
	[tilespmem:$0x10000] =	vst v63  }
0xed: {  	_ =	swait.ge [sflag:s31], $0x8000  }
0xee: {  	[sflag:s31] =	ssyncset.done $0x0  }
0xef: {  	[sflag:s31] =	ssyncadd.s32 $0xFFFF8000  }
0xf0: {  	_ =	swait.ge [sflag:s3], $0x8000  }
0xf1: {  	[sflag:s3] =	ssyncset.done $0x0  }
0xf2: {  	[sflag:s3] =	ssyncadd.s32 $0xFFFF8000  }
0xf3: {  	_ =	swait.ge [sflag:s3], $0x8000  }
0xf4: {  	[sflag:s3] =	ssyncset.done $0x0  }
0xf5: {  	[sflag:s3] =	ssyncadd.s32 $0xFFFF8000  }
0xf6: {  	_ =	swait.ge [sflag:s3], $0x8000  }
0xf7: {  	[sflag:s3] =	ssyncset.done $0x0  }
0xf8: {  	[sflag:s3] =	ssyncadd.s32 $0xFFFF8000  }
0xf9: {  	_ =	swait.ge [sflag:s3], $0x8000  }
0xfa: {  	s15 =	smov.u32 s13;
	s13 =	smov.u32 s12;
	[sflag:s3] =	ssyncset.done $0x0  }
0xfb: {  	s12 =	smov.u32 s11;
	s11 =	rddreg [dreg:$0x8];
	[sflag:s3] =	ssyncadd.s32 $0xFFFF8000  }
0xfc: {  	[tilespmem:s2], [sflag:$0x1] =	stream.linear.gather [hbm4b:s11+s2], $0x8000, $0x38;
	[tilespmem:$0x10000] =	vst v63  }
0xfd: {  	s14 =	simm.s32 $0x8000;
	s20 =	rddreg [dreg:$0x9]  }
0xfe: {  	[hbm4b:s20+s2] =	stream.linear.scatter [tilespmem:s14], [sflag:$0x2], $0x8000, $0x38;
	[tilespmem:$0x10000] =	vst v63  }
0xff: {  	s6 =	rddreg [dreg:$0xa]  }
0x100: {  	[hbm4b:s6+s2] =	stream.linear.scatter [tilespmem:s14], [sflag:$0x2], $0x8000, $0x38;
	[tilespmem:$0x10000] =	vst v63  }
0x101: {  	s11 =	rddreg [dreg:$0xb]  }
0x102: {  	[hbm4b:s11+s2] =	stream.linear.scatter [tilespmem:s14], [sflag:$0x2], $0x8000, $0x38;
	[tilespmem:$0x10000] =	vst v63  }
0x103: {  	s20 =	rddreg [dreg:$0xc]  }
0x104: {  	[hbm4b:s20+s2] =	stream.linear.scatter [tilespmem:s14], [sflag:$0x2], $0x8000, $0x38;
	[tilespmem:$0x10000] =	vst v63  }
0x105: {  	_ =	swait.ge [sflag:s31], $0x8000  }
0x106: {  	[sflag:s31] =	ssyncset.done $0x0  }
0x107: {  	[sflag:s31] =	ssyncadd.s32 $0xFFFF8000  }
0x108: {  	_ =	swait.ge [sflag:s3], $0x8000  }
0x109: {  	[sflag:s3] =	ssyncset.done $0x0  }
0x10a: {  	[sflag:s3] =	ssyncadd.s32 $0xFFFF8000  }
0x10b: {  	_ =	swait.ge [sflag:s3], $0x8000  }
0x10c: {  	[sflag:s3] =	ssyncset.done $0x0  }
0x10d: {  	[sflag:s3] =	ssyncadd.s32 $0xFFFF8000  }
0x10e: {  	_ =	swait.ge [sflag:s3], $0x8000  }
0x10f: {  	[sflag:s3] =	ssyncset.done $0x0  }
0x110: {  	[sflag:s3] =	ssyncadd.s32 $0xFFFF8000  }
0x111: {  	_ =	swait.ge [sflag:s3], $0x8000  }
0x112: {  	s6 =	rddreg [dreg:$0xd]  }
0x113: {  	s11 =	rddreg [dreg:$0xe]  }
0x114: {  	[sflag:s3] =	ssyncset.done $0x0;
	s20 =	rddreg [dreg:$0x10]  }
0x115: {  	s1 =	rddreg [dreg:$0x11];
	[sflag:s3] =	ssyncadd.s32 $0xFFFF8000  }
0x116: {  	[tilespmem:s14], [sflag:$0x1] =	stream.linear.gather [hbm4b:s6+s2], $0x8000, $0x38;
	[tilespmem:$0x10000] =	vst v63  }
0x117: {  	s4 =	rddreg [dreg:$0x12]  }
0x118: {  	[hbm4b:s11+s2] =	stream.linear.scatter [tilespmem:s2], [sflag:$0x2], $0x8000, $0x38;
	[tilespmem:$0x10000] =	vst v63  }
0x119: {  	s14 =	rddreg [dreg:$0xf]  }
0x11a: {  	[hbm4b:s14+s2] =	stream.linear.scatter [tilespmem:s2], [sflag:$0x2], $0x8000, $0x38;
	[tilespmem:$0x10000] =	vst v63  }
0x11b: {  	s6 =	smov.u32 s17;
	s17 =	rddreg [dreg:$0x15]  }
0x11c: {  	[hbm4b:s20+s2] =	stream.linear.scatter [tilespmem:s2], [sflag:$0x2], $0x8000, $0x38;
	[tilespmem:$0x10000] =	vst v63  }
0x11d: {  	s11 =	smov.u32 s16;
	s16 =	rddreg [dreg:$0x14];
	s14 =	smov.u32 s5  }
0x11e: {  	[hbm4b:s1+s2] =	stream.linear.scatter [tilespmem:s2], [sflag:$0x2], $0x8000, $0x38;
	[tilespmem:$0x10000] =	vst v63  }
0x11f: {  	s5 =	smov.u32 s10;
	s10 =	rddreg [dreg:$0x13];
	_ =	swait.ge [sflag:s31], $0x8000  }
0x120: {  	[sflag:s31] =	ssyncset.done $0x0  }
0x121: {  	[sflag:s31] =	ssyncadd.s32 $0xFFFF8000  }
0x122: {  	_ =	swait.ge [sflag:s3], $0x8000  }
0x123: {  	[sflag:s3] =	ssyncset.done $0x0  }
0x124: {  	[sflag:s3] =	ssyncadd.s32 $0xFFFF8000  }
0x125: {  	_ =	swait.ge [sflag:s3], $0x8000  }
0x126: {  	[sflag:s3] =	ssyncset.done $0x0  }
0x127: {  	[sflag:s3] =	ssyncadd.s32 $0xFFFF8000  }
0x128: {  	_ =	swait.ge [sflag:s3], $0x8000  }
0x129: {  	[sflag:s3] =	ssyncset.done $0x0  }
0x12a: {  	s20 =	smov.u32 s21;
	s21 =	smov.u32 s22;
	[sflag:s3] =	ssyncadd.s32 $0xFFFF8000  }
0x12b: {  	s22 =	smov.u32 s23;
	s23 =	smov.u32 s24;
	_ =	swait.ge [sflag:s3], $0x8000  }
0x12c: {  	s24 =	smov.u32 s25;
	s25 =	smov.u32 s26;
	[sflag:s3] =	ssyncset.done $0x0  }
0x12d: {  	s26 =	smov.u32 s28;
	s28 =	smov.u32 s29;
	[sflag:s3] =	ssyncadd.s32 $0xFFFF8000  }
0x12e: {  	[tilespmem:s2], [sflag:$0x1] =	stream.linear.gather [hbm4b:s25+s2], $0x8000, $0x38;
	[tilespmem:$0x10000] =	vst v63  }
0x12f: {  	s29 =	smov.u32 s30;
	s30 =	smov.u32 s8;
	s8 =	simm.s32 $0x8000  }
0x130: {  	[hbm4b:s26+s2] =	stream.linear.scatter [tilespmem:s8], [sflag:$0x2], $0x8000, $0x38;
	[tilespmem:$0x10000] =	vst v63  }
0x131: {  	_ = 	snop  }
0x132: {  	[hbm4b:s28+s2] =	stream.linear.scatter [tilespmem:s8], [sflag:$0x2], $0x8000, $0x38;
	[tilespmem:$0x10000] =	vst v63  }
0x133: {  	_ = 	snop  }
0x134: {  	[hbm4b:s29+s2] =	stream.linear.scatter [tilespmem:s8], [sflag:$0x2], $0x8000, $0x38;
	[tilespmem:$0x10000] =	vst v63  }
0x135: {  	_ = 	snop  }
0x136: {  	[hbm4b:s30+s2] =	stream.linear.scatter [tilespmem:s8], [sflag:$0x2], $0x8000, $0x38;
	[tilespmem:$0x10000] =	vst v63  }
0x137: {  	_ =	swait.ge [sflag:s31], $0x8000  }
0x138: {  	[sflag:s31] =	ssyncset.done $0x0  }
0x139: {  	[sflag:s31] =	ssyncadd.s32 $0xFFFF8000  }
0x13a: {  	_ =	swait.ge [sflag:s3], $0x8000  }
0x13b: {  	[sflag:s3] =	ssyncset.done $0x0  }
0x13c: {  	[sflag:s3] =	ssyncadd.s32 $0xFFFF8000  }
0x13d: {  	_ =	swait.ge [sflag:s3], $0x8000  }
0x13e: {  	[sflag:s3] =	ssyncset.done $0x0  }
0x13f: {  	[sflag:s3] =	ssyncadd.s32 $0xFFFF8000  }
0x140: {  	_ =	swait.ge [sflag:s3], $0x8000  }
0x141: {  	[sflag:s3] =	ssyncset.done $0x0  }
0x142: {  	[sflag:s3] =	ssyncadd.s32 $0xFFFF8000  }
0x143: {  	_ =	swait.ge [sflag:s3], $0x8000  }
0x144: {  	[sflag:s3] =	ssyncset.done $0x0  }
0x145: {  	[sflag:s3] =	ssyncadd.s32 $0xFFFF8000  }
0x146: {  	[tilespmem:s8], [sflag:$0x1] =	stream.linear.gather [hbm4b:s20+s2], $0x8000, $0x38;
	[tilespmem:$0x10000] =	vst v63  }
0x147: {  	_ = 	snop  }
0x148: {  	[hbm4b:s21+s2] =	stream.linear.scatter [tilespmem:s2], [sflag:$0x2], $0x8000, $0x38;
	[tilespmem:$0x10000] =	vst v63  }
0x149: {  	_ = 	snop  }
0x14a: {  	[hbm4b:s22+s2] =	stream.linear.scatter [tilespmem:s2], [sflag:$0x2], $0x8000, $0x38;
	[tilespmem:$0x10000] =	vst v63  }
0x14b: {  	_ = 	snop  }
0x14c: {  	[hbm4b:s23+s2] =	stream.linear.scatter [tilespmem:s2], [sflag:$0x2], $0x8000, $0x38;
	[tilespmem:$0x10000] =	vst v63  }
0x14d: {  	_ = 	snop  }
0x14e: {  	[hbm4b:s24+s2] =	stream.linear.scatter [tilespmem:s2], [sflag:$0x2], $0x8000, $0x38;
	[tilespmem:$0x10000] =	vst v63  }
0x14f: {  	_ =	swait.ge [sflag:s31], $0x8000  }
0x150: {  	[sflag:s31] =	ssyncset.done $0x0  }
0x151: {  	[sflag:s31] =	ssyncadd.s32 $0xFFFF8000  }
0x152: {  	_ =	swait.ge [sflag:s3], $0x8000  }
0x153: {  	[sflag:s3] =	ssyncset.done $0x0  }
0x154: {  	[sflag:s3] =	ssyncadd.s32 $0xFFFF8000  }
0x155: {  	_ =	swait.ge [sflag:s3], $0x8000  }
0x156: {  	[sflag:s3] =	ssyncset.done $0x0  }
0x157: {  	[sflag:s3] =	ssyncadd.s32 $0xFFFF8000  }
0x158: {  	_ =	swait.ge [sflag:s3], $0x8000  }
0x159: {  	[sflag:s3] =	ssyncset.done $0x0  }
0x15a: {  	[sflag:s3] =	ssyncadd.s32 $0xFFFF8000  }
0x15b: {  	_ =	swait.ge [sflag:s3], $0x8000  }
0x15c: {  	[sflag:s3] =	ssyncset.done $0x0  }
0x15d: {  	[sflag:s3] =	ssyncadd.s32 $0xFFFF8000  }
0x15e: {  	[tilespmem:s2], [sflag:$0x1] =	stream.linear.gather [hbm4b:s10+s2], $0x8000, $0x38;
	[tilespmem:$0x10000] =	vst v63  }
0x15f: {  	_ = 	snop  }
0x160: {  	[hbm4b:s16+s2] =	stream.linear.scatter [tilespmem:s8], [sflag:$0x2], $0x8000, $0x38;
	[tilespmem:$0x10000] =	vst v63  }
0x161: {  	_ = 	snop  }
0x162: {  	[hbm4b:s17+s2] =	stream.linear.scatter [tilespmem:s8], [sflag:$0x2], $0x8000, $0x38;
	[tilespmem:$0x10000] =	vst v63  }
0x163: {  	_ = 	snop  }
0x164: {  	[hbm4b:s18+s2] =	stream.linear.scatter [tilespmem:s8], [sflag:$0x2], $0x8000, $0x38;
	[tilespmem:$0x10000] =	vst v63  }
0x165: {  	_ = 	snop  }
0x166: {  	[hbm4b:s19+s2] =	stream.linear.scatter [tilespmem:s8], [sflag:$0x2], $0x8000, $0x38;
	[tilespmem:$0x10000] =	vst v63  }
0x167: {  	_ =	swait.ge [sflag:s31], $0x8000  }
0x168: {  	[sflag:s31] =	ssyncset.done $0x0  }
0x169: {  	[sflag:s31] =	ssyncadd.s32 $0xFFFF8000  }
0x16a: {  	_ =	swait.ge [sflag:s3], $0x8000  }
0x16b: {  	[sflag:s3] =	ssyncset.done $0x0  }
0x16c: {  	[sflag:s3] =	ssyncadd.s32 $0xFFFF8000  }
0x16d: {  	_ =	swait.ge [sflag:s3], $0x8000  }
0x16e: {  	[sflag:s3] =	ssyncset.done $0x0  }
0x16f: {  	[sflag:s3] =	ssyncadd.s32 $0xFFFF8000  }
0x170: {  	_ =	swait.ge [sflag:s3], $0x8000  }
0x171: {  	[sflag:s3] =	ssyncset.done $0x0  }
0x172: {  	[sflag:s3] =	ssyncadd.s32 $0xFFFF8000  }
0x173: {  	_ =	swait.ge [sflag:s3], $0x8000  }
0x174: {  	[sflag:s3] =	ssyncset.done $0x0  }
0x175: {  	[sflag:s3] =	ssyncadd.s32 $0xFFFF8000  }
0x176: {  	[tilespmem:s8], [sflag:$0x1] =	stream.linear.gather [hbm4b:s5+s2], $0x8000, $0x38;
	[tilespmem:$0x10000] =	vst v63  }
0x177: {  	_ = 	snop  }
0x178: {  	[hbm4b:s11+s2] =	stream.linear.scatter [tilespmem:s2], [sflag:$0x2], $0x8000, $0x38;
	[tilespmem:$0x10000] =	vst v63  }
0x179: {  	_ = 	snop  }
0x17a: {  	[hbm4b:s12+s2] =	stream.linear.scatter [tilespmem:s2], [sflag:$0x2], $0x8000, $0x38;
	[tilespmem:$0x10000] =	vst v63  }
0x17b: {  	_ = 	snop  }
0x17c: {  	[hbm4b:s13+s2] =	stream.linear.scatter [tilespmem:s2], [sflag:$0x2], $0x8000, $0x38;
	[tilespmem:$0x10000] =	vst v63  }
0x17d: {  	_ = 	snop  }
0x17e: {  	[hbm4b:s15+s2] =	stream.linear.scatter [tilespmem:s2], [sflag:$0x2], $0x8000, $0x38;
	[tilespmem:$0x10000] =	vst v63  }
0x17f: {  	_ =	swait.ge [sflag:s31], $0x8000  }
0x180: {  	[sflag:s31] =	ssyncset.done $0x0  }
0x181: {  	[sflag:s31] =	ssyncadd.s32 $0xFFFF8000  }
0x182: {  	_ =	swait.ge [sflag:s3], $0x8000  }
0x183: {  	[sflag:s3] =	ssyncset.done $0x0  }
0x184: {  	[sflag:s3] =	ssyncadd.s32 $0xFFFF8000  }
0x185: {  	_ =	swait.ge [sflag:s3], $0x8000  }
0x186: {  	[sflag:s3] =	ssyncset.done $0x0  }
0x187: {  	[sflag:s3] =	ssyncadd.s32 $0xFFFF8000  }
0x188: {  	_ =	swait.ge [sflag:s3], $0x8000  }
0x189: {  	[sflag:s3] =	ssyncset.done $0x0  }
0x18a: {  	[sflag:s3] =	ssyncadd.s32 $0xFFFF8000  }
0x18b: {  	_ =	swait.ge [sflag:s3], $0x8000  }
0x18c: {  	[sflag:s3] =	ssyncset.done $0x0  }
0x18d: {  	[sflag:s3] =	ssyncadd.s32 $0xFFFF8000  }
0x18e: {  	[hbm4b:s14+s2] =	stream.linear.scatter [tilespmem:s8], [sflag:$0x2], $0x8000, $0x38;
	[tilespmem:$0x10000] =	vst v63  }
0x18f: {  	_ = 	snop  }
0x190: {  	[hbm4b:s6+s2] =	stream.linear.scatter [tilespmem:s8], [sflag:$0x2], $0x8000, $0x38;
	[tilespmem:$0x10000] =	vst v63  }
0x191: {  	_ = 	snop  }
0x192: {  	[hbm4b:s7+s2] =	stream.linear.scatter [tilespmem:s8], [sflag:$0x2], $0x8000, $0x38;
	[tilespmem:$0x10000] =	vst v63  }
0x193: {  	_ = 	snop  }
0x194: {  	[hbm4b:s9+s2] =	stream.linear.scatter [tilespmem:s8], [sflag:$0x2], $0x8000, $0x38;
	[tilespmem:$0x10000] =	vst v63  }
0x195: {  	_ =	swait.ge [sflag:s3], $0x8000  }
0x196: {  	[sflag:s3] =	ssyncset.done $0x0  }
0x197: {  	[sflag:s3] =	ssyncadd.s32 $0xFFFF8000  }
0x198: {  	_ =	swait.ge [sflag:s3], $0x8000  }
0x199: {  	p1 =	sne.s32 s0, $0x1;
	[sflag:s3] =	ssyncset.done $0x0  }
0x19a: {  	s0 =	sadd.s32 $0xFFFFFFFF, s0;
	s10 =	smov.u32 s5;
	[sflag:s3] =	ssyncadd.s32 $0xFFFF8000  }
.Ltmp2:
0x19b: {  	s16 =	smov.u32 s11;
	_ =	swait.ge [sflag:s3], $0x8000;
	(pc) =	sbr.rel @p1 .LBB2_2-.Ltmp2, $4  }
0x19c: {  	s17 =	smov.u32 s6;
	s5 =	smov.u32 s14;
	[sflag:s3] =	ssyncset.done $0x0  }
0x19d: {  	s11 =	smov.u32 s12;
	s12 =	smov.u32 s13;
	[sflag:s3] =	ssyncadd.s32 $0xFFFF8000  }
0x19e: {  	s13 =	smov.u32 s15;
	s6 =	smov.u32 s7;
	_ =	swait.ge [sflag:s3], $0x8000  }
0x19f: {  	s7 =	smov.u32 s9;
	s1 =	rddreg [dreg:$0x3];
	[sflag:s3] =	ssyncset.done $0x0  }
.LBB2_3:
0x1a0: {  	[sflag:s3] =	ssyncadd.s32 @p0 $0xFFFF8000  }
0x1a1: {  	[tilespmem:s2], [sflag:$0x1] =	stream.linear.gather [hbm4b:s1+s2], $0x8000, $0x38;
	[tilespmem:$0x10000] =	vst v63  }
0x1a2: {  	_ =	swait.ge [sflag:s31], $0x8000  }
0x1a3: {  	[sflag:s31] =	ssyncset.done $0x0  }
0x1a4: {  	s0 =	rddreg [dreg:$0x4];
	[sflag:s31] =	ssyncadd.s32 $0xFFFF8000  }
0x1a5: {  	[tilespmem:s8], [sflag:$0x1] =	stream.linear.gather [hbm4b:s0+s2], $0x8000, $0x38;
	[tilespmem:$0x10000] =	vst v63  }
0x1a6: {  	_ = 	snop  }
0x1a7: {  	[hbm4b:s4+s2] =	stream.linear.scatter [tilespmem:s2], [sflag:$0x2], $0x8000, $0x38;
	[tilespmem:$0x10000] =	vst v63  }
0x1a8: {  	s9 =	rddreg [dreg:$0x5]  }
0x1a9: {  	[hbm4b:s9+s2] =	stream.linear.scatter [tilespmem:s2], [sflag:$0x2], $0x8000, $0x38;
	[tilespmem:$0x10000] =	vst v63  }
0x1aa: {  	s14 =	rddreg [dreg:$0x6]  }
0x1ab: {  	[hbm4b:s14+s2] =	stream.linear.scatter [tilespmem:s2], [sflag:$0x2], $0x8000, $0x38;
	[tilespmem:$0x10000] =	vst v63  }
0x1ac: {  	s15 =	rddreg [dreg:$0x7]  }
0x1ad: {  	[hbm4b:s15+s2] =	stream.linear.scatter [tilespmem:s2], [sflag:$0x2], $0x8000, $0x38;
	[tilespmem:$0x10000] =	vst v63  }
0x1ae: {  	_ =	swait.ge [sflag:s31], $0x8000  }
0x1af: {  	[sflag:s31] =	ssyncset.done $0x0  }
0x1b0: {  	[sflag:s31] =	ssyncadd.s32 $0xFFFF8000  }
0x1b1: {  	_ =	swait.ge [sflag:s3], $0x8000  }
0x1b2: {  	[sflag:s3] =	ssyncset.done $0x0  }
0x1b3: {  	[sflag:s3] =	ssyncadd.s32 $0xFFFF8000  }
0x1b4: {  	_ =	swait.ge [sflag:s3], $0x8000  }
0x1b5: {  	[sflag:s3] =	ssyncset.done $0x0  }
0x1b6: {  	[sflag:s3] =	ssyncadd.s32 $0xFFFF8000  }
0x1b7: {  	_ =	swait.ge [sflag:s3], $0x8000  }
0x1b8: {  	[sflag:s3] =	ssyncset.done $0x0  }
0x1b9: {  	[sflag:s3] =	ssyncadd.s32 $0xFFFF8000  }
0x1ba: {  	_ =	swait.ge [sflag:s3], $0x8000  }
0x1bb: {  	[sflag:s3] =	ssyncset.done $0x0  }
0x1bc: {  	s1 =	rddreg [dreg:$0x8];
	[sflag:s3] =	ssyncadd.s32 $0xFFFF8000  }
0x1bd: {  	[tilespmem:s2], [sflag:$0x1] =	stream.linear.gather [hbm4b:s1+s2], $0x8000, $0x38;
	[tilespmem:$0x10000] =	vst v63  }
0x1be: {  	s4 =	rddreg [dreg:$0x9]  }
0x1bf: {  	[hbm4b:s4+s2] =	stream.linear.scatter [tilespmem:s8], [sflag:$0x2], $0x8000, $0x38;
	[tilespmem:$0x10000] =	vst v63  }
0x1c0: {  	s9 =	rddreg [dreg:$0xa]  }
0x1c1: {  	[hbm4b:s9+s2] =	stream.linear.scatter [tilespmem:s8], [sflag:$0x2], $0x8000, $0x38;
	[tilespmem:$0x10000] =	vst v63  }
0x1c2: {  	s14 =	rddreg [dreg:$0xb]  }
0x1c3: {  	[hbm4b:s14+s2] =	stream.linear.scatter [tilespmem:s8], [sflag:$0x2], $0x8000, $0x38;
	[tilespmem:$0x10000] =	vst v63  }
0x1c4: {  	s15 =	rddreg [dreg:$0xc]  }
0x1c5: {  	[hbm4b:s15+s2] =	stream.linear.scatter [tilespmem:s8], [sflag:$0x2], $0x8000, $0x38;
	[tilespmem:$0x10000] =	vst v63  }
0x1c6: {  	_ =	swait.ge [sflag:s31], $0x8000  }
0x1c7: {  	[sflag:s31] =	ssyncset.done $0x0  }
0x1c8: {  	[sflag:s31] =	ssyncadd.s32 $0xFFFF8000  }
0x1c9: {  	_ =	swait.ge [sflag:s3], $0x8000  }
0x1ca: {  	[sflag:s3] =	ssyncset.done $0x0  }
0x1cb: {  	[sflag:s3] =	ssyncadd.s32 $0xFFFF8000  }
0x1cc: {  	_ =	swait.ge [sflag:s3], $0x8000  }
0x1cd: {  	[sflag:s3] =	ssyncset.done $0x0  }
0x1ce: {  	[sflag:s3] =	ssyncadd.s32 $0xFFFF8000  }
0x1cf: {  	_ =	swait.ge [sflag:s3], $0x8000  }
0x1d0: {  	[sflag:s3] =	ssyncset.done $0x0  }
0x1d1: {  	[sflag:s3] =	ssyncadd.s32 $0xFFFF8000  }
0x1d2: {  	_ =	swait.ge [sflag:s3], $0x8000  }
0x1d3: {  	[sflag:s3] =	ssyncset.done $0x0  }
0x1d4: {  	s1 =	rddreg [dreg:$0xd];
	[sflag:s3] =	ssyncadd.s32 $0xFFFF8000  }
0x1d5: {  	[tilespmem:s8], [sflag:$0x1] =	stream.linear.gather [hbm4b:s1+s2], $0x8000, $0x38;
	[tilespmem:$0x10000] =	vst v63  }
0x1d6: {  	s4 =	rddreg [dreg:$0xe]  }
0x1d7: {  	[hbm4b:s4+s2] =	stream.linear.scatter [tilespmem:s2], [sflag:$0x2], $0x8000, $0x38;
	[tilespmem:$0x10000] =	vst v63  }
0x1d8: {  	s9 =	rddreg [dreg:$0xf]  }
0x1d9: {  	[hbm4b:s9+s2] =	stream.linear.scatter [tilespmem:s2], [sflag:$0x2], $0x8000, $0x38;
	[tilespmem:$0x10000] =	vst v63  }
0x1da: {  	s14 =	rddreg [dreg:$0x10]  }
0x1db: {  	[hbm4b:s14+s2] =	stream.linear.scatter [tilespmem:s2], [sflag:$0x2], $0x8000, $0x38;
	[tilespmem:$0x10000] =	vst v63  }
0x1dc: {  	s15 =	rddreg [dreg:$0x11]  }
0x1dd: {  	[hbm4b:s15+s2] =	stream.linear.scatter [tilespmem:s2], [sflag:$0x2], $0x8000, $0x38;
	[tilespmem:$0x10000] =	vst v63  }
0x1de: {  	_ =	swait.ge [sflag:s31], $0x8000  }
0x1df: {  	[sflag:s31] =	ssyncset.done $0x0  }
0x1e0: {  	[sflag:s31] =	ssyncadd.s32 $0xFFFF8000  }
0x1e1: {  	_ =	swait.ge [sflag:s3], $0x8000  }
0x1e2: {  	[sflag:s3] =	ssyncset.done $0x0  }
0x1e3: {  	[sflag:s3] =	ssyncadd.s32 $0xFFFF8000  }
0x1e4: {  	_ =	swait.ge [sflag:s3], $0x8000  }
0x1e5: {  	[sflag:s3] =	ssyncset.done $0x0  }
0x1e6: {  	[sflag:s3] =	ssyncadd.s32 $0xFFFF8000  }
0x1e7: {  	_ =	swait.ge [sflag:s3], $0x8000  }
0x1e8: {  	[sflag:s3] =	ssyncset.done $0x0  }
0x1e9: {  	[sflag:s3] =	ssyncadd.s32 $0xFFFF8000  }
0x1ea: {  	_ =	swait.ge [sflag:s3], $0x8000  }
0x1eb: {  	[sflag:s3] =	ssyncset.done $0x0  }
0x1ec: {  	[sflag:s3] =	ssyncadd.s32 $0xFFFF8000  }
0x1ed: {  	[tilespmem:s2], [sflag:$0x1] =	stream.linear.gather [hbm4b:s25+s2], $0x8000, $0x38;
	[tilespmem:$0x10000] =	vst v63  }
0x1ee: {  	_ = 	snop  }
0x1ef: {  	[hbm4b:s26+s2] =	stream.linear.scatter [tilespmem:s8], [sflag:$0x2], $0x8000, $0x38;
	[tilespmem:$0x10000] =	vst v63  }
0x1f0: {  	_ = 	snop  }
0x1f1: {  	[hbm4b:s28+s2] =	stream.linear.scatter [tilespmem:s8], [sflag:$0x2], $0x8000, $0x38;
	[tilespmem:$0x10000] =	vst v63  }
0x1f2: {  	_ = 	snop  }
0x1f3: {  	[hbm4b:s29+s2] =	stream.linear.scatter [tilespmem:s8], [sflag:$0x2], $0x8000, $0x38;
	[tilespmem:$0x10000] =	vst v63  }
0x1f4: {  	_ = 	snop  }
0x1f5: {  	[hbm4b:s30+s2] =	stream.linear.scatter [tilespmem:s8], [sflag:$0x2], $0x8000, $0x38;
	[tilespmem:$0x10000] =	vst v63  }
0x1f6: {  	_ =	swait.ge [sflag:s31], $0x8000  }
0x1f7: {  	[sflag:s31] =	ssyncset.done $0x0  }
0x1f8: {  	[sflag:s31] =	ssyncadd.s32 $0xFFFF8000  }
0x1f9: {  	_ =	swait.ge [sflag:s3], $0x8000  }
0x1fa: {  	[sflag:s3] =	ssyncset.done $0x0  }
0x1fb: {  	[sflag:s3] =	ssyncadd.s32 $0xFFFF8000  }
0x1fc: {  	_ =	swait.ge [sflag:s3], $0x8000  }
0x1fd: {  	[sflag:s3] =	ssyncset.done $0x0  }
0x1fe: {  	[sflag:s3] =	ssyncadd.s32 $0xFFFF8000  }
0x1ff: {  	_ =	swait.ge [sflag:s3], $0x8000  }
0x200: {  	[sflag:s3] =	ssyncset.done $0x0  }
0x201: {  	[sflag:s3] =	ssyncadd.s32 $0xFFFF8000  }
0x202: {  	_ =	swait.ge [sflag:s3], $0x8000  }
0x203: {  	[sflag:s3] =	ssyncset.done $0x0  }
0x204: {  	[sflag:s3] =	ssyncadd.s32 $0xFFFF8000  }
0x205: {  	[tilespmem:s8], [sflag:$0x1] =	stream.linear.gather [hbm4b:s20+s2], $0x8000, $0x38;
	[tilespmem:$0x10000] =	vst v63  }
0x206: {  	_ = 	snop  }
0x207: {  	[hbm4b:s21+s2] =	stream.linear.scatter [tilespmem:s2], [sflag:$0x2], $0x8000, $0x38;
	[tilespmem:$0x10000] =	vst v63  }
0x208: {  	_ = 	snop  }
0x209: {  	[hbm4b:s22+s2] =	stream.linear.scatter [tilespmem:s2], [sflag:$0x2], $0x8000, $0x38;
	[tilespmem:$0x10000] =	vst v63  }
0x20a: {  	_ = 	snop  }
0x20b: {  	[hbm4b:s23+s2] =	stream.linear.scatter [tilespmem:s2], [sflag:$0x2], $0x8000, $0x38;
	[tilespmem:$0x10000] =	vst v63  }
0x20c: {  	_ = 	snop  }
0x20d: {  	[hbm4b:s24+s2] =	stream.linear.scatter [tilespmem:s2], [sflag:$0x2], $0x8000, $0x38;
	[tilespmem:$0x10000] =	vst v63  }
0x20e: {  	_ =	swait.ge [sflag:s31], $0x8000  }
0x20f: {  	[sflag:s31] =	ssyncset.done $0x0  }
0x210: {  	[sflag:s31] =	ssyncadd.s32 $0xFFFF8000  }
0x211: {  	_ =	swait.ge [sflag:s3], $0x8000  }
0x212: {  	[sflag:s3] =	ssyncset.done $0x0  }
0x213: {  	[sflag:s3] =	ssyncadd.s32 $0xFFFF8000  }
0x214: {  	_ =	swait.ge [sflag:s3], $0x8000  }
0x215: {  	[sflag:s3] =	ssyncset.done $0x0  }
0x216: {  	[sflag:s3] =	ssyncadd.s32 $0xFFFF8000  }
0x217: {  	_ =	swait.ge [sflag:s3], $0x8000  }
0x218: {  	[sflag:s3] =	ssyncset.done $0x0  }
0x219: {  	[sflag:s3] =	ssyncadd.s32 $0xFFFF8000  }
0x21a: {  	_ =	swait.ge [sflag:s3], $0x8000  }
0x21b: {  	[sflag:s3] =	ssyncset.done $0x0  }
0x21c: {  	s28 =	rddreg [dreg:$0x13];
	[sflag:s3] =	ssyncadd.s32 $0xFFFF8000  }
0x21d: {  	[tilespmem:s2], [sflag:$0x1] =	stream.linear.gather [hbm4b:s28+s2], $0x8000, $0x38;
	[tilespmem:$0x10000] =	vst v63  }
0x21e: {  	s29 =	rddreg [dreg:$0x14]  }
0x21f: {  	[hbm4b:s29+s2] =	stream.linear.scatter [tilespmem:s8], [sflag:$0x2], $0x8000, $0x38;
	[tilespmem:$0x10000] =	vst v63  }
0x220: {  	s30 =	rddreg [dreg:$0x15]  }
0x221: {  	[hbm4b:s30+s2] =	stream.linear.scatter [tilespmem:s8], [sflag:$0x2], $0x8000, $0x38;
	[tilespmem:$0x10000] =	vst v63  }
0x222: {  	_ = 	snop  }
0x223: {  	[hbm4b:s18+s2] =	stream.linear.scatter [tilespmem:s8], [sflag:$0x2], $0x8000, $0x38;
	[tilespmem:$0x10000] =	vst v63  }
0x224: {  	_ = 	snop  }
0x225: {  	[hbm4b:s19+s2] =	stream.linear.scatter [tilespmem:s8], [sflag:$0x2], $0x8000, $0x38;
	[tilespmem:$0x10000] =	vst v63  }
0x226: {  	_ =	swait.ge [sflag:s31], $0x8000  }
0x227: {  	[sflag:s31] =	ssyncset.done $0x0  }
0x228: {  	[sflag:s31] =	ssyncadd.s32 $0xFFFF8000  }
0x229: {  	_ =	swait.ge [sflag:s3], $0x8000  }
0x22a: {  	[sflag:s3] =	ssyncset.done $0x0  }
0x22b: {  	[sflag:s3] =	ssyncadd.s32 $0xFFFF8000  }
0x22c: {  	_ =	swait.ge [sflag:s3], $0x8000  }
0x22d: {  	[sflag:s3] =	ssyncset.done $0x0  }
0x22e: {  	[sflag:s3] =	ssyncadd.s32 $0xFFFF8000  }
0x22f: {  	_ =	swait.ge [sflag:s3], $0x8000  }
0x230: {  	[sflag:s3] =	ssyncset.done $0x0  }
0x231: {  	[sflag:s3] =	ssyncadd.s32 $0xFFFF8000  }
0x232: {  	_ =	swait.ge [sflag:s3], $0x8000  }
0x233: {  	[sflag:s3] =	ssyncset.done $0x0  }
0x234: {  	[sflag:s3] =	ssyncadd.s32 $0xFFFF8000  }
0x235: {  	[tilespmem:s8], [sflag:$0x1] =	stream.linear.gather [hbm4b:s10+s2], $0x8000, $0x38;
	[tilespmem:$0x10000] =	vst v63  }
0x236: {  	_ = 	snop  }
0x237: {  	[hbm4b:s16+s2] =	stream.linear.scatter [tilespmem:s2], [sflag:$0x2], $0x8000, $0x38;
	[tilespmem:$0x10000] =	vst v63  }
0x238: {  	_ = 	snop  }
0x239: {  	[hbm4b:s11+s2] =	stream.linear.scatter [tilespmem:s2], [sflag:$0x2], $0x8000, $0x38;
	[tilespmem:$0x10000] =	vst v63  }
0x23a: {  	_ = 	snop  }
0x23b: {  	[hbm4b:s12+s2] =	stream.linear.scatter [tilespmem:s2], [sflag:$0x2], $0x8000, $0x38;
	[tilespmem:$0x10000] =	vst v63  }
0x23c: {  	_ = 	snop  }
0x23d: {  	[hbm4b:s13+s2] =	stream.linear.scatter [tilespmem:s2], [sflag:$0x2], $0x8000, $0x38;
	[tilespmem:$0x10000] =	vst v63  }
0x23e: {  	_ =	swait.ge [sflag:s31], $0x8000  }
0x23f: {  	[sflag:s31] =	ssyncset.done $0x0  }
0x240: {  	[sflag:s31] =	ssyncadd.s32 $0xFFFF8000  }
0x241: {  	_ =	swait.ge [sflag:s3], $0x8000  }
0x242: {  	[sflag:s3] =	ssyncset.done $0x0  }
0x243: {  	[sflag:s3] =	ssyncadd.s32 $0xFFFF8000  }
0x244: {  	_ =	swait.ge [sflag:s3], $0x8000  }
0x245: {  	[sflag:s3] =	ssyncset.done $0x0  }
0x246: {  	[sflag:s3] =	ssyncadd.s32 $0xFFFF8000  }
0x247: {  	_ =	swait.ge [sflag:s3], $0x8000  }
0x248: {  	[sflag:s3] =	ssyncset.done $0x0  }
0x249: {  	[sflag:s3] =	ssyncadd.s32 $0xFFFF8000  }
0x24a: {  	_ =	swait.ge [sflag:s3], $0x8000  }
0x24b: {  	[sflag:s3] =	ssyncset.done $0x0  }
0x24c: {  	[sflag:s3] =	ssyncadd.s32 $0xFFFF8000  }
0x24d: {  	[hbm4b:s5+s2] =	stream.linear.scatter [tilespmem:s8], [sflag:$0x2], $0x8000, $0x38;
	[tilespmem:$0x10000] =	vst v63  }
0x24e: {  	_ = 	snop  }
0x24f: {  	[hbm4b:s17+s2] =	stream.linear.scatter [tilespmem:s8], [sflag:$0x2], $0x8000, $0x38;
	[tilespmem:$0x10000] =	vst v63  }
0x250: {  	_ = 	snop  }
0x251: {  	[hbm4b:s6+s2] =	stream.linear.scatter [tilespmem:s8], [sflag:$0x2], $0x8000, $0x38;
	[tilespmem:$0x10000] =	vst v63  }
0x252: {  	_ = 	snop  }
0x253: {  	[hbm4b:s7+s2] =	stream.linear.scatter [tilespmem:s8], [sflag:$0x2], $0x8000, $0x38;
	[tilespmem:$0x10000] =	vst v63  }
0x254: {  	_ =	swait.ge [sflag:s3], $0x8000  }
0x255: {  	[sflag:s3] =	ssyncset.done $0x0  }
0x256: {  	[sflag:s3] =	ssyncadd.s32 $0xFFFF8000  }
0x257: {  	_ =	swait.ge [sflag:s3], $0x8000  }
0x258: {  	[sflag:s3] =	ssyncset.done $0x0  }
0x259: {  	[sflag:s3] =	ssyncadd.s32 $0xFFFF8000  }
0x25a: {  	_ =	swait.ge [sflag:s3], $0x8000  }
0x25b: {  	[sflag:s3] =	ssyncset.done $0x0  }
0x25c: {  	[sflag:s3] =	ssyncadd.s32 $0xFFFF8000  }
0x25d: {  	_ =	swait.ge [sflag:s3], $0x8000  }
0x25e: {  	[sflag:s3] =	ssyncset.done $0x0  }
0x25f: {  	[sflag:s3] =	ssyncadd.s32 $0xFFFF8000  }
0x260: {  	_ =	sfence.sel $0x180000  }
0x261: {  	[bflag:$0x0] =	sbarrier.arrive $0xFFFF  }
0x262: {  	_ =	strace $0x90000047  }
0x263: {  	s31 =	stileid.u32;
	[bflag:$0x2] =	sbarrier.arrive $0xFFFF  }
0x264: {  	p0 =	sne.s32 s31, $0x0;
	s0 =	rddreg [dreg:$0x2]  }
0x265: {  	s0 =	sadd.s32 @!p0 $0x100000, s0  }
0x266: {  	[sflag:s0] =	ssyncadd.tile.s32 @!p0 $0x1;
	_ =	shalt  }
.Lfunc_end2:
_tile_overlayer_lowered:
.L_overlay_start_2:
0x267: {  	(tag) =	ssettag $0x2  }
0x268: {  	s0 =	rddreg [dreg:$0x0];
	s2 =	stileid.u32  }
0x269: {  	s1 =	rddreg [dreg:$0x1];
	p0 =	sne.s32 s2, $0x0  }
0x26a: {  	s3 =	rddreg [dreg:$0x2];
	[bflag:$0x3] =	sbarrier.arrive $0xFFFF;
	s2 =	simm.s32 @!p0 $0x1C03  }
0x26b: {  	[timem:s3], [sflag:s2] =	dma.local @!p0 [hbm:s0], s1  }
0x26c: {  	s0 =	simm.s32 @!p0 $0x3  }
0x26d: {  	_ =	swait.ge @!p0 [sflag:s0], s1  }
0x26e: {  	s1 =	ssub.s32 @!p0 $0x0, s1;
	[sflag:s0] =	ssyncset.done @!p0 $0x0  }
0x26f: {  	[sflag:s0] =	ssyncadd.s32 @!p0 s1  }
0x270: {  	[bflag:$0x3] =	sbarrier.arrive $0xFFFF  }
0x271: {  	_ =	shalt  }

</sc_bundles>
